<compile_context>
chip_gen: v7x
topology: tpu7x:2x2x1
jax: 0.10.2.dev20260603
libtpu: 0.0.44.dev20260713+nightly
codegen_flags: <defaults>
</compile_context>

<pallas_src>
import jax
import jax.numpy as jnp
from jax import lax
from jax.experimental import pallas as pl
from jax.experimental.pallas import tpu as pltpu
from jax.experimental.pallas import tpu_sc as plsc

_N_ENT = 1000001
_DIM = 64
_PITCH = 128
_MARGIN = 1.0
_BATCH = 16384

_NC = 2
_NS = 16
_NW = _NC * _NS
_BW = _BATCH // _NW
_SB = 128
_NSB = _BW // _SB
_NCH = _NSB
_NG = _SB // 16

_TBLK = 24576
_TGRID = (_N_ENT + _TBLK - 1) // _TBLK


def _tc_stage_body(ent_ref, rel_ref, o_ref):
    x = ent_ref[...]
    inv = lax.rsqrt(jnp.sum(x * x, axis=0, keepdims=True))
    o_ref[...] = jnp.concatenate(
        [x * inv, rel_ref[...]], axis=0).T


_tc_stage = pl.pallas_call(
    _tc_stage_body,
    grid=(_TGRID,),
    in_specs=[
        pl.BlockSpec((_DIM, _TBLK), lambda i: (0, i)),
        pl.BlockSpec((_DIM, _TBLK), lambda i: (0, i)),
    ],
    out_specs=pl.BlockSpec((_TBLK, _PITCH), lambda i: (i, 0)),
    out_shape=jax.ShapeDtypeStruct((_N_ENT, _PITCH), jnp.float32),
    compiler_params=pltpu.CompilerParams(
        vmem_limit_bytes=128 * 1024 * 1024),
)


def _sc_body(pos_h, pos_r, pos_t, neg_h, neg_r, neg_t, tab,
             out_loss, out_pd, out_nd,
             idx_h, idx_r, idx_t, hb0, rb0, tb0, hb1, rb1, tb1,
             pd_buf, nd_buf, loss_buf, sem):
    c = lax.axis_index("c")
    s = lax.axis_index("s")
    wid = s * _NC + c
    riota = lax.iota(jnp.int32, 16)
    zeros = jnp.zeros((16,), jnp.float32)
    bufs = ((hb0, rb0, tb0), (hb1, rb1, tb1))

    def compute_set(ih_hbm, ir_hbm, it_hbm, dist_buf):
        base = wid * _NCH
        pltpu.sync_copy(ih_hbm.at[pl.ds(base, _NCH)], idx_h)
        pltpu.sync_copy(ir_hbm.at[pl.ds(base, _NCH)], idx_r)
        pltpu.sync_copy(it_hbm.at[pl.ds(base, _NCH)], idx_t)

        def fire(sub):
            hb, rb, tb = bufs[sub % 2]
            dst = pl.ds(0, _SB)
            return (pltpu.async_copy(tab.at[idx_h.at[sub]], hb.at[dst], sem),
                    pltpu.async_copy(tab.at[idx_r.at[sub]], rb.at[dst], sem),
                    pltpu.async_copy(tab.at[idx_t.at[sub]], tb.at[dst], sem))

        pending = fire(0)
        for sub in range(_NSB):
            for cp in pending:
                cp.wait()
            if sub + 1 < _NSB:
                pending = fire(sub + 1)
            hb, rb, tb = bufs[sub % 2]

            def group(g, carry, hb=hb, rb=rb, tb=tb, sub=sub):
                rows = g * 16 + riota

                def distk(j, acc):
                    for dk in range(4):
                        kk = jnp.full((16,), j * 4 + dk, jnp.int32)
                        hv = plsc.load_gather(hb, [rows, kk])
                        rv = plsc.load_gather(rb, [rows, kk + _DIM])
                        tv = plsc.load_gather(tb, [rows, kk])
                        acc = acc + jnp.abs(hv + rv - tv)
                    return acc

                acc = lax.fori_loop(0, _DIM // 4, distk, zeros)
                dist_buf[pl.ds(sub * _SB + g * 16, 16)] = acc
                return carry

            lax.fori_loop(0, _NG, group, 0)

    compute_set(pos_h, pos_r, pos_t, pd_buf)
    compute_set(neg_h, neg_r, neg_t, nd_buf)

    def loss_group(g, carry):
        sl = pl.ds(g * 16, 16)
        loss_buf[sl] = jnp.maximum(pd_buf[sl] - nd_buf[sl] + _MARGIN, 0.0)
        return carry

    lax.fori_loop(0, _BW // 16, loss_group, 0)

    obase = pl.ds(wid * _BW, _BW)
    pltpu.sync_copy(loss_buf, out_loss.at[obase])
    pltpu.sync_copy(pd_buf, out_pd.at[obase])
    pltpu.sync_copy(nd_buf, out_nd.at[obase])


_sc_call = pl.kernel(
    _sc_body,
    out_type=(
        jax.ShapeDtypeStruct((_BATCH,), jnp.float32),
        jax.ShapeDtypeStruct((_BATCH,), jnp.float32),
        jax.ShapeDtypeStruct((_BATCH,), jnp.float32),
    ),
    mesh=plsc.VectorSubcoreMesh(
        core_axis_name="c", subcore_axis_name="s",
        num_cores=_NC, num_subcores=_NS),
    scratch_types=(
        [pltpu.VMEM((_NCH, _SB), jnp.int32)] * 3
        + [pltpu.VMEM((_SB, _PITCH), jnp.float32)] * 6
        + [pltpu.VMEM((_BW,), jnp.float32)] * 3
        + [pltpu.SemaphoreType.DMA]
    ),
    compiler_params=pltpu.CompilerParams(
        needs_layout_passes=False, use_tc_tiling_on_sc=False),
)


@jax.jit
def kernel(positive_triplets, negative_triplets, entities_emb, relations_emb):
    tab = _tc_stage(entities_emb.T, relations_emb.T)
    pos = positive_triplets.astype(jnp.int32)
    neg = negative_triplets.astype(jnp.int32)
    cols = lambda t, j: t[:, j].reshape(_NW * _NCH, _SB)
    return _sc_call(
        cols(pos, 0), cols(pos, 1), cols(pos, 2),
        cols(neg, 0), cols(neg, 1), cols(neg, 2),
        tab)

# --- scband reference (transcript-rebuilt; emitter-appended) ---
"""Pipeline reference for scband-trans-e-1348619731149 (READ-ONLY COPY).

The authoritative reference and input builder live on the scoring server;
editing this copy changes nothing except your own understanding.
"""

import jax, jax.numpy as jnp
import numpy as np

ENTITY_COUNT = 1000000
RELATION_COUNT = 1000000
DIM = 64
NORM = 1
MARGIN = 1.0
BATCH = 16384


def setup_inputs(seed: int = 0) -> dict:
    key = jax.random.key(seed)
    k1, k2, k3, k4 = jax.random.split(key, 4)
    uniform_range = 6.0 / np.sqrt(DIM)
    entities_emb = jax.random.uniform(k1, (ENTITY_COUNT + 1, DIM), minval=-uniform_range, maxval=uniform_range, dtype=jnp.float32)
    relations_emb = jax.random.uniform(k2, (RELATION_COUNT + 1, DIM), minval=-uniform_range, maxval=uniform_range, dtype=jnp.float32)
    # relation init: L1-normalize all rows except padding row
    rel_body = relations_emb[:-1]
    relations_emb = relations_emb.at[:-1].set(rel_body / jnp.sum(jnp.abs(rel_body), axis=1, keepdims=True))
    positive_triplets = jax.random.randint(k3, (BATCH, 3), 0, ENTITY_COUNT, dtype=jnp.int64) if jax.config.jax_enable_x64 else jax.random.randint(k3, (BATCH, 3), 0, ENTITY_COUNT).astype(jnp.int32)
    negative_triplets = jax.random.randint(k4, (BATCH, 3), 0, ENTITY_COUNT, dtype=jnp.int64) if jax.config.jax_enable_x64 else jax.random.randint(k4, (BATCH, 3), 0, ENTITY_COUNT).astype(jnp.int32)
    return {
        "positive_triplets": positive_triplets,
        "negative_triplets": negative_triplets,
        "entities_emb": entities_emb,
        "relations_emb": relations_emb,
    }


def _distance(ent, rel, triplets):
    heads = jnp.take(ent, triplets[:, 0], axis=0)
    relations = jnp.take(rel, triplets[:, 1], axis=0)
    tails = jnp.take(ent, triplets[:, 2], axis=0)
    d = heads + relations - tails
    if NORM == 1:
        return jnp.sum(jnp.abs(d), axis=1)
    return jnp.sqrt(jnp.sum(d * d, axis=1))


def reference(positive_triplets, negative_triplets, entities_emb, relations_emb):
    # forward: L2-normalize entity rows (except padding row) in place before lookup
    ent_body = entities_emb[:-1]
    ent_n = entities_emb.at[:-1].set(ent_body / jnp.linalg.norm(ent_body, axis=1, keepdims=True))
    positive_distances = _distance(ent_n, relations_emb, positive_triplets)
    negative_distances = _distance(ent_n, relations_emb, negative_triplets)
    # MarginRankingLoss with target=-1, reduction='none': max(0, (x1 - x2) + margin)
    loss = jnp.maximum(0.0, positive_distances - negative_distances + MARGIN)
    return (loss, positive_distances, negative_distances)

if __name__ == "__main__":
    import jax
    _d = setup_inputs()
    print(jax.jit(kernel)(*tuple(_d.values())))

</pallas_src>

<mosaic_0001>
#map = affine_map<(d0, d1) -> (0, 0)>
#map1 = affine_map<(d0, d1) -> (0)>
module attributes {stable_mosaic.version = 14 : i64} {
  func.func @_sc_body(%arg0: i32, %arg1: i32, %arg2: memref<128x128xi32, #tpu.memory_space<hbm>>, %arg3: memref<128x128xi32, #tpu.memory_space<hbm>>, %arg4: memref<128x128xi32, #tpu.memory_space<hbm>>, %arg5: memref<128x128xi32, #tpu.memory_space<hbm>>, %arg6: memref<128x128xi32, #tpu.memory_space<hbm>>, %arg7: memref<128x128xi32, #tpu.memory_space<hbm>>, %arg8: memref<1000001x128xf32, #tpu.memory_space<hbm>>, %arg9: memref<16384xf32, #tpu.memory_space<hbm>>, %arg10: memref<16384xf32, #tpu.memory_space<hbm>>, %arg11: memref<16384xf32, #tpu.memory_space<hbm>>, %arg12: memref<4x128xi32, #tpu.memory_space<vmem>>, %arg13: memref<4x128xi32, #tpu.memory_space<vmem>>, %arg14: memref<4x128xi32, #tpu.memory_space<vmem>>, %arg15: memref<128x128xf32, #tpu.memory_space<vmem>>, %arg16: memref<128x128xf32, #tpu.memory_space<vmem>>, %arg17: memref<128x128xf32, #tpu.memory_space<vmem>>, %arg18: memref<128x128xf32, #tpu.memory_space<vmem>>, %arg19: memref<128x128xf32, #tpu.memory_space<vmem>>, %arg20: memref<128x128xf32, #tpu.memory_space<vmem>>, %arg21: memref<512xf32, #tpu.memory_space<vmem>>, %arg22: memref<512xf32, #tpu.memory_space<vmem>>, %arg23: memref<512xf32, #tpu.memory_space<vmem>>, %arg24: memref<!tpu.dma_semaphore, #tpu.memory_space<semaphore_mem>>) attributes {dimension_semantics = [#tpu.dimension_semantics<core_parallel>, #tpu.dimension_semantics<subcore_parallel>], iteration_bounds = array<i64: 2, 16>, scalar_prefetch = 0 : i64, scratch_operands = 13 : i64, tpu.core_type = #tpu.core_type<sc_vector_subcore>, window_params = [{transform_indices = #map}, {transform_indices = #map}, {transform_indices = #map}, {transform_indices = #map}, {transform_indices = #map}, {transform_indices = #map}, {transform_indices = #map}, {transform_indices = #map1}, {transform_indices = #map1}, {transform_indices = #map1}]} {
    %mul3A = arith.constant 2 : i32
    %mul3A_0 = arith.muli %arg1, %mul3A : i32
    %add3A = arith.addi %mul3A_0, %arg0 : i32
    %iota3A = tpu.iota {dimensions = array<i32: 0>} : vector<16xi32>
    %broadcast_in_dim3A = arith.constant 0.000000e+00 : f32
    %broadcast_in_dim3A_1 = vector.broadcast %broadcast_in_dim3A : f32 to vector<16xf32>
    %mul3A_2 = arith.constant 4 : i32
    %mul3A_3 = arith.muli %add3A, %mul3A_2 : i32
    "tpu.region"() ({
      %run_scoped3A = tpu.sem_alloc : memref<!tpu.dma_semaphore, #tpu.memory_space<semaphore_mem>>
      %dma_start3A_539 = arith.constant 0 : i32
      %dma_start3A_540 = tpu.memref_slice %arg2[%mul3A_3, %dma_start3A_539] : memref<128x128xi32, #tpu.memory_space<hbm>> -> memref<4x128xi32, #tpu.memory_space<hbm>>
      %dma_start3A_541 = arith.constant 0 : i32
      %dma_start3A_542 = tpu.memref_slice %arg2[%mul3A_3, %dma_start3A_541] : memref<128x128xi32, #tpu.memory_space<hbm>> -> memref<4x128xi32, #tpu.memory_space<hbm>>
      tpu.enqueue_dma source(%dma_start3A_542 : memref<4x128xi32, #tpu.memory_space<hbm>>) target(%arg12 : memref<4x128xi32, #tpu.memory_space<vmem>>) target_semaphore(%run_scoped3A : memref<!tpu.dma_semaphore, #tpu.memory_space<semaphore_mem>>)
      %dma_wait3A_543 = arith.constant 0 : i32
      %dma_wait3A_544 = tpu.memref_slice %arg2[%mul3A_3, %dma_wait3A_543] : memref<128x128xi32, #tpu.memory_space<hbm>> -> memref<4x128xi32, #tpu.memory_space<hbm>>
      %dma_wait3A_545 = arith.constant 0 : i32
      %dma_wait3A_546 = tpu.memref_slice %arg2[%mul3A_3, %dma_wait3A_545] : memref<128x128xi32, #tpu.memory_space<hbm>> -> memref<4x128xi32, #tpu.memory_space<hbm>>
      tpu.wait_dma2 semaphore(%run_scoped3A : memref<!tpu.dma_semaphore, #tpu.memory_space<semaphore_mem>>) src(%dma_wait3A_546 : memref<4x128xi32, #tpu.memory_space<hbm>>) dst(%arg12 : memref<4x128xi32, #tpu.memory_space<vmem>>)
      tpu.yield
    }) : () -> ()
    "tpu.region"() ({
      %run_scoped3A = tpu.sem_alloc : memref<!tpu.dma_semaphore, #tpu.memory_space<semaphore_mem>>
      %dma_start3A_539 = arith.constant 0 : i32
      %dma_start3A_540 = tpu.memref_slice %arg3[%mul3A_3, %dma_start3A_539] : memref<128x128xi32, #tpu.memory_space<hbm>> -> memref<4x128xi32, #tpu.memory_space<hbm>>
      %dma_start3A_541 = arith.constant 0 : i32
      %dma_start3A_542 = tpu.memref_slice %arg3[%mul3A_3, %dma_start3A_541] : memref<128x128xi32, #tpu.memory_space<hbm>> -> memref<4x128xi32, #tpu.memory_space<hbm>>
      tpu.enqueue_dma source(%dma_start3A_542 : memref<4x128xi32, #tpu.memory_space<hbm>>) target(%arg13 : memref<4x128xi32, #tpu.memory_space<vmem>>) target_semaphore(%run_scoped3A : memref<!tpu.dma_semaphore, #tpu.memory_space<semaphore_mem>>)
      %dma_wait3A_543 = arith.constant 0 : i32
      %dma_wait3A_544 = tpu.memref_slice %arg3[%mul3A_3, %dma_wait3A_543] : memref<128x128xi32, #tpu.memory_space<hbm>> -> memref<4x128xi32, #tpu.memory_space<hbm>>
      %dma_wait3A_545 = arith.constant 0 : i32
      %dma_wait3A_546 = tpu.memref_slice %arg3[%mul3A_3, %dma_wait3A_545] : memref<128x128xi32, #tpu.memory_space<hbm>> -> memref<4x128xi32, #tpu.memory_space<hbm>>
      tpu.wait_dma2 semaphore(%run_scoped3A : memref<!tpu.dma_semaphore, #tpu.memory_space<semaphore_mem>>) src(%dma_wait3A_546 : memref<4x128xi32, #tpu.memory_space<hbm>>) dst(%arg13 : memref<4x128xi32, #tpu.memory_space<vmem>>)
      tpu.yield
    }) : () -> ()
    "tpu.region"() ({
      %run_scoped3A = tpu.sem_alloc : memref<!tpu.dma_semaphore, #tpu.memory_space<semaphore_mem>>
      %dma_start3A_539 = arith.constant 0 : i32
      %dma_start3A_540 = tpu.memref_slice %arg4[%mul3A_3, %dma_start3A_539] : memref<128x128xi32, #tpu.memory_space<hbm>> -> memref<4x128xi32, #tpu.memory_space<hbm>>
      %dma_start3A_541 = arith.constant 0 : i32
      %dma_start3A_542 = tpu.memref_slice %arg4[%mul3A_3, %dma_start3A_541] : memref<128x128xi32, #tpu.memory_space<hbm>> -> memref<4x128xi32, #tpu.memory_space<hbm>>
      tpu.enqueue_dma source(%dma_start3A_542 : memref<4x128xi32, #tpu.memory_space<hbm>>) target(%arg14 : memref<4x128xi32, #tpu.memory_space<vmem>>) target_semaphore(%run_scoped3A : memref<!tpu.dma_semaphore, #tpu.memory_space<semaphore_mem>>)
      %dma_wait3A_543 = arith.constant 0 : i32
      %dma_wait3A_544 = tpu.memref_slice %arg4[%mul3A_3, %dma_wait3A_543] : memref<128x128xi32, #tpu.memory_space<hbm>> -> memref<4x128xi32, #tpu.memory_space<hbm>>
      %dma_wait3A_545 = arith.constant 0 : i32
      %dma_wait3A_546 = tpu.memref_slice %arg4[%mul3A_3, %dma_wait3A_545] : memref<128x128xi32, #tpu.memory_space<hbm>> -> memref<4x128xi32, #tpu.memory_space<hbm>>
      tpu.wait_dma2 semaphore(%run_scoped3A : memref<!tpu.dma_semaphore, #tpu.memory_space<semaphore_mem>>) src(%dma_wait3A_546 : memref<4x128xi32, #tpu.memory_space<hbm>>) dst(%arg14 : memref<4x128xi32, #tpu.memory_space<vmem>>)
      tpu.yield
    }) : () -> ()
    %dma_start3A = arith.constant 0 : i32
    %dma_start3A_4 = arith.constant 0 : i32
    %dma_start3A_5 = arith.constant 0 : i32
    %dma_start3A_6 = tpu.memref_slice %arg15[%dma_start3A_4, %dma_start3A_5] : memref<128x128xf32, #tpu.memory_space<vmem>> -> memref<128x128xf32, #tpu.memory_space<vmem>>
    %dma_start3A_7 = arith.constant 0 : i32
    %dma_start3A_8 = tpu.memref_slice %arg12[%dma_start3A, %dma_start3A_7] : memref<4x128xi32, #tpu.memory_space<vmem>> -> memref<1x128xi32, #tpu.memory_space<vmem>>
    %dma_start3A_9 = tpu.memref_squeeze %dma_start3A_8 : memref<1x128xi32, #tpu.memory_space<vmem>> -> memref<128xi32, #tpu.memory_space<vmem>>
    %dma_start3A_10 = arith.constant 0 : i32
    %dma_start3A_11 = arith.constant 0 : i32
    %dma_start3A_12 = tpu.memref_slice %arg8[%dma_start3A_10, %dma_start3A_11] : memref<1000001x128xf32, #tpu.memory_space<hbm>> -> memref<1000001x128xf32, #tpu.memory_space<hbm>>
    tpu.enqueue_indirect_dma source(%dma_start3A_12 : memref<1000001x128xf32, #tpu.memory_space<hbm>>) target(%dma_start3A_6 : memref<128x128xf32, #tpu.memory_space<vmem>>) offsets(%dma_start3A_9 : memref<128xi32, #tpu.memory_space<vmem>>) semaphore(%arg24 : memref<!tpu.dma_semaphore, #tpu.memory_space<semaphore_mem>>)
    %dma_start3A_13 = arith.constant 0 : i32
    %dma_start3A_14 = arith.constant 0 : i32
    %dma_start3A_15 = arith.constant 0 : i32
    %dma_start3A_16 = tpu.memref_slice %arg16[%dma_start3A_14, %dma_start3A_15] : memref<128x128xf32, #tpu.memory_space<vmem>> -> memref<128x128xf32, #tpu.memory_space<vmem>>
    %dma_start3A_17 = arith.constant 0 : i32
    %dma_start3A_18 = tpu.memref_slice %arg13[%dma_start3A_13, %dma_start3A_17] : memref<4x128xi32, #tpu.memory_space<vmem>> -> memref<1x128xi32, #tpu.memory_space<vmem>>
    %dma_start3A_19 = tpu.memref_squeeze %dma_start3A_18 : memref<1x128xi32, #tpu.memory_space<vmem>> -> memref<128xi32, #tpu.memory_space<vmem>>
    %dma_start3A_20 = arith.constant 0 : i32
    %dma_start3A_21 = arith.constant 0 : i32
    %dma_start3A_22 = tpu.memref_slice %arg8[%dma_start3A_20, %dma_start3A_21] : memref<1000001x128xf32, #tpu.memory_space<hbm>> -> memref<1000001x128xf32, #tpu.memory_space<hbm>>
    tpu.enqueue_indirect_dma source(%dma_start3A_22 : memref<1000001x128xf32, #tpu.memory_space<hbm>>) target(%dma_start3A_16 : memref<128x128xf32, #tpu.memory_space<vmem>>) offsets(%dma_start3A_19 : memref<128xi32, #tpu.memory_space<vmem>>) semaphore(%arg24 : memref<!tpu.dma_semaphore, #tpu.memory_space<semaphore_mem>>)
    %dma_start3A_23 = arith.constant 0 : i32
    %dma_start3A_24 = arith.constant 0 : i32
    %dma_start3A_25 = arith.constant 0 : i32
    %dma_start3A_26 = tpu.memref_slice %arg17[%dma_start3A_24, %dma_start3A_25] : memref<128x128xf32, #tpu.memory_space<vmem>> -> memref<128x128xf32, #tpu.memory_space<vmem>>
    %dma_start3A_27 = arith.constant 0 : i32
    %dma_start3A_28 = tpu.memref_slice %arg14[%dma_start3A_23, %dma_start3A_27] : memref<4x128xi32, #tpu.memory_space<vmem>> -> memref<1x128xi32, #tpu.memory_space<vmem>>
    %dma_start3A_29 = tpu.memref_squeeze %dma_start3A_28 : memref<1x128xi32, #tpu.memory_space<vmem>> -> memref<128xi32, #tpu.memory_space<vmem>>
    %dma_start3A_30 = arith.constant 0 : i32
    %dma_start3A_31 = arith.constant 0 : i32
    %dma_start3A_32 = tpu.memref_slice %arg8[%dma_start3A_30, %dma_start3A_31] : memref<1000001x128xf32, #tpu.memory_space<hbm>> -> memref<1000001x128xf32, #tpu.memory_space<hbm>>
    tpu.enqueue_indirect_dma source(%dma_start3A_32 : memref<1000001x128xf32, #tpu.memory_space<hbm>>) target(%dma_start3A_26 : memref<128x128xf32, #tpu.memory_space<vmem>>) offsets(%dma_start3A_29 : memref<128xi32, #tpu.memory_space<vmem>>) semaphore(%arg24 : memref<!tpu.dma_semaphore, #tpu.memory_space<semaphore_mem>>)
    %dma_wait3A = arith.constant 0 : i32
    %dma_wait3A_33 = arith.constant 0 : i32
    %dma_wait3A_34 = arith.constant 0 : i32
    %dma_wait3A_35 = tpu.memref_slice %arg15[%dma_wait3A_33, %dma_wait3A_34] : memref<128x128xf32, #tpu.memory_space<vmem>> -> memref<128x128xf32, #tpu.memory_space<vmem>>
    %dma_wait3A_36 = arith.constant 0 : i32
    %dma_wait3A_37 = tpu.memref_slice %arg12[%dma_wait3A, %dma_wait3A_36] : memref<4x128xi32, #tpu.memory_space<vmem>> -> memref<1x128xi32, #tpu.memory_space<vmem>>
    %dma_wait3A_38 = tpu.memref_squeeze %dma_wait3A_37 : memref<1x128xi32, #tpu.memory_space<vmem>> -> memref<128xi32, #tpu.memory_space<vmem>>
    %dma_wait3A_39 = arith.constant 0 : i32
    %dma_wait3A_40 = arith.constant 0 : i32
    %dma_wait3A_41 = tpu.memref_slice %arg8[%dma_wait3A_39, %dma_wait3A_40] : memref<1000001x128xf32, #tpu.memory_space<hbm>> -> memref<1000001x128xf32, #tpu.memory_space<hbm>>
    tpu.wait_indirect_dma semaphore(%arg24 : memref<!tpu.dma_semaphore, #tpu.memory_space<semaphore_mem>>) src(%dma_wait3A_41 : memref<1000001x128xf32, #tpu.memory_space<hbm>>) dst(%dma_wait3A_35 : memref<128x128xf32, #tpu.memory_space<vmem>>)
    %dma_wait3A_42 = arith.constant 0 : i32
    %dma_wait3A_43 = arith.constant 0 : i32
    %dma_wait3A_44 = arith.constant 0 : i32
    %dma_wait3A_45 = tpu.memref_slice %arg16[%dma_wait3A_43, %dma_wait3A_44] : memref<128x128xf32, #tpu.memory_space<vmem>> -> memref<128x128xf32, #tpu.memory_space<vmem>>
    %dma_wait3A_46 = arith.constant 0 : i32
    %dma_wait3A_47 = tpu.memref_slice %arg13[%dma_wait3A_42, %dma_wait3A_46] : memref<4x128xi32, #tpu.memory_space<vmem>> -> memref<1x128xi32, #tpu.memory_space<vmem>>
    %dma_wait3A_48 = tpu.memref_squeeze %dma_wait3A_47 : memref<1x128xi32, #tpu.memory_space<vmem>> -> memref<128xi32, #tpu.memory_space<vmem>>
    %dma_wait3A_49 = arith.constant 0 : i32
    %dma_wait3A_50 = arith.constant 0 : i32
    %dma_wait3A_51 = tpu.memref_slice %arg8[%dma_wait3A_49, %dma_wait3A_50] : memref<1000001x128xf32, #tpu.memory_space<hbm>> -> memref<1000001x128xf32, #tpu.memory_space<hbm>>
    tpu.wait_indirect_dma semaphore(%arg24 : memref<!tpu.dma_semaphore, #tpu.memory_space<semaphore_mem>>) src(%dma_wait3A_51 : memref<1000001x128xf32, #tpu.memory_space<hbm>>) dst(%dma_wait3A_45 : memref<128x128xf32, #tpu.memory_space<vmem>>)
    %dma_wait3A_52 = arith.constant 0 : i32
    %dma_wait3A_53 = arith.constant 0 : i32
    %dma_wait3A_54 = arith.constant 0 : i32
    %dma_wait3A_55 = tpu.memref_slice %arg17[%dma_wait3A_53, %dma_wait3A_54] : memref<128x128xf32, #tpu.memory_space<vmem>> -> memref<128x128xf32, #tpu.memory_space<vmem>>
    %dma_wait3A_56 = arith.constant 0 : i32
    %dma_wait3A_57 = tpu.memref_slice %arg14[%dma_wait3A_52, %dma_wait3A_56] : memref<4x128xi32, #tpu.memory_space<vmem>> -> memref<1x128xi32, #tpu.memory_space<vmem>>
    %dma_wait3A_58 = tpu.memref_squeeze %dma_wait3A_57 : memref<1x128xi32, #tpu.memory_space<vmem>> -> memref<128xi32, #tpu.memory_space<vmem>>
    %dma_wait3A_59 = arith.constant 0 : i32
    %dma_wait3A_60 = arith.constant 0 : i32
    %dma_wait3A_61 = tpu.memref_slice %arg8[%dma_wait3A_59, %dma_wait3A_60] : memref<1000001x128xf32, #tpu.memory_space<hbm>> -> memref<1000001x128xf32, #tpu.memory_space<hbm>>
    tpu.wait_indirect_dma semaphore(%arg24 : memref<!tpu.dma_semaphore, #tpu.memory_space<semaphore_mem>>) src(%dma_wait3A_61 : memref<1000001x128xf32, #tpu.memory_space<hbm>>) dst(%dma_wait3A_55 : memref<128x128xf32, #tpu.memory_space<vmem>>)
    %dma_start3A_62 = arith.constant 1 : i32
    %dma_start3A_63 = arith.constant 0 : i32
    %dma_start3A_64 = arith.constant 0 : i32
    %dma_start3A_65 = tpu.memref_slice %arg18[%dma_start3A_63, %dma_start3A_64] : memref<128x128xf32, #tpu.memory_space<vmem>> -> memref<128x128xf32, #tpu.memory_space<vmem>>
    %dma_start3A_66 = arith.constant 0 : i32
    %dma_start3A_67 = tpu.memref_slice %arg12[%dma_start3A_62, %dma_start3A_66] : memref<4x128xi32, #tpu.memory_space<vmem>> -> memref<1x128xi32, #tpu.memory_space<vmem>>
    %dma_start3A_68 = tpu.memref_squeeze %dma_start3A_67 : memref<1x128xi32, #tpu.memory_space<vmem>> -> memref<128xi32, #tpu.memory_space<vmem>>
    %dma_start3A_69 = arith.constant 0 : i32
    %dma_start3A_70 = arith.constant 0 : i32
    %dma_start3A_71 = tpu.memref_slice %arg8[%dma_start3A_69, %dma_start3A_70] : memref<1000001x128xf32, #tpu.memory_space<hbm>> -> memref<1000001x128xf32, #tpu.memory_space<hbm>>
    tpu.enqueue_indirect_dma source(%dma_start3A_71 : memref<1000001x128xf32, #tpu.memory_space<hbm>>) target(%dma_start3A_65 : memref<128x128xf32, #tpu.memory_space<vmem>>) offsets(%dma_start3A_68 : memref<128xi32, #tpu.memory_space<vmem>>) semaphore(%arg24 : memref<!tpu.dma_semaphore, #tpu.memory_space<semaphore_mem>>)
    %dma_start3A_72 = arith.constant 1 : i32
    %dma_start3A_73 = arith.constant 0 : i32
    %dma_start3A_74 = arith.constant 0 : i32
    %dma_start3A_75 = tpu.memref_slice %arg19[%dma_start3A_73, %dma_start3A_74] : memref<128x128xf32, #tpu.memory_space<vmem>> -> memref<128x128xf32, #tpu.memory_space<vmem>>
    %dma_start3A_76 = arith.constant 0 : i32
    %dma_start3A_77 = tpu.memref_slice %arg13[%dma_start3A_72, %dma_start3A_76] : memref<4x128xi32, #tpu.memory_space<vmem>> -> memref<1x128xi32, #tpu.memory_space<vmem>>
    %dma_start3A_78 = tpu.memref_squeeze %dma_start3A_77 : memref<1x128xi32, #tpu.memory_space<vmem>> -> memref<128xi32, #tpu.memory_space<vmem>>
    %dma_start3A_79 = arith.constant 0 : i32
    %dma_start3A_80 = arith.constant 0 : i32
    %dma_start3A_81 = tpu.memref_slice %arg8[%dma_start3A_79, %dma_start3A_80] : memref<1000001x128xf32, #tpu.memory_space<hbm>> -> memref<1000001x128xf32, #tpu.memory_space<hbm>>
    tpu.enqueue_indirect_dma source(%dma_start3A_81 : memref<1000001x128xf32, #tpu.memory_space<hbm>>) target(%dma_start3A_75 : memref<128x128xf32, #tpu.memory_space<vmem>>) offsets(%dma_start3A_78 : memref<128xi32, #tpu.memory_space<vmem>>) semaphore(%arg24 : memref<!tpu.dma_semaphore, #tpu.memory_space<semaphore_mem>>)
    %dma_start3A_82 = arith.constant 1 : i32
    %dma_start3A_83 = arith.constant 0 : i32
    %dma_start3A_84 = arith.constant 0 : i32
    %dma_start3A_85 = tpu.memref_slice %arg20[%dma_start3A_83, %dma_start3A_84] : memref<128x128xf32, #tpu.memory_space<vmem>> -> memref<128x128xf32, #tpu.memory_space<vmem>>
    %dma_start3A_86 = arith.constant 0 : i32
    %dma_start3A_87 = tpu.memref_slice %arg14[%dma_start3A_82, %dma_start3A_86] : memref<4x128xi32, #tpu.memory_space<vmem>> -> memref<1x128xi32, #tpu.memory_space<vmem>>
    %dma_start3A_88 = tpu.memref_squeeze %dma_start3A_87 : memref<1x128xi32, #tpu.memory_space<vmem>> -> memref<128xi32, #tpu.memory_space<vmem>>
    %dma_start3A_89 = arith.constant 0 : i32
    %dma_start3A_90 = arith.constant 0 : i32
    %dma_start3A_91 = tpu.memref_slice %arg8[%dma_start3A_89, %dma_start3A_90] : memref<1000001x128xf32, #tpu.memory_space<hbm>> -> memref<1000001x128xf32, #tpu.memory_space<hbm>>
    tpu.enqueue_indirect_dma source(%dma_start3A_91 : memref<1000001x128xf32, #tpu.memory_space<hbm>>) target(%dma_start3A_85 : memref<128x128xf32, #tpu.memory_space<vmem>>) offsets(%dma_start3A_88 : memref<128xi32, #tpu.memory_space<vmem>>) semaphore(%arg24 : memref<!tpu.dma_semaphore, #tpu.memory_space<semaphore_mem>>)
    %scan3A = arith.constant 0 : i32
    %scan3A_92 = arith.constant 0 : i32
    %scan3A_93 = arith.constant 8 : i32
    %scan3A_94 = arith.addi %scan3A_92, %scan3A_93 : i32
    %scan3A_95 = arith.constant 1 : i32
    scf.for %scan3A_539 = %scan3A_92 to %scan3A_94 step %scan3A_95  : i32 {
      %mul3A_540 = arith.constant 16 : i32
      %mul3A_541 = arith.muli %scan3A_539, %mul3A_540 : i32
      %add3A_542 = vector.broadcast %mul3A_541 : i32 to vector<16xi32>
      %add3A_543 = arith.addi %add3A_542, %iota3A : vector<16xi32>
      %scan3A_544 = arith.constant 0 : i32
      %scan3A_545 = arith.constant 16 : i32
      %scan3A_546 = arith.addi %scan3A_544, %scan3A_545 : i32
      %scan3A_547 = arith.constant 1 : i32
      %scan3A_548 = scf.for %scan3A_555 = %scan3A_544 to %scan3A_546 step %scan3A_547 iter_args(%scan3A_556 = %broadcast_in_dim3A_1) -> (vector<16xf32>)  : i32 {
        %mul3A_557 = arith.constant 4 : i32
        %mul3A_558 = arith.muli %scan3A_555, %mul3A_557 : i32
        %add3A_559 = arith.constant 0 : i32
        %add3A_560 = arith.addi %mul3A_558, %add3A_559 : i32
        %broadcast_in_dim3A_561 = vector.broadcast %add3A_560 : i32 to vector<16xi32>
        %gather3A = tpu.vector_load_idx %arg15[%add3A_543, %broadcast_in_dim3A_561] : memref<128x128xf32, #tpu.memory_space<vmem>>[vector<16xi32>, vector<16xi32>], vector<16xf32>,
        %add3A_562 = arith.constant 64 : i32
        %add3A_563 = vector.broadcast %add3A_562 : i32 to vector<16xi32>
        %add3A_564 = arith.addi %broadcast_in_dim3A_561, %add3A_563 : vector<16xi32>
        %gather3A_565 = tpu.vector_load_idx %arg16[%add3A_543, %add3A_564] : memref<128x128xf32, #tpu.memory_space<vmem>>[vector<16xi32>, vector<16xi32>], vector<16xf32>,
        %gather3A_566 = tpu.vector_load_idx %arg17[%add3A_543, %broadcast_in_dim3A_561] : memref<128x128xf32, #tpu.memory_space<vmem>>[vector<16xi32>, vector<16xi32>], vector<16xf32>,
        %add3A_567 = arith.addf %gather3A, %gather3A_565 : vector<16xf32>
        %sub3A = arith.subf %add3A_567, %gather3A_566 : vector<16xf32>
        %abs3A = math.absf %sub3A : vector<16xf32>
        %add3A_568 = arith.addf %scan3A_556, %abs3A : vector<16xf32>
        %mul3A_569 = arith.constant 4 : i32
        %mul3A_570 = arith.muli %scan3A_555, %mul3A_569 : i32
        %add3A_571 = arith.constant 1 : i32
        %add3A_572 = arith.addi %mul3A_570, %add3A_571 : i32
        %broadcast_in_dim3A_573 = vector.broadcast %add3A_572 : i32 to vector<16xi32>
        %gather3A_574 = tpu.vector_load_idx %arg15[%add3A_543, %broadcast_in_dim3A_573] : memref<128x128xf32, #tpu.memory_space<vmem>>[vector<16xi32>, vector<16xi32>], vector<16xf32>,
        %add3A_575 = arith.constant 64 : i32
        %add3A_576 = vector.broadcast %add3A_575 : i32 to vector<16xi32>
        %add3A_577 = arith.addi %broadcast_in_dim3A_573, %add3A_576 : vector<16xi32>
        %gather3A_578 = tpu.vector_load_idx %arg16[%add3A_543, %add3A_577] : memref<128x128xf32, #tpu.memory_space<vmem>>[vector<16xi32>, vector<16xi32>], vector<16xf32>,
        %gather3A_579 = tpu.vector_load_idx %arg17[%add3A_543, %broadcast_in_dim3A_573] : memref<128x128xf32, #tpu.memory_space<vmem>>[vector<16xi32>, vector<16xi32>], vector<16xf32>,
        %add3A_580 = arith.addf %gather3A_574, %gather3A_578 : vector<16xf32>
        %sub3A_581 = arith.subf %add3A_580, %gather3A_579 : vector<16xf32>
        %abs3A_582 = math.absf %sub3A_581 : vector<16xf32>
        %add3A_583 = arith.addf %add3A_568, %abs3A_582 : vector<16xf32>
        %mul3A_584 = arith.constant 4 : i32
        %mul3A_585 = arith.muli %scan3A_555, %mul3A_584 : i32
        %add3A_586 = arith.constant 2 : i32
        %add3A_587 = arith.addi %mul3A_585, %add3A_586 : i32
        %broadcast_in_dim3A_588 = vector.broadcast %add3A_587 : i32 to vector<16xi32>
        %gather3A_589 = tpu.vector_load_idx %arg15[%add3A_543, %broadcast_in_dim3A_588] : memref<128x128xf32, #tpu.memory_space<vmem>>[vector<16xi32>, vector<16xi32>], vector<16xf32>,
        %add3A_590 = arith.constant 64 : i32
        %add3A_591 = vector.broadcast %add3A_590 : i32 to vector<16xi32>
        %add3A_592 = arith.addi %broadcast_in_dim3A_588, %add3A_591 : vector<16xi32>
        %gather3A_593 = tpu.vector_load_idx %arg16[%add3A_543, %add3A_592] : memref<128x128xf32, #tpu.memory_space<vmem>>[vector<16xi32>, vector<16xi32>], vector<16xf32>,
        %gather3A_594 = tpu.vector_load_idx %arg17[%add3A_543, %broadcast_in_dim3A_588] : memref<128x128xf32, #tpu.memory_space<vmem>>[vector<16xi32>, vector<16xi32>], vector<16xf32>,
        %add3A_595 = arith.addf %gather3A_589, %gather3A_593 : vector<16xf32>
        %sub3A_596 = arith.subf %add3A_595, %gather3A_594 : vector<16xf32>
        %abs3A_597 = math.absf %sub3A_596 : vector<16xf32>
        %add3A_598 = arith.addf %add3A_583, %abs3A_597 : vector<16xf32>
        %mul3A_599 = arith.constant 4 : i32
        %mul3A_600 = arith.muli %scan3A_555, %mul3A_599 : i32
        %add3A_601 = arith.constant 3 : i32
        %add3A_602 = arith.addi %mul3A_600, %add3A_601 : i32
        %broadcast_in_dim3A_603 = vector.broadcast %add3A_602 : i32 to vector<16xi32>
        %gather3A_604 = tpu.vector_load_idx %arg15[%add3A_543, %broadcast_in_dim3A_603] : memref<128x128xf32, #tpu.memory_space<vmem>>[vector<16xi32>, vector<16xi32>], vector<16xf32>,
        %add3A_605 = arith.constant 64 : i32
        %add3A_606 = vector.broadcast %add3A_605 : i32 to vector<16xi32>
        %add3A_607 = arith.addi %broadcast_in_dim3A_603, %add3A_606 : vector<16xi32>
        %gather3A_608 = tpu.vector_load_idx %arg16[%add3A_543, %add3A_607] : memref<128x128xf32, #tpu.memory_space<vmem>>[vector<16xi32>, vector<16xi32>], vector<16xf32>,
        %gather3A_609 = tpu.vector_load_idx %arg17[%add3A_543, %broadcast_in_dim3A_603] : memref<128x128xf32, #tpu.memory_space<vmem>>[vector<16xi32>, vector<16xi32>], vector<16xf32>,
        %add3A_610 = arith.addf %gather3A_604, %gather3A_608 : vector<16xf32>
        %sub3A_611 = arith.subf %add3A_610, %gather3A_609 : vector<16xf32>
        %abs3A_612 = math.absf %sub3A_611 : vector<16xf32>
        %add3A_613 = arith.addf %add3A_598, %abs3A_612 : vector<16xf32>
        scf.yield %add3A_613 : vector<16xf32>
      }
      %scan3A_549 = arith.constant 16 : i32
      %mul3A_550 = arith.constant 16 : i32
      %mul3A_551 = arith.muli %scan3A_539, %mul3A_550 : i32
      %add3A_552 = arith.constant 0 : i32
      %add3A_553 = arith.addi %add3A_552, %mul3A_551 : i32
      %swap3A = arith.index_cast %add3A_553 : i32 to index
      %swap3A_554 = tpu.vector_load %arg21[%swap3A] {strides = array<i32>} : memref<512xf32, #tpu.memory_space<vmem>>, vector<16xf32>,
      tpu.vector_store %arg21[%swap3A], %scan3A_548 {strides = array<i32>} : memref<512xf32, #tpu.memory_space<vmem>>, vector<16xf32>,
    }
    %scan3A_96 = arith.constant 8 : i32
    %dma_wait3A_97 = arith.constant 1 : i32
    %dma_wait3A_98 = arith.constant 0 : i32
    %dma_wait3A_99 = arith.constant 0 : i32
    %dma_wait3A_100 = tpu.memref_slice %arg18[%dma_wait3A_98, %dma_wait3A_99] : memref<128x128xf32, #tpu.memory_space<vmem>> -> memref<128x128xf32, #tpu.memory_space<vmem>>
    %dma_wait3A_101 = arith.constant 0 : i32
    %dma_wait3A_102 = tpu.memref_slice %arg12[%dma_wait3A_97, %dma_wait3A_101] : memref<4x128xi32, #tpu.memory_space<vmem>> -> memref<1x128xi32, #tpu.memory_space<vmem>>
    %dma_wait3A_103 = tpu.memref_squeeze %dma_wait3A_102 : memref<1x128xi32, #tpu.memory_space<vmem>> -> memref<128xi32, #tpu.memory_space<vmem>>
    %dma_wait3A_104 = arith.constant 0 : i32
    %dma_wait3A_105 = arith.constant 0 : i32
    %dma_wait3A_106 = tpu.memref_slice %arg8[%dma_wait3A_104, %dma_wait3A_105] : memref<1000001x128xf32, #tpu.memory_space<hbm>> -> memref<1000001x128xf32, #tpu.memory_space<hbm>>
    tpu.wait_indirect_dma semaphore(%arg24 : memref<!tpu.dma_semaphore, #tpu.memory_space<semaphore_mem>>) src(%dma_wait3A_106 : memref<1000001x128xf32, #tpu.memory_space<hbm>>) dst(%dma_wait3A_100 : memref<128x128xf32, #tpu.memory_space<vmem>>)
    %dma_wait3A_107 = arith.constant 1 : i32
    %dma_wait3A_108 = arith.constant 0 : i32
    %dma_wait3A_109 = arith.constant 0 : i32
    %dma_wait3A_110 = tpu.memref_slice %arg19[%dma_wait3A_108, %dma_wait3A_109] : memref<128x128xf32, #tpu.memory_space<vmem>> -> memref<128x128xf32, #tpu.memory_space<vmem>>
    %dma_wait3A_111 = arith.constant 0 : i32
    %dma_wait3A_112 = tpu.memref_slice %arg13[%dma_wait3A_107, %dma_wait3A_111] : memref<4x128xi32, #tpu.memory_space<vmem>> -> memref<1x128xi32, #tpu.memory_space<vmem>>
    %dma_wait3A_113 = tpu.memref_squeeze %dma_wait3A_112 : memref<1x128xi32, #tpu.memory_space<vmem>> -> memref<128xi32, #tpu.memory_space<vmem>>
    %dma_wait3A_114 = arith.constant 0 : i32
    %dma_wait3A_115 = arith.constant 0 : i32
    %dma_wait3A_116 = tpu.memref_slice %arg8[%dma_wait3A_114, %dma_wait3A_115] : memref<1000001x128xf32, #tpu.memory_space<hbm>> -> memref<1000001x128xf32, #tpu.memory_space<hbm>>
    tpu.wait_indirect_dma semaphore(%arg24 : memref<!tpu.dma_semaphore, #tpu.memory_space<semaphore_mem>>) src(%dma_wait3A_116 : memref<1000001x128xf32, #tpu.memory_space<hbm>>) dst(%dma_wait3A_110 : memref<128x128xf32, #tpu.memory_space<vmem>>)
    %dma_wait3A_117 = arith.constant 1 : i32
    %dma_wait3A_118 = arith.constant 0 : i32
    %dma_wait3A_119 = arith.constant 0 : i32
    %dma_wait3A_120 = tpu.memref_slice %arg20[%dma_wait3A_118, %dma_wait3A_119] : memref<128x128xf32, #tpu.memory_space<vmem>> -> memref<128x128xf32, #tpu.memory_space<vmem>>
    %dma_wait3A_121 = arith.constant 0 : i32
    %dma_wait3A_122 = tpu.memref_slice %arg14[%dma_wait3A_117, %dma_wait3A_121] : memref<4x128xi32, #tpu.memory_space<vmem>> -> memref<1x128xi32, #tpu.memory_space<vmem>>
    %dma_wait3A_123 = tpu.memref_squeeze %dma_wait3A_122 : memref<1x128xi32, #tpu.memory_space<vmem>> -> memref<128xi32, #tpu.memory_space<vmem>>
    %dma_wait3A_124 = arith.constant 0 : i32
    %dma_wait3A_125 = arith.constant 0 : i32
    %dma_wait3A_126 = tpu.memref_slice %arg8[%dma_wait3A_124, %dma_wait3A_125] : memref<1000001x128xf32, #tpu.memory_space<hbm>> -> memref<1000001x128xf32, #tpu.memory_space<hbm>>
    tpu.wait_indirect_dma semaphore(%arg24 : memref<!tpu.dma_semaphore, #tpu.memory_space<semaphore_mem>>) src(%dma_wait3A_126 : memref<1000001x128xf32, #tpu.memory_space<hbm>>) dst(%dma_wait3A_120 : memref<128x128xf32, #tpu.memory_space<vmem>>)
    %dma_start3A_127 = arith.constant 2 : i32
    %dma_start3A_128 = arith.constant 0 : i32
    %dma_start3A_129 = arith.constant 0 : i32
    %dma_start3A_130 = tpu.memref_slice %arg15[%dma_start3A_128, %dma_start3A_129] : memref<128x128xf32, #tpu.memory_space<vmem>> -> memref<128x128xf32, #tpu.memory_space<vmem>>
    %dma_start3A_131 = arith.constant 0 : i32
    %dma_start3A_132 = tpu.memref_slice %arg12[%dma_start3A_127, %dma_start3A_131] : memref<4x128xi32, #tpu.memory_space<vmem>> -> memref<1x128xi32, #tpu.memory_space<vmem>>
    %dma_start3A_133 = tpu.memref_squeeze %dma_start3A_132 : memref<1x128xi32, #tpu.memory_space<vmem>> -> memref<128xi32, #tpu.memory_space<vmem>>
    %dma_start3A_134 = arith.constant 0 : i32
    %dma_start3A_135 = arith.constant 0 : i32
    %dma_start3A_136 = tpu.memref_slice %arg8[%dma_start3A_134, %dma_start3A_135] : memref<1000001x128xf32, #tpu.memory_space<hbm>> -> memref<1000001x128xf32, #tpu.memory_space<hbm>>
    tpu.enqueue_indirect_dma source(%dma_start3A_136 : memref<1000001x128xf32, #tpu.memory_space<hbm>>) target(%dma_start3A_130 : memref<128x128xf32, #tpu.memory_space<vmem>>) offsets(%dma_start3A_133 : memref<128xi32, #tpu.memory_space<vmem>>) semaphore(%arg24 : memref<!tpu.dma_semaphore, #tpu.memory_space<semaphore_mem>>)
    %dma_start3A_137 = arith.constant 2 : i32
    %dma_start3A_138 = arith.constant 0 : i32
    %dma_start3A_139 = arith.constant 0 : i32
    %dma_start3A_140 = tpu.memref_slice %arg16[%dma_start3A_138, %dma_start3A_139] : memref<128x128xf32, #tpu.memory_space<vmem>> -> memref<128x128xf32, #tpu.memory_space<vmem>>
    %dma_start3A_141 = arith.constant 0 : i32
    %dma_start3A_142 = tpu.memref_slice %arg13[%dma_start3A_137, %dma_start3A_141] : memref<4x128xi32, #tpu.memory_space<vmem>> -> memref<1x128xi32, #tpu.memory_space<vmem>>
    %dma_start3A_143 = tpu.memref_squeeze %dma_start3A_142 : memref<1x128xi32, #tpu.memory_space<vmem>> -> memref<128xi32, #tpu.memory_space<vmem>>
    %dma_start3A_144 = arith.constant 0 : i32
    %dma_start3A_145 = arith.constant 0 : i32
    %dma_start3A_146 = tpu.memref_slice %arg8[%dma_start3A_144, %dma_start3A_145] : memref<1000001x128xf32, #tpu.memory_space<hbm>> -> memref<1000001x128xf32, #tpu.memory_space<hbm>>
    tpu.enqueue_indirect_dma source(%dma_start3A_146 : memref<1000001x128xf32, #tpu.memory_space<hbm>>) target(%dma_start3A_140 : memref<128x128xf32, #tpu.memory_space<vmem>>) offsets(%dma_start3A_143 : memref<128xi32, #tpu.memory_space<vmem>>) semaphore(%arg24 : memref<!tpu.dma_semaphore, #tpu.memory_space<semaphore_mem>>)
    %dma_start3A_147 = arith.constant 2 : i32
    %dma_start3A_148 = arith.constant 0 : i32
    %dma_start3A_149 = arith.constant 0 : i32
    %dma_start3A_150 = tpu.memref_slice %arg17[%dma_start3A_148, %dma_start3A_149] : memref<128x128xf32, #tpu.memory_space<vmem>> -> memref<128x128xf32, #tpu.memory_space<vmem>>
    %dma_start3A_151 = arith.constant 0 : i32
    %dma_start3A_152 = tpu.memref_slice %arg14[%dma_start3A_147, %dma_start3A_151] : memref<4x128xi32, #tpu.memory_space<vmem>> -> memref<1x128xi32, #tpu.memory_space<vmem>>
    %dma_start3A_153 = tpu.memref_squeeze %dma_start3A_152 : memref<1x128xi32, #tpu.memory_space<vmem>> -> memref<128xi32, #tpu.memory_space<vmem>>
    %dma_start3A_154 = arith.constant 0 : i32
    %dma_start3A_155 = arith.constant 0 : i32
    %dma_start3A_156 = tpu.memref_slice %arg8[%dma_start3A_154, %dma_start3A_155] : memref<1000001x128xf32, #tpu.memory_space<hbm>> -> memref<1000001x128xf32, #tpu.memory_space<hbm>>
    tpu.enqueue_indirect_dma source(%dma_start3A_156 : memref<1000001x128xf32, #tpu.memory_space<hbm>>) target(%dma_start3A_150 : memref<128x128xf32, #tpu.memory_space<vmem>>) offsets(%dma_start3A_153 : memref<128xi32, #tpu.memory_space<vmem>>) semaphore(%arg24 : memref<!tpu.dma_semaphore, #tpu.memory_space<semaphore_mem>>)
    %scan3A_157 = arith.constant 0 : i32
    %scan3A_158 = arith.constant 0 : i32
    %scan3A_159 = arith.constant 8 : i32
    %scan3A_160 = arith.addi %scan3A_158, %scan3A_159 : i32
    %scan3A_161 = arith.constant 1 : i32
    scf.for %scan3A_539 = %scan3A_158 to %scan3A_160 step %scan3A_161  : i32 {
      %mul3A_540 = arith.constant 16 : i32
      %mul3A_541 = arith.muli %scan3A_539, %mul3A_540 : i32
      %add3A_542 = vector.broadcast %mul3A_541 : i32 to vector<16xi32>
      %add3A_543 = arith.addi %add3A_542, %iota3A : vector<16xi32>
      %scan3A_544 = arith.constant 0 : i32
      %scan3A_545 = arith.constant 16 : i32
      %scan3A_546 = arith.addi %scan3A_544, %scan3A_545 : i32
      %scan3A_547 = arith.constant 1 : i32
      %scan3A_548 = scf.for %scan3A_555 = %scan3A_544 to %scan3A_546 step %scan3A_547 iter_args(%scan3A_556 = %broadcast_in_dim3A_1) -> (vector<16xf32>)  : i32 {
        %mul3A_557 = arith.constant 4 : i32
        %mul3A_558 = arith.muli %scan3A_555, %mul3A_557 : i32
        %add3A_559 = arith.constant 0 : i32
        %add3A_560 = arith.addi %mul3A_558, %add3A_559 : i32
        %broadcast_in_dim3A_561 = vector.broadcast %add3A_560 : i32 to vector<16xi32>
        %gather3A = tpu.vector_load_idx %arg18[%add3A_543, %broadcast_in_dim3A_561] : memref<128x128xf32, #tpu.memory_space<vmem>>[vector<16xi32>, vector<16xi32>], vector<16xf32>,
        %add3A_562 = arith.constant 64 : i32
        %add3A_563 = vector.broadcast %add3A_562 : i32 to vector<16xi32>
        %add3A_564 = arith.addi %broadcast_in_dim3A_561, %add3A_563 : vector<16xi32>
        %gather3A_565 = tpu.vector_load_idx %arg19[%add3A_543, %add3A_564] : memref<128x128xf32, #tpu.memory_space<vmem>>[vector<16xi32>, vector<16xi32>], vector<16xf32>,
        %gather3A_566 = tpu.vector_load_idx %arg20[%add3A_543, %broadcast_in_dim3A_561] : memref<128x128xf32, #tpu.memory_space<vmem>>[vector<16xi32>, vector<16xi32>], vector<16xf32>,
        %add3A_567 = arith.addf %gather3A, %gather3A_565 : vector<16xf32>
        %sub3A = arith.subf %add3A_567, %gather3A_566 : vector<16xf32>
        %abs3A = math.absf %sub3A : vector<16xf32>
        %add3A_568 = arith.addf %scan3A_556, %abs3A : vector<16xf32>
        %mul3A_569 = arith.constant 4 : i32
        %mul3A_570 = arith.muli %scan3A_555, %mul3A_569 : i32
        %add3A_571 = arith.constant 1 : i32
        %add3A_572 = arith.addi %mul3A_570, %add3A_571 : i32
        %broadcast_in_dim3A_573 = vector.broadcast %add3A_572 : i32 to vector<16xi32>
        %gather3A_574 = tpu.vector_load_idx %arg18[%add3A_543, %broadcast_in_dim3A_573] : memref<128x128xf32, #tpu.memory_space<vmem>>[vector<16xi32>, vector<16xi32>], vector<16xf32>,
        %add3A_575 = arith.constant 64 : i32
        %add3A_576 = vector.broadcast %add3A_575 : i32 to vector<16xi32>
        %add3A_577 = arith.addi %broadcast_in_dim3A_573, %add3A_576 : vector<16xi32>
        %gather3A_578 = tpu.vector_load_idx %arg19[%add3A_543, %add3A_577] : memref<128x128xf32, #tpu.memory_space<vmem>>[vector<16xi32>, vector<16xi32>], vector<16xf32>,
        %gather3A_579 = tpu.vector_load_idx %arg20[%add3A_543, %broadcast_in_dim3A_573] : memref<128x128xf32, #tpu.memory_space<vmem>>[vector<16xi32>, vector<16xi32>], vector<16xf32>,
        %add3A_580 = arith.addf %gather3A_574, %gather3A_578 : vector<16xf32>
        %sub3A_581 = arith.subf %add3A_580, %gather3A_579 : vector<16xf32>
        %abs3A_582 = math.absf %sub3A_581 : vector<16xf32>
        %add3A_583 = arith.addf %add3A_568, %abs3A_582 : vector<16xf32>
        %mul3A_584 = arith.constant 4 : i32
        %mul3A_585 = arith.muli %scan3A_555, %mul3A_584 : i32
        %add3A_586 = arith.constant 2 : i32
        %add3A_587 = arith.addi %mul3A_585, %add3A_586 : i32
        %broadcast_in_dim3A_588 = vector.broadcast %add3A_587 : i32 to vector<16xi32>
        %gather3A_589 = tpu.vector_load_idx %arg18[%add3A_543, %broadcast_in_dim3A_588] : memref<128x128xf32, #tpu.memory_space<vmem>>[vector<16xi32>, vector<16xi32>], vector<16xf32>,
        %add3A_590 = arith.constant 64 : i32
        %add3A_591 = vector.broadcast %add3A_590 : i32 to vector<16xi32>
        %add3A_592 = arith.addi %broadcast_in_dim3A_588, %add3A_591 : vector<16xi32>
        %gather3A_593 = tpu.vector_load_idx %arg19[%add3A_543, %add3A_592] : memref<128x128xf32, #tpu.memory_space<vmem>>[vector<16xi32>, vector<16xi32>], vector<16xf32>,
        %gather3A_594 = tpu.vector_load_idx %arg20[%add3A_543, %broadcast_in_dim3A_588] : memref<128x128xf32, #tpu.memory_space<vmem>>[vector<16xi32>, vector<16xi32>], vector<16xf32>,
        %add3A_595 = arith.addf %gather3A_589, %gather3A_593 : vector<16xf32>
        %sub3A_596 = arith.subf %add3A_595, %gather3A_594 : vector<16xf32>
        %abs3A_597 = math.absf %sub3A_596 : vector<16xf32>
        %add3A_598 = arith.addf %add3A_583, %abs3A_597 : vector<16xf32>
        %mul3A_599 = arith.constant 4 : i32
        %mul3A_600 = arith.muli %scan3A_555, %mul3A_599 : i32
        %add3A_601 = arith.constant 3 : i32
        %add3A_602 = arith.addi %mul3A_600, %add3A_601 : i32
        %broadcast_in_dim3A_603 = vector.broadcast %add3A_602 : i32 to vector<16xi32>
        %gather3A_604 = tpu.vector_load_idx %arg18[%add3A_543, %broadcast_in_dim3A_603] : memref<128x128xf32, #tpu.memory_space<vmem>>[vector<16xi32>, vector<16xi32>], vector<16xf32>,
        %add3A_605 = arith.constant 64 : i32
        %add3A_606 = vector.broadcast %add3A_605 : i32 to vector<16xi32>
        %add3A_607 = arith.addi %broadcast_in_dim3A_603, %add3A_606 : vector<16xi32>
        %gather3A_608 = tpu.vector_load_idx %arg19[%add3A_543, %add3A_607] : memref<128x128xf32, #tpu.memory_space<vmem>>[vector<16xi32>, vector<16xi32>], vector<16xf32>,
        %gather3A_609 = tpu.vector_load_idx %arg20[%add3A_543, %broadcast_in_dim3A_603] : memref<128x128xf32, #tpu.memory_space<vmem>>[vector<16xi32>, vector<16xi32>], vector<16xf32>,
        %add3A_610 = arith.addf %gather3A_604, %gather3A_608 : vector<16xf32>
        %sub3A_611 = arith.subf %add3A_610, %gather3A_609 : vector<16xf32>
        %abs3A_612 = math.absf %sub3A_611 : vector<16xf32>
        %add3A_613 = arith.addf %add3A_598, %abs3A_612 : vector<16xf32>
        scf.yield %add3A_613 : vector<16xf32>
      }
      %scan3A_549 = arith.constant 16 : i32
      %mul3A_550 = arith.constant 16 : i32
      %mul3A_551 = arith.muli %scan3A_539, %mul3A_550 : i32
      %add3A_552 = arith.constant 128 : i32
      %add3A_553 = arith.addi %add3A_552, %mul3A_551 : i32
      %swap3A = arith.index_cast %add3A_553 : i32 to index
      %swap3A_554 = tpu.vector_load %arg21[%swap3A] {strides = array<i32>} : memref<512xf32, #tpu.memory_space<vmem>>, vector<16xf32>,
      tpu.vector_store %arg21[%swap3A], %scan3A_548 {strides = array<i32>} : memref<512xf32, #tpu.memory_space<vmem>>, vector<16xf32>,
    }
    %scan3A_162 = arith.constant 8 : i32
    %dma_wait3A_163 = arith.constant 2 : i32
    %dma_wait3A_164 = arith.constant 0 : i32
    %dma_wait3A_165 = arith.constant 0 : i32
    %dma_wait3A_166 = tpu.memref_slice %arg15[%dma_wait3A_164, %dma_wait3A_165] : memref<128x128xf32, #tpu.memory_space<vmem>> -> memref<128x128xf32, #tpu.memory_space<vmem>>
    %dma_wait3A_167 = arith.constant 0 : i32
    %dma_wait3A_168 = tpu.memref_slice %arg12[%dma_wait3A_163, %dma_wait3A_167] : memref<4x128xi32, #tpu.memory_space<vmem>> -> memref<1x128xi32, #tpu.memory_space<vmem>>
    %dma_wait3A_169 = tpu.memref_squeeze %dma_wait3A_168 : memref<1x128xi32, #tpu.memory_space<vmem>> -> memref<128xi32, #tpu.memory_space<vmem>>
    %dma_wait3A_170 = arith.constant 0 : i32
    %dma_wait3A_171 = arith.constant 0 : i32
    %dma_wait3A_172 = tpu.memref_slice %arg8[%dma_wait3A_170, %dma_wait3A_171] : memref<1000001x128xf32, #tpu.memory_space<hbm>> -> memref<1000001x128xf32, #tpu.memory_space<hbm>>
    tpu.wait_indirect_dma semaphore(%arg24 : memref<!tpu.dma_semaphore, #tpu.memory_space<semaphore_mem>>) src(%dma_wait3A_172 : memref<1000001x128xf32, #tpu.memory_space<hbm>>) dst(%dma_wait3A_166 : memref<128x128xf32, #tpu.memory_space<vmem>>)
    %dma_wait3A_173 = arith.constant 2 : i32
    %dma_wait3A_174 = arith.constant 0 : i32
    %dma_wait3A_175 = arith.constant 0 : i32
    %dma_wait3A_176 = tpu.memref_slice %arg16[%dma_wait3A_174, %dma_wait3A_175] : memref<128x128xf32, #tpu.memory_space<vmem>> -> memref<128x128xf32, #tpu.memory_space<vmem>>
    %dma_wait3A_177 = arith.constant 0 : i32
    %dma_wait3A_178 = tpu.memref_slice %arg13[%dma_wait3A_173, %dma_wait3A_177] : memref<4x128xi32, #tpu.memory_space<vmem>> -> memref<1x128xi32, #tpu.memory_space<vmem>>
    %dma_wait3A_179 = tpu.memref_squeeze %dma_wait3A_178 : memref<1x128xi32, #tpu.memory_space<vmem>> -> memref<128xi32, #tpu.memory_space<vmem>>
    %dma_wait3A_180 = arith.constant 0 : i32
    %dma_wait3A_181 = arith.constant 0 : i32
    %dma_wait3A_182 = tpu.memref_slice %arg8[%dma_wait3A_180, %dma_wait3A_181] : memref<1000001x128xf32, #tpu.memory_space<hbm>> -> memref<1000001x128xf32, #tpu.memory_space<hbm>>
    tpu.wait_indirect_dma semaphore(%arg24 : memref<!tpu.dma_semaphore, #tpu.memory_space<semaphore_mem>>) src(%dma_wait3A_182 : memref<1000001x128xf32, #tpu.memory_space<hbm>>) dst(%dma_wait3A_176 : memref<128x128xf32, #tpu.memory_space<vmem>>)
    %dma_wait3A_183 = arith.constant 2 : i32
    %dma_wait3A_184 = arith.constant 0 : i32
    %dma_wait3A_185 = arith.constant 0 : i32
    %dma_wait3A_186 = tpu.memref_slice %arg17[%dma_wait3A_184, %dma_wait3A_185] : memref<128x128xf32, #tpu.memory_space<vmem>> -> memref<128x128xf32, #tpu.memory_space<vmem>>
    %dma_wait3A_187 = arith.constant 0 : i32
    %dma_wait3A_188 = tpu.memref_slice %arg14[%dma_wait3A_183, %dma_wait3A_187] : memref<4x128xi32, #tpu.memory_space<vmem>> -> memref<1x128xi32, #tpu.memory_space<vmem>>
    %dma_wait3A_189 = tpu.memref_squeeze %dma_wait3A_188 : memref<1x128xi32, #tpu.memory_space<vmem>> -> memref<128xi32, #tpu.memory_space<vmem>>
    %dma_wait3A_190 = arith.constant 0 : i32
    %dma_wait3A_191 = arith.constant 0 : i32
    %dma_wait3A_192 = tpu.memref_slice %arg8[%dma_wait3A_190, %dma_wait3A_191] : memref<1000001x128xf32, #tpu.memory_space<hbm>> -> memref<1000001x128xf32, #tpu.memory_space<hbm>>
    tpu.wait_indirect_dma semaphore(%arg24 : memref<!tpu.dma_semaphore, #tpu.memory_space<semaphore_mem>>) src(%dma_wait3A_192 : memref<1000001x128xf32, #tpu.memory_space<hbm>>) dst(%dma_wait3A_186 : memref<128x128xf32, #tpu.memory_space<vmem>>)
    %dma_start3A_193 = arith.constant 3 : i32
    %dma_start3A_194 = arith.constant 0 : i32
    %dma_start3A_195 = arith.constant 0 : i32
    %dma_start3A_196 = tpu.memref_slice %arg18[%dma_start3A_194, %dma_start3A_195] : memref<128x128xf32, #tpu.memory_space<vmem>> -> memref<128x128xf32, #tpu.memory_space<vmem>>
    %dma_start3A_197 = arith.constant 0 : i32
    %dma_start3A_198 = tpu.memref_slice %arg12[%dma_start3A_193, %dma_start3A_197] : memref<4x128xi32, #tpu.memory_space<vmem>> -> memref<1x128xi32, #tpu.memory_space<vmem>>
    %dma_start3A_199 = tpu.memref_squeeze %dma_start3A_198 : memref<1x128xi32, #tpu.memory_space<vmem>> -> memref<128xi32, #tpu.memory_space<vmem>>
    %dma_start3A_200 = arith.constant 0 : i32
    %dma_start3A_201 = arith.constant 0 : i32
    %dma_start3A_202 = tpu.memref_slice %arg8[%dma_start3A_200, %dma_start3A_201] : memref<1000001x128xf32, #tpu.memory_space<hbm>> -> memref<1000001x128xf32, #tpu.memory_space<hbm>>
    tpu.enqueue_indirect_dma source(%dma_start3A_202 : memref<1000001x128xf32, #tpu.memory_space<hbm>>) target(%dma_start3A_196 : memref<128x128xf32, #tpu.memory_space<vmem>>) offsets(%dma_start3A_199 : memref<128xi32, #tpu.memory_space<vmem>>) semaphore(%arg24 : memref<!tpu.dma_semaphore, #tpu.memory_space<semaphore_mem>>)
    %dma_start3A_203 = arith.constant 3 : i32
    %dma_start3A_204 = arith.constant 0 : i32
    %dma_start3A_205 = arith.constant 0 : i32
    %dma_start3A_206 = tpu.memref_slice %arg19[%dma_start3A_204, %dma_start3A_205] : memref<128x128xf32, #tpu.memory_space<vmem>> -> memref<128x128xf32, #tpu.memory_space<vmem>>
    %dma_start3A_207 = arith.constant 0 : i32
    %dma_start3A_208 = tpu.memref_slice %arg13[%dma_start3A_203, %dma_start3A_207] : memref<4x128xi32, #tpu.memory_space<vmem>> -> memref<1x128xi32, #tpu.memory_space<vmem>>
    %dma_start3A_209 = tpu.memref_squeeze %dma_start3A_208 : memref<1x128xi32, #tpu.memory_space<vmem>> -> memref<128xi32, #tpu.memory_space<vmem>>
    %dma_start3A_210 = arith.constant 0 : i32
    %dma_start3A_211 = arith.constant 0 : i32
    %dma_start3A_212 = tpu.memref_slice %arg8[%dma_start3A_210, %dma_start3A_211] : memref<1000001x128xf32, #tpu.memory_space<hbm>> -> memref<1000001x128xf32, #tpu.memory_space<hbm>>
    tpu.enqueue_indirect_dma source(%dma_start3A_212 : memref<1000001x128xf32, #tpu.memory_space<hbm>>) target(%dma_start3A_206 : memref<128x128xf32, #tpu.memory_space<vmem>>) offsets(%dma_start3A_209 : memref<128xi32, #tpu.memory_space<vmem>>) semaphore(%arg24 : memref<!tpu.dma_semaphore, #tpu.memory_space<semaphore_mem>>)
    %dma_start3A_213 = arith.constant 3 : i32
    %dma_start3A_214 = arith.constant 0 : i32
    %dma_start3A_215 = arith.constant 0 : i32
    %dma_start3A_216 = tpu.memref_slice %arg20[%dma_start3A_214, %dma_start3A_215] : memref<128x128xf32, #tpu.memory_space<vmem>> -> memref<128x128xf32, #tpu.memory_space<vmem>>
    %dma_start3A_217 = arith.constant 0 : i32
    %dma_start3A_218 = tpu.memref_slice %arg14[%dma_start3A_213, %dma_start3A_217] : memref<4x128xi32, #tpu.memory_space<vmem>> -> memref<1x128xi32, #tpu.memory_space<vmem>>
    %dma_start3A_219 = tpu.memref_squeeze %dma_start3A_218 : memref<1x128xi32, #tpu.memory_space<vmem>> -> memref<128xi32, #tpu.memory_space<vmem>>
    %dma_start3A_220 = arith.constant 0 : i32
    %dma_start3A_221 = arith.constant 0 : i32
    %dma_start3A_222 = tpu.memref_slice %arg8[%dma_start3A_220, %dma_start3A_221] : memref<1000001x128xf32, #tpu.memory_space<hbm>> -> memref<1000001x128xf32, #tpu.memory_space<hbm>>
    tpu.enqueue_indirect_dma source(%dma_start3A_222 : memref<1000001x128xf32, #tpu.memory_space<hbm>>) target(%dma_start3A_216 : memref<128x128xf32, #tpu.memory_space<vmem>>) offsets(%dma_start3A_219 : memref<128xi32, #tpu.memory_space<vmem>>) semaphore(%arg24 : memref<!tpu.dma_semaphore, #tpu.memory_space<semaphore_mem>>)
    %scan3A_223 = arith.constant 0 : i32
    %scan3A_224 = arith.constant 0 : i32
    %scan3A_225 = arith.constant 8 : i32
    %scan3A_226 = arith.addi %scan3A_224, %scan3A_225 : i32
    %scan3A_227 = arith.constant 1 : i32
    scf.for %scan3A_539 = %scan3A_224 to %scan3A_226 step %scan3A_227  : i32 {
      %mul3A_540 = arith.constant 16 : i32
      %mul3A_541 = arith.muli %scan3A_539, %mul3A_540 : i32
      %add3A_542 = vector.broadcast %mul3A_541 : i32 to vector<16xi32>
      %add3A_543 = arith.addi %add3A_542, %iota3A : vector<16xi32>
      %scan3A_544 = arith.constant 0 : i32
      %scan3A_545 = arith.constant 16 : i32
      %scan3A_546 = arith.addi %scan3A_544, %scan3A_545 : i32
      %scan3A_547 = arith.constant 1 : i32
      %scan3A_548 = scf.for %scan3A_555 = %scan3A_544 to %scan3A_546 step %scan3A_547 iter_args(%scan3A_556 = %broadcast_in_dim3A_1) -> (vector<16xf32>)  : i32 {
        %mul3A_557 = arith.constant 4 : i32
        %mul3A_558 = arith.muli %scan3A_555, %mul3A_557 : i32
        %add3A_559 = arith.constant 0 : i32
        %add3A_560 = arith.addi %mul3A_558, %add3A_559 : i32
        %broadcast_in_dim3A_561 = vector.broadcast %add3A_560 : i32 to vector<16xi32>
        %gather3A = tpu.vector_load_idx %arg15[%add3A_543, %broadcast_in_dim3A_561] : memref<128x128xf32, #tpu.memory_space<vmem>>[vector<16xi32>, vector<16xi32>], vector<16xf32>,
        %add3A_562 = arith.constant 64 : i32
        %add3A_563 = vector.broadcast %add3A_562 : i32 to vector<16xi32>
        %add3A_564 = arith.addi %broadcast_in_dim3A_561, %add3A_563 : vector<16xi32>
        %gather3A_565 = tpu.vector_load_idx %arg16[%add3A_543, %add3A_564] : memref<128x128xf32, #tpu.memory_space<vmem>>[vector<16xi32>, vector<16xi32>], vector<16xf32>,
        %gather3A_566 = tpu.vector_load_idx %arg17[%add3A_543, %broadcast_in_dim3A_561] : memref<128x128xf32, #tpu.memory_space<vmem>>[vector<16xi32>, vector<16xi32>], vector<16xf32>,
        %add3A_567 = arith.addf %gather3A, %gather3A_565 : vector<16xf32>
        %sub3A = arith.subf %add3A_567, %gather3A_566 : vector<16xf32>
        %abs3A = math.absf %sub3A : vector<16xf32>
        %add3A_568 = arith.addf %scan3A_556, %abs3A : vector<16xf32>
        %mul3A_569 = arith.constant 4 : i32
        %mul3A_570 = arith.muli %scan3A_555, %mul3A_569 : i32
        %add3A_571 = arith.constant 1 : i32
        %add3A_572 = arith.addi %mul3A_570, %add3A_571 : i32
        %broadcast_in_dim3A_573 = vector.broadcast %add3A_572 : i32 to vector<16xi32>
        %gather3A_574 = tpu.vector_load_idx %arg15[%add3A_543, %broadcast_in_dim3A_573] : memref<128x128xf32, #tpu.memory_space<vmem>>[vector<16xi32>, vector<16xi32>], vector<16xf32>,
        %add3A_575 = arith.constant 64 : i32
        %add3A_576 = vector.broadcast %add3A_575 : i32 to vector<16xi32>
        %add3A_577 = arith.addi %broadcast_in_dim3A_573, %add3A_576 : vector<16xi32>
        %gather3A_578 = tpu.vector_load_idx %arg16[%add3A_543, %add3A_577] : memref<128x128xf32, #tpu.memory_space<vmem>>[vector<16xi32>, vector<16xi32>], vector<16xf32>,
        %gather3A_579 = tpu.vector_load_idx %arg17[%add3A_543, %broadcast_in_dim3A_573] : memref<128x128xf32, #tpu.memory_space<vmem>>[vector<16xi32>, vector<16xi32>], vector<16xf32>,
        %add3A_580 = arith.addf %gather3A_574, %gather3A_578 : vector<16xf32>
        %sub3A_581 = arith.subf %add3A_580, %gather3A_579 : vector<16xf32>
        %abs3A_582 = math.absf %sub3A_581 : vector<16xf32>
        %add3A_583 = arith.addf %add3A_568, %abs3A_582 : vector<16xf32>
        %mul3A_584 = arith.constant 4 : i32
        %mul3A_585 = arith.muli %scan3A_555, %mul3A_584 : i32
        %add3A_586 = arith.constant 2 : i32
        %add3A_587 = arith.addi %mul3A_585, %add3A_586 : i32
        %broadcast_in_dim3A_588 = vector.broadcast %add3A_587 : i32 to vector<16xi32>
        %gather3A_589 = tpu.vector_load_idx %arg15[%add3A_543, %broadcast_in_dim3A_588] : memref<128x128xf32, #tpu.memory_space<vmem>>[vector<16xi32>, vector<16xi32>], vector<16xf32>,
        %add3A_590 = arith.constant 64 : i32
        %add3A_591 = vector.broadcast %add3A_590 : i32 to vector<16xi32>
        %add3A_592 = arith.addi %broadcast_in_dim3A_588, %add3A_591 : vector<16xi32>
        %gather3A_593 = tpu.vector_load_idx %arg16[%add3A_543, %add3A_592] : memref<128x128xf32, #tpu.memory_space<vmem>>[vector<16xi32>, vector<16xi32>], vector<16xf32>,
        %gather3A_594 = tpu.vector_load_idx %arg17[%add3A_543, %broadcast_in_dim3A_588] : memref<128x128xf32, #tpu.memory_space<vmem>>[vector<16xi32>, vector<16xi32>], vector<16xf32>,
        %add3A_595 = arith.addf %gather3A_589, %gather3A_593 : vector<16xf32>
        %sub3A_596 = arith.subf %add3A_595, %gather3A_594 : vector<16xf32>
        %abs3A_597 = math.absf %sub3A_596 : vector<16xf32>
        %add3A_598 = arith.addf %add3A_583, %abs3A_597 : vector<16xf32>
        %mul3A_599 = arith.constant 4 : i32
        %mul3A_600 = arith.muli %scan3A_555, %mul3A_599 : i32
        %add3A_601 = arith.constant 3 : i32
        %add3A_602 = arith.addi %mul3A_600, %add3A_601 : i32
        %broadcast_in_dim3A_603 = vector.broadcast %add3A_602 : i32 to vector<16xi32>
        %gather3A_604 = tpu.vector_load_idx %arg15[%add3A_543, %broadcast_in_dim3A_603] : memref<128x128xf32, #tpu.memory_space<vmem>>[vector<16xi32>, vector<16xi32>], vector<16xf32>,
        %add3A_605 = arith.constant 64 : i32
        %add3A_606 = vector.broadcast %add3A_605 : i32 to vector<16xi32>
        %add3A_607 = arith.addi %broadcast_in_dim3A_603, %add3A_606 : vector<16xi32>
        %gather3A_608 = tpu.vector_load_idx %arg16[%add3A_543, %add3A_607] : memref<128x128xf32, #tpu.memory_space<vmem>>[vector<16xi32>, vector<16xi32>], vector<16xf32>,
        %gather3A_609 = tpu.vector_load_idx %arg17[%add3A_543, %broadcast_in_dim3A_603] : memref<128x128xf32, #tpu.memory_space<vmem>>[vector<16xi32>, vector<16xi32>], vector<16xf32>,
        %add3A_610 = arith.addf %gather3A_604, %gather3A_608 : vector<16xf32>
        %sub3A_611 = arith.subf %add3A_610, %gather3A_609 : vector<16xf32>
        %abs3A_612 = math.absf %sub3A_611 : vector<16xf32>
        %add3A_613 = arith.addf %add3A_598, %abs3A_612 : vector<16xf32>
        scf.yield %add3A_613 : vector<16xf32>
      }
      %scan3A_549 = arith.constant 16 : i32
      %mul3A_550 = arith.constant 16 : i32
      %mul3A_551 = arith.muli %scan3A_539, %mul3A_550 : i32
      %add3A_552 = arith.constant 256 : i32
      %add3A_553 = arith.addi %add3A_552, %mul3A_551 : i32
      %swap3A = arith.index_cast %add3A_553 : i32 to index
      %swap3A_554 = tpu.vector_load %arg21[%swap3A] {strides = array<i32>} : memref<512xf32, #tpu.memory_space<vmem>>, vector<16xf32>,
      tpu.vector_store %arg21[%swap3A], %scan3A_548 {strides = array<i32>} : memref<512xf32, #tpu.memory_space<vmem>>, vector<16xf32>,
    }
    %scan3A_228 = arith.constant 8 : i32
    %dma_wait3A_229 = arith.constant 3 : i32
    %dma_wait3A_230 = arith.constant 0 : i32
    %dma_wait3A_231 = arith.constant 0 : i32
    %dma_wait3A_232 = tpu.memref_slice %arg18[%dma_wait3A_230, %dma_wait3A_231] : memref<128x128xf32, #tpu.memory_space<vmem>> -> memref<128x128xf32, #tpu.memory_space<vmem>>
    %dma_wait3A_233 = arith.constant 0 : i32
    %dma_wait3A_234 = tpu.memref_slice %arg12[%dma_wait3A_229, %dma_wait3A_233] : memref<4x128xi32, #tpu.memory_space<vmem>> -> memref<1x128xi32, #tpu.memory_space<vmem>>
    %dma_wait3A_235 = tpu.memref_squeeze %dma_wait3A_234 : memref<1x128xi32, #tpu.memory_space<vmem>> -> memref<128xi32, #tpu.memory_space<vmem>>
    %dma_wait3A_236 = arith.constant 0 : i32
    %dma_wait3A_237 = arith.constant 0 : i32
    %dma_wait3A_238 = tpu.memref_slice %arg8[%dma_wait3A_236, %dma_wait3A_237] : memref<1000001x128xf32, #tpu.memory_space<hbm>> -> memref<1000001x128xf32, #tpu.memory_space<hbm>>
    tpu.wait_indirect_dma semaphore(%arg24 : memref<!tpu.dma_semaphore, #tpu.memory_space<semaphore_mem>>) src(%dma_wait3A_238 : memref<1000001x128xf32, #tpu.memory_space<hbm>>) dst(%dma_wait3A_232 : memref<128x128xf32, #tpu.memory_space<vmem>>)
    %dma_wait3A_239 = arith.constant 3 : i32
    %dma_wait3A_240 = arith.constant 0 : i32
    %dma_wait3A_241 = arith.constant 0 : i32
    %dma_wait3A_242 = tpu.memref_slice %arg19[%dma_wait3A_240, %dma_wait3A_241] : memref<128x128xf32, #tpu.memory_space<vmem>> -> memref<128x128xf32, #tpu.memory_space<vmem>>
    %dma_wait3A_243 = arith.constant 0 : i32
    %dma_wait3A_244 = tpu.memref_slice %arg13[%dma_wait3A_239, %dma_wait3A_243] : memref<4x128xi32, #tpu.memory_space<vmem>> -> memref<1x128xi32, #tpu.memory_space<vmem>>
    %dma_wait3A_245 = tpu.memref_squeeze %dma_wait3A_244 : memref<1x128xi32, #tpu.memory_space<vmem>> -> memref<128xi32, #tpu.memory_space<vmem>>
    %dma_wait3A_246 = arith.constant 0 : i32
    %dma_wait3A_247 = arith.constant 0 : i32
    %dma_wait3A_248 = tpu.memref_slice %arg8[%dma_wait3A_246, %dma_wait3A_247] : memref<1000001x128xf32, #tpu.memory_space<hbm>> -> memref<1000001x128xf32, #tpu.memory_space<hbm>>
    tpu.wait_indirect_dma semaphore(%arg24 : memref<!tpu.dma_semaphore, #tpu.memory_space<semaphore_mem>>) src(%dma_wait3A_248 : memref<1000001x128xf32, #tpu.memory_space<hbm>>) dst(%dma_wait3A_242 : memref<128x128xf32, #tpu.memory_space<vmem>>)
    %dma_wait3A_249 = arith.constant 3 : i32
    %dma_wait3A_250 = arith.constant 0 : i32
    %dma_wait3A_251 = arith.constant 0 : i32
    %dma_wait3A_252 = tpu.memref_slice %arg20[%dma_wait3A_250, %dma_wait3A_251] : memref<128x128xf32, #tpu.memory_space<vmem>> -> memref<128x128xf32, #tpu.memory_space<vmem>>
    %dma_wait3A_253 = arith.constant 0 : i32
    %dma_wait3A_254 = tpu.memref_slice %arg14[%dma_wait3A_249, %dma_wait3A_253] : memref<4x128xi32, #tpu.memory_space<vmem>> -> memref<1x128xi32, #tpu.memory_space<vmem>>
    %dma_wait3A_255 = tpu.memref_squeeze %dma_wait3A_254 : memref<1x128xi32, #tpu.memory_space<vmem>> -> memref<128xi32, #tpu.memory_space<vmem>>
    %dma_wait3A_256 = arith.constant 0 : i32
    %dma_wait3A_257 = arith.constant 0 : i32
    %dma_wait3A_258 = tpu.memref_slice %arg8[%dma_wait3A_256, %dma_wait3A_257] : memref<1000001x128xf32, #tpu.memory_space<hbm>> -> memref<1000001x128xf32, #tpu.memory_space<hbm>>
    tpu.wait_indirect_dma semaphore(%arg24 : memref<!tpu.dma_semaphore, #tpu.memory_space<semaphore_mem>>) src(%dma_wait3A_258 : memref<1000001x128xf32, #tpu.memory_space<hbm>>) dst(%dma_wait3A_252 : memref<128x128xf32, #tpu.memory_space<vmem>>)
    %scan3A_259 = arith.constant 0 : i32
    %scan3A_260 = arith.constant 0 : i32
    %scan3A_261 = arith.constant 8 : i32
    %scan3A_262 = arith.addi %scan3A_260, %scan3A_261 : i32
    %scan3A_263 = arith.constant 1 : i32
    scf.for %scan3A_539 = %scan3A_260 to %scan3A_262 step %scan3A_263  : i32 {
      %mul3A_540 = arith.constant 16 : i32
      %mul3A_541 = arith.muli %scan3A_539, %mul3A_540 : i32
      %add3A_542 = vector.broadcast %mul3A_541 : i32 to vector<16xi32>
      %add3A_543 = arith.addi %add3A_542, %iota3A : vector<16xi32>
      %scan3A_544 = arith.constant 0 : i32
      %scan3A_545 = arith.constant 16 : i32
      %scan3A_546 = arith.addi %scan3A_544, %scan3A_545 : i32
      %scan3A_547 = arith.constant 1 : i32
      %scan3A_548 = scf.for %scan3A_555 = %scan3A_544 to %scan3A_546 step %scan3A_547 iter_args(%scan3A_556 = %broadcast_in_dim3A_1) -> (vector<16xf32>)  : i32 {
        %mul3A_557 = arith.constant 4 : i32
        %mul3A_558 = arith.muli %scan3A_555, %mul3A_557 : i32
        %add3A_559 = arith.constant 0 : i32
        %add3A_560 = arith.addi %mul3A_558, %add3A_559 : i32
        %broadcast_in_dim3A_561 = vector.broadcast %add3A_560 : i32 to vector<16xi32>
        %gather3A = tpu.vector_load_idx %arg18[%add3A_543, %broadcast_in_dim3A_561] : memref<128x128xf32, #tpu.memory_space<vmem>>[vector<16xi32>, vector<16xi32>], vector<16xf32>,
        %add3A_562 = arith.constant 64 : i32
        %add3A_563 = vector.broadcast %add3A_562 : i32 to vector<16xi32>
        %add3A_564 = arith.addi %broadcast_in_dim3A_561, %add3A_563 : vector<16xi32>
        %gather3A_565 = tpu.vector_load_idx %arg19[%add3A_543, %add3A_564] : memref<128x128xf32, #tpu.memory_space<vmem>>[vector<16xi32>, vector<16xi32>], vector<16xf32>,
        %gather3A_566 = tpu.vector_load_idx %arg20[%add3A_543, %broadcast_in_dim3A_561] : memref<128x128xf32, #tpu.memory_space<vmem>>[vector<16xi32>, vector<16xi32>], vector<16xf32>,
        %add3A_567 = arith.addf %gather3A, %gather3A_565 : vector<16xf32>
        %sub3A = arith.subf %add3A_567, %gather3A_566 : vector<16xf32>
        %abs3A = math.absf %sub3A : vector<16xf32>
        %add3A_568 = arith.addf %scan3A_556, %abs3A : vector<16xf32>
        %mul3A_569 = arith.constant 4 : i32
        %mul3A_570 = arith.muli %scan3A_555, %mul3A_569 : i32
        %add3A_571 = arith.constant 1 : i32
        %add3A_572 = arith.addi %mul3A_570, %add3A_571 : i32
        %broadcast_in_dim3A_573 = vector.broadcast %add3A_572 : i32 to vector<16xi32>
        %gather3A_574 = tpu.vector_load_idx %arg18[%add3A_543, %broadcast_in_dim3A_573] : memref<128x128xf32, #tpu.memory_space<vmem>>[vector<16xi32>, vector<16xi32>], vector<16xf32>,
        %add3A_575 = arith.constant 64 : i32
        %add3A_576 = vector.broadcast %add3A_575 : i32 to vector<16xi32>
        %add3A_577 = arith.addi %broadcast_in_dim3A_573, %add3A_576 : vector<16xi32>
        %gather3A_578 = tpu.vector_load_idx %arg19[%add3A_543, %add3A_577] : memref<128x128xf32, #tpu.memory_space<vmem>>[vector<16xi32>, vector<16xi32>], vector<16xf32>,
        %gather3A_579 = tpu.vector_load_idx %arg20[%add3A_543, %broadcast_in_dim3A_573] : memref<128x128xf32, #tpu.memory_space<vmem>>[vector<16xi32>, vector<16xi32>], vector<16xf32>,
        %add3A_580 = arith.addf %gather3A_574, %gather3A_578 : vector<16xf32>
        %sub3A_581 = arith.subf %add3A_580, %gather3A_579 : vector<16xf32>
        %abs3A_582 = math.absf %sub3A_581 : vector<16xf32>
        %add3A_583 = arith.addf %add3A_568, %abs3A_582 : vector<16xf32>
        %mul3A_584 = arith.constant 4 : i32
        %mul3A_585 = arith.muli %scan3A_555, %mul3A_584 : i32
        %add3A_586 = arith.constant 2 : i32
        %add3A_587 = arith.addi %mul3A_585, %add3A_586 : i32
        %broadcast_in_dim3A_588 = vector.broadcast %add3A_587 : i32 to vector<16xi32>
        %gather3A_589 = tpu.vector_load_idx %arg18[%add3A_543, %broadcast_in_dim3A_588] : memref<128x128xf32, #tpu.memory_space<vmem>>[vector<16xi32>, vector<16xi32>], vector<16xf32>,
        %add3A_590 = arith.constant 64 : i32
        %add3A_591 = vector.broadcast %add3A_590 : i32 to vector<16xi32>
        %add3A_592 = arith.addi %broadcast_in_dim3A_588, %add3A_591 : vector<16xi32>
        %gather3A_593 = tpu.vector_load_idx %arg19[%add3A_543, %add3A_592] : memref<128x128xf32, #tpu.memory_space<vmem>>[vector<16xi32>, vector<16xi32>], vector<16xf32>,
        %gather3A_594 = tpu.vector_load_idx %arg20[%add3A_543, %broadcast_in_dim3A_588] : memref<128x128xf32, #tpu.memory_space<vmem>>[vector<16xi32>, vector<16xi32>], vector<16xf32>,
        %add3A_595 = arith.addf %gather3A_589, %gather3A_593 : vector<16xf32>
        %sub3A_596 = arith.subf %add3A_595, %gather3A_594 : vector<16xf32>
        %abs3A_597 = math.absf %sub3A_596 : vector<16xf32>
        %add3A_598 = arith.addf %add3A_583, %abs3A_597 : vector<16xf32>
        %mul3A_599 = arith.constant 4 : i32
        %mul3A_600 = arith.muli %scan3A_555, %mul3A_599 : i32
        %add3A_601 = arith.constant 3 : i32
        %add3A_602 = arith.addi %mul3A_600, %add3A_601 : i32
        %broadcast_in_dim3A_603 = vector.broadcast %add3A_602 : i32 to vector<16xi32>
        %gather3A_604 = tpu.vector_load_idx %arg18[%add3A_543, %broadcast_in_dim3A_603] : memref<128x128xf32, #tpu.memory_space<vmem>>[vector<16xi32>, vector<16xi32>], vector<16xf32>,
        %add3A_605 = arith.constant 64 : i32
        %add3A_606 = vector.broadcast %add3A_605 : i32 to vector<16xi32>
        %add3A_607 = arith.addi %broadcast_in_dim3A_603, %add3A_606 : vector<16xi32>
        %gather3A_608 = tpu.vector_load_idx %arg19[%add3A_543, %add3A_607] : memref<128x128xf32, #tpu.memory_space<vmem>>[vector<16xi32>, vector<16xi32>], vector<16xf32>,
        %gather3A_609 = tpu.vector_load_idx %arg20[%add3A_543, %broadcast_in_dim3A_603] : memref<128x128xf32, #tpu.memory_space<vmem>>[vector<16xi32>, vector<16xi32>], vector<16xf32>,
        %add3A_610 = arith.addf %gather3A_604, %gather3A_608 : vector<16xf32>
        %sub3A_611 = arith.subf %add3A_610, %gather3A_609 : vector<16xf32>
        %abs3A_612 = math.absf %sub3A_611 : vector<16xf32>
        %add3A_613 = arith.addf %add3A_598, %abs3A_612 : vector<16xf32>
        scf.yield %add3A_613 : vector<16xf32>
      }
      %scan3A_549 = arith.constant 16 : i32
      %mul3A_550 = arith.constant 16 : i32
      %mul3A_551 = arith.muli %scan3A_539, %mul3A_550 : i32
      %add3A_552 = arith.constant 384 : i32
      %add3A_553 = arith.addi %add3A_552, %mul3A_551 : i32
      %swap3A = arith.index_cast %add3A_553 : i32 to index
      %swap3A_554 = tpu.vector_load %arg21[%swap3A] {strides = array<i32>} : memref<512xf32, #tpu.memory_space<vmem>>, vector<16xf32>,
      tpu.vector_store %arg21[%swap3A], %scan3A_548 {strides = array<i32>} : memref<512xf32, #tpu.memory_space<vmem>>, vector<16xf32>,
    }
    %scan3A_264 = arith.constant 8 : i32
    %mul3A_265 = arith.constant 4 : i32
    %mul3A_266 = arith.muli %add3A, %mul3A_265 : i32
    "tpu.region"() ({
      %run_scoped3A = tpu.sem_alloc : memref<!tpu.dma_semaphore, #tpu.memory_space<semaphore_mem>>
      %dma_start3A_539 = arith.constant 0 : i32
      %dma_start3A_540 = tpu.memref_slice %arg5[%mul3A_266, %dma_start3A_539] : memref<128x128xi32, #tpu.memory_space<hbm>> -> memref<4x128xi32, #tpu.memory_space<hbm>>
      %dma_start3A_541 = arith.constant 0 : i32
      %dma_start3A_542 = tpu.memref_slice %arg5[%mul3A_266, %dma_start3A_541] : memref<128x128xi32, #tpu.memory_space<hbm>> -> memref<4x128xi32, #tpu.memory_space<hbm>>
      tpu.enqueue_dma source(%dma_start3A_542 : memref<4x128xi32, #tpu.memory_space<hbm>>) target(%arg12 : memref<4x128xi32, #tpu.memory_space<vmem>>) target_semaphore(%run_scoped3A : memref<!tpu.dma_semaphore, #tpu.memory_space<semaphore_mem>>)
      %dma_wait3A_543 = arith.constant 0 : i32
      %dma_wait3A_544 = tpu.memref_slice %arg5[%mul3A_266, %dma_wait3A_543] : memref<128x128xi32, #tpu.memory_space<hbm>> -> memref<4x128xi32, #tpu.memory_space<hbm>>
      %dma_wait3A_545 = arith.constant 0 : i32
      %dma_wait3A_546 = tpu.memref_slice %arg5[%mul3A_266, %dma_wait3A_545] : memref<128x128xi32, #tpu.memory_space<hbm>> -> memref<4x128xi32, #tpu.memory_space<hbm>>
      tpu.wait_dma2 semaphore(%run_scoped3A : memref<!tpu.dma_semaphore, #tpu.memory_space<semaphore_mem>>) src(%dma_wait3A_546 : memref<4x128xi32, #tpu.memory_space<hbm>>) dst(%arg12 : memref<4x128xi32, #tpu.memory_space<vmem>>)
      tpu.yield
    }) : () -> ()
    "tpu.region"() ({
      %run_scoped3A = tpu.sem_alloc : memref<!tpu.dma_semaphore, #tpu.memory_space<semaphore_mem>>
      %dma_start3A_539 = arith.constant 0 : i32
      %dma_start3A_540 = tpu.memref_slice %arg6[%mul3A_266, %dma_start3A_539] : memref<128x128xi32, #tpu.memory_space<hbm>> -> memref<4x128xi32, #tpu.memory_space<hbm>>
      %dma_start3A_541 = arith.constant 0 : i32
      %dma_start3A_542 = tpu.memref_slice %arg6[%mul3A_266, %dma_start3A_541] : memref<128x128xi32, #tpu.memory_space<hbm>> -> memref<4x128xi32, #tpu.memory_space<hbm>>
      tpu.enqueue_dma source(%dma_start3A_542 : memref<4x128xi32, #tpu.memory_space<hbm>>) target(%arg13 : memref<4x128xi32, #tpu.memory_space<vmem>>) target_semaphore(%run_scoped3A : memref<!tpu.dma_semaphore, #tpu.memory_space<semaphore_mem>>)
      %dma_wait3A_543 = arith.constant 0 : i32
      %dma_wait3A_544 = tpu.memref_slice %arg6[%mul3A_266, %dma_wait3A_543] : memref<128x128xi32, #tpu.memory_space<hbm>> -> memref<4x128xi32, #tpu.memory_space<hbm>>
      %dma_wait3A_545 = arith.constant 0 : i32
      %dma_wait3A_546 = tpu.memref_slice %arg6[%mul3A_266, %dma_wait3A_545] : memref<128x128xi32, #tpu.memory_space<hbm>> -> memref<4x128xi32, #tpu.memory_space<hbm>>
      tpu.wait_dma2 semaphore(%run_scoped3A : memref<!tpu.dma_semaphore, #tpu.memory_space<semaphore_mem>>) src(%dma_wait3A_546 : memref<4x128xi32, #tpu.memory_space<hbm>>) dst(%arg13 : memref<4x128xi32, #tpu.memory_space<vmem>>)
      tpu.yield
    }) : () -> ()
    "tpu.region"() ({
      %run_scoped3A = tpu.sem_alloc : memref<!tpu.dma_semaphore, #tpu.memory_space<semaphore_mem>>
      %dma_start3A_539 = arith.constant 0 : i32
      %dma_start3A_540 = tpu.memref_slice %arg7[%mul3A_266, %dma_start3A_539] : memref<128x128xi32, #tpu.memory_space<hbm>> -> memref<4x128xi32, #tpu.memory_space<hbm>>
      %dma_start3A_541 = arith.constant 0 : i32
      %dma_start3A_542 = tpu.memref_slice %arg7[%mul3A_266, %dma_start3A_541] : memref<128x128xi32, #tpu.memory_space<hbm>> -> memref<4x128xi32, #tpu.memory_space<hbm>>
      tpu.enqueue_dma source(%dma_start3A_542 : memref<4x128xi32, #tpu.memory_space<hbm>>) target(%arg14 : memref<4x128xi32, #tpu.memory_space<vmem>>) target_semaphore(%run_scoped3A : memref<!tpu.dma_semaphore, #tpu.memory_space<semaphore_mem>>)
      %dma_wait3A_543 = arith.constant 0 : i32
      %dma_wait3A_544 = tpu.memref_slice %arg7[%mul3A_266, %dma_wait3A_543] : memref<128x128xi32, #tpu.memory_space<hbm>> -> memref<4x128xi32, #tpu.memory_space<hbm>>
      %dma_wait3A_545 = arith.constant 0 : i32
      %dma_wait3A_546 = tpu.memref_slice %arg7[%mul3A_266, %dma_wait3A_545] : memref<128x128xi32, #tpu.memory_space<hbm>> -> memref<4x128xi32, #tpu.memory_space<hbm>>
      tpu.wait_dma2 semaphore(%run_scoped3A : memref<!tpu.dma_semaphore, #tpu.memory_space<semaphore_mem>>) src(%dma_wait3A_546 : memref<4x128xi32, #tpu.memory_space<hbm>>) dst(%arg14 : memref<4x128xi32, #tpu.memory_space<vmem>>)
      tpu.yield
    }) : () -> ()
    %dma_start3A_267 = arith.constant 0 : i32
    %dma_start3A_268 = arith.constant 0 : i32
    %dma_start3A_269 = arith.constant 0 : i32
    %dma_start3A_270 = tpu.memref_slice %arg15[%dma_start3A_268, %dma_start3A_269] : memref<128x128xf32, #tpu.memory_space<vmem>> -> memref<128x128xf32, #tpu.memory_space<vmem>>
    %dma_start3A_271 = arith.constant 0 : i32
    %dma_start3A_272 = tpu.memref_slice %arg12[%dma_start3A_267, %dma_start3A_271] : memref<4x128xi32, #tpu.memory_space<vmem>> -> memref<1x128xi32, #tpu.memory_space<vmem>>
    %dma_start3A_273 = tpu.memref_squeeze %dma_start3A_272 : memref<1x128xi32, #tpu.memory_space<vmem>> -> memref<128xi32, #tpu.memory_space<vmem>>
    %dma_start3A_274 = arith.constant 0 : i32
    %dma_start3A_275 = arith.constant 0 : i32
    %dma_start3A_276 = tpu.memref_slice %arg8[%dma_start3A_274, %dma_start3A_275] : memref<1000001x128xf32, #tpu.memory_space<hbm>> -> memref<1000001x128xf32, #tpu.memory_space<hbm>>
    tpu.enqueue_indirect_dma source(%dma_start3A_276 : memref<1000001x128xf32, #tpu.memory_space<hbm>>) target(%dma_start3A_270 : memref<128x128xf32, #tpu.memory_space<vmem>>) offsets(%dma_start3A_273 : memref<128xi32, #tpu.memory_space<vmem>>) semaphore(%arg24 : memref<!tpu.dma_semaphore, #tpu.memory_space<semaphore_mem>>)
    %dma_start3A_277 = arith.constant 0 : i32
    %dma_start3A_278 = arith.constant 0 : i32
    %dma_start3A_279 = arith.constant 0 : i32
    %dma_start3A_280 = tpu.memref_slice %arg16[%dma_start3A_278, %dma_start3A_279] : memref<128x128xf32, #tpu.memory_space<vmem>> -> memref<128x128xf32, #tpu.memory_space<vmem>>
    %dma_start3A_281 = arith.constant 0 : i32
    %dma_start3A_282 = tpu.memref_slice %arg13[%dma_start3A_277, %dma_start3A_281] : memref<4x128xi32, #tpu.memory_space<vmem>> -> memref<1x128xi32, #tpu.memory_space<vmem>>
    %dma_start3A_283 = tpu.memref_squeeze %dma_start3A_282 : memref<1x128xi32, #tpu.memory_space<vmem>> -> memref<128xi32, #tpu.memory_space<vmem>>
    %dma_start3A_284 = arith.constant 0 : i32
    %dma_start3A_285 = arith.constant 0 : i32
    %dma_start3A_286 = tpu.memref_slice %arg8[%dma_start3A_284, %dma_start3A_285] : memref<1000001x128xf32, #tpu.memory_space<hbm>> -> memref<1000001x128xf32, #tpu.memory_space<hbm>>
    tpu.enqueue_indirect_dma source(%dma_start3A_286 : memref<1000001x128xf32, #tpu.memory_space<hbm>>) target(%dma_start3A_280 : memref<128x128xf32, #tpu.memory_space<vmem>>) offsets(%dma_start3A_283 : memref<128xi32, #tpu.memory_space<vmem>>) semaphore(%arg24 : memref<!tpu.dma_semaphore, #tpu.memory_space<semaphore_mem>>)
    %dma_start3A_287 = arith.constant 0 : i32
    %dma_start3A_288 = arith.constant 0 : i32
    %dma_start3A_289 = arith.constant 0 : i32
    %dma_start3A_290 = tpu.memref_slice %arg17[%dma_start3A_288, %dma_start3A_289] : memref<128x128xf32, #tpu.memory_space<vmem>> -> memref<128x128xf32, #tpu.memory_space<vmem>>
    %dma_start3A_291 = arith.constant 0 : i32
    %dma_start3A_292 = tpu.memref_slice %arg14[%dma_start3A_287, %dma_start3A_291] : memref<4x128xi32, #tpu.memory_space<vmem>> -> memref<1x128xi32, #tpu.memory_space<vmem>>
    %dma_start3A_293 = tpu.memref_squeeze %dma_start3A_292 : memref<1x128xi32, #tpu.memory_space<vmem>> -> memref<128xi32, #tpu.memory_space<vmem>>
    %dma_start3A_294 = arith.constant 0 : i32
    %dma_start3A_295 = arith.constant 0 : i32
    %dma_start3A_296 = tpu.memref_slice %arg8[%dma_start3A_294, %dma_start3A_295] : memref<1000001x128xf32, #tpu.memory_space<hbm>> -> memref<1000001x128xf32, #tpu.memory_space<hbm>>
    tpu.enqueue_indirect_dma source(%dma_start3A_296 : memref<1000001x128xf32, #tpu.memory_space<hbm>>) target(%dma_start3A_290 : memref<128x128xf32, #tpu.memory_space<vmem>>) offsets(%dma_start3A_293 : memref<128xi32, #tpu.memory_space<vmem>>) semaphore(%arg24 : memref<!tpu.dma_semaphore, #tpu.memory_space<semaphore_mem>>)
    %dma_wait3A_297 = arith.constant 0 : i32
    %dma_wait3A_298 = arith.constant 0 : i32
    %dma_wait3A_299 = arith.constant 0 : i32
    %dma_wait3A_300 = tpu.memref_slice %arg15[%dma_wait3A_298, %dma_wait3A_299] : memref<128x128xf32, #tpu.memory_space<vmem>> -> memref<128x128xf32, #tpu.memory_space<vmem>>
    %dma_wait3A_301 = arith.constant 0 : i32
    %dma_wait3A_302 = tpu.memref_slice %arg12[%dma_wait3A_297, %dma_wait3A_301] : memref<4x128xi32, #tpu.memory_space<vmem>> -> memref<1x128xi32, #tpu.memory_space<vmem>>
    %dma_wait3A_303 = tpu.memref_squeeze %dma_wait3A_302 : memref<1x128xi32, #tpu.memory_space<vmem>> -> memref<128xi32, #tpu.memory_space<vmem>>
    %dma_wait3A_304 = arith.constant 0 : i32
    %dma_wait3A_305 = arith.constant 0 : i32
    %dma_wait3A_306 = tpu.memref_slice %arg8[%dma_wait3A_304, %dma_wait3A_305] : memref<1000001x128xf32, #tpu.memory_space<hbm>> -> memref<1000001x128xf32, #tpu.memory_space<hbm>>
    tpu.wait_indirect_dma semaphore(%arg24 : memref<!tpu.dma_semaphore, #tpu.memory_space<semaphore_mem>>) src(%dma_wait3A_306 : memref<1000001x128xf32, #tpu.memory_space<hbm>>) dst(%dma_wait3A_300 : memref<128x128xf32, #tpu.memory_space<vmem>>)
    %dma_wait3A_307 = arith.constant 0 : i32
    %dma_wait3A_308 = arith.constant 0 : i32
    %dma_wait3A_309 = arith.constant 0 : i32
    %dma_wait3A_310 = tpu.memref_slice %arg16[%dma_wait3A_308, %dma_wait3A_309] : memref<128x128xf32, #tpu.memory_space<vmem>> -> memref<128x128xf32, #tpu.memory_space<vmem>>
    %dma_wait3A_311 = arith.constant 0 : i32
    %dma_wait3A_312 = tpu.memref_slice %arg13[%dma_wait3A_307, %dma_wait3A_311] : memref<4x128xi32, #tpu.memory_space<vmem>> -> memref<1x128xi32, #tpu.memory_space<vmem>>
    %dma_wait3A_313 = tpu.memref_squeeze %dma_wait3A_312 : memref<1x128xi32, #tpu.memory_space<vmem>> -> memref<128xi32, #tpu.memory_space<vmem>>
    %dma_wait3A_314 = arith.constant 0 : i32
    %dma_wait3A_315 = arith.constant 0 : i32
    %dma_wait3A_316 = tpu.memref_slice %arg8[%dma_wait3A_314, %dma_wait3A_315] : memref<1000001x128xf32, #tpu.memory_space<hbm>> -> memref<1000001x128xf32, #tpu.memory_space<hbm>>
    tpu.wait_indirect_dma semaphore(%arg24 : memref<!tpu.dma_semaphore, #tpu.memory_space<semaphore_mem>>) src(%dma_wait3A_316 : memref<1000001x128xf32, #tpu.memory_space<hbm>>) dst(%dma_wait3A_310 : memref<128x128xf32, #tpu.memory_space<vmem>>)
    %dma_wait3A_317 = arith.constant 0 : i32
    %dma_wait3A_318 = arith.constant 0 : i32
    %dma_wait3A_319 = arith.constant 0 : i32
    %dma_wait3A_320 = tpu.memref_slice %arg17[%dma_wait3A_318, %dma_wait3A_319] : memref<128x128xf32, #tpu.memory_space<vmem>> -> memref<128x128xf32, #tpu.memory_space<vmem>>
    %dma_wait3A_321 = arith.constant 0 : i32
    %dma_wait3A_322 = tpu.memref_slice %arg14[%dma_wait3A_317, %dma_wait3A_321] : memref<4x128xi32, #tpu.memory_space<vmem>> -> memref<1x128xi32, #tpu.memory_space<vmem>>
    %dma_wait3A_323 = tpu.memref_squeeze %dma_wait3A_322 : memref<1x128xi32, #tpu.memory_space<vmem>> -> memref<128xi32, #tpu.memory_space<vmem>>
    %dma_wait3A_324 = arith.constant 0 : i32
    %dma_wait3A_325 = arith.constant 0 : i32
    %dma_wait3A_326 = tpu.memref_slice %arg8[%dma_wait3A_324, %dma_wait3A_325] : memref<1000001x128xf32, #tpu.memory_space<hbm>> -> memref<1000001x128xf32, #tpu.memory_space<hbm>>
    tpu.wait_indirect_dma semaphore(%arg24 : memref<!tpu.dma_semaphore, #tpu.memory_space<semaphore_mem>>) src(%dma_wait3A_326 : memref<1000001x128xf32, #tpu.memory_space<hbm>>) dst(%dma_wait3A_320 : memref<128x128xf32, #tpu.memory_space<vmem>>)
    %dma_start3A_327 = arith.constant 1 : i32
    %dma_start3A_328 = arith.constant 0 : i32
    %dma_start3A_329 = arith.constant 0 : i32
    %dma_start3A_330 = tpu.memref_slice %arg18[%dma_start3A_328, %dma_start3A_329] : memref<128x128xf32, #tpu.memory_space<vmem>> -> memref<128x128xf32, #tpu.memory_space<vmem>>
    %dma_start3A_331 = arith.constant 0 : i32
    %dma_start3A_332 = tpu.memref_slice %arg12[%dma_start3A_327, %dma_start3A_331] : memref<4x128xi32, #tpu.memory_space<vmem>> -> memref<1x128xi32, #tpu.memory_space<vmem>>
    %dma_start3A_333 = tpu.memref_squeeze %dma_start3A_332 : memref<1x128xi32, #tpu.memory_space<vmem>> -> memref<128xi32, #tpu.memory_space<vmem>>
    %dma_start3A_334 = arith.constant 0 : i32
    %dma_start3A_335 = arith.constant 0 : i32
    %dma_start3A_336 = tpu.memref_slice %arg8[%dma_start3A_334, %dma_start3A_335] : memref<1000001x128xf32, #tpu.memory_space<hbm>> -> memref<1000001x128xf32, #tpu.memory_space<hbm>>
    tpu.enqueue_indirect_dma source(%dma_start3A_336 : memref<1000001x128xf32, #tpu.memory_space<hbm>>) target(%dma_start3A_330 : memref<128x128xf32, #tpu.memory_space<vmem>>) offsets(%dma_start3A_333 : memref<128xi32, #tpu.memory_space<vmem>>) semaphore(%arg24 : memref<!tpu.dma_semaphore, #tpu.memory_space<semaphore_mem>>)
    %dma_start3A_337 = arith.constant 1 : i32
    %dma_start3A_338 = arith.constant 0 : i32
    %dma_start3A_339 = arith.constant 0 : i32
    %dma_start3A_340 = tpu.memref_slice %arg19[%dma_start3A_338, %dma_start3A_339] : memref<128x128xf32, #tpu.memory_space<vmem>> -> memref<128x128xf32, #tpu.memory_space<vmem>>
    %dma_start3A_341 = arith.constant 0 : i32
    %dma_start3A_342 = tpu.memref_slice %arg13[%dma_start3A_337, %dma_start3A_341] : memref<4x128xi32, #tpu.memory_space<vmem>> -> memref<1x128xi32, #tpu.memory_space<vmem>>
    %dma_start3A_343 = tpu.memref_squeeze %dma_start3A_342 : memref<1x128xi32, #tpu.memory_space<vmem>> -> memref<128xi32, #tpu.memory_space<vmem>>
    %dma_start3A_344 = arith.constant 0 : i32
    %dma_start3A_345 = arith.constant 0 : i32
    %dma_start3A_346 = tpu.memref_slice %arg8[%dma_start3A_344, %dma_start3A_345] : memref<1000001x128xf32, #tpu.memory_space<hbm>> -> memref<1000001x128xf32, #tpu.memory_space<hbm>>
    tpu.enqueue_indirect_dma source(%dma_start3A_346 : memref<1000001x128xf32, #tpu.memory_space<hbm>>) target(%dma_start3A_340 : memref<128x128xf32, #tpu.memory_space<vmem>>) offsets(%dma_start3A_343 : memref<128xi32, #tpu.memory_space<vmem>>) semaphore(%arg24 : memref<!tpu.dma_semaphore, #tpu.memory_space<semaphore_mem>>)
    %dma_start3A_347 = arith.constant 1 : i32
    %dma_start3A_348 = arith.constant 0 : i32
    %dma_start3A_349 = arith.constant 0 : i32
    %dma_start3A_350 = tpu.memref_slice %arg20[%dma_start3A_348, %dma_start3A_349] : memref<128x128xf32, #tpu.memory_space<vmem>> -> memref<128x128xf32, #tpu.memory_space<vmem>>
    %dma_start3A_351 = arith.constant 0 : i32
    %dma_start3A_352 = tpu.memref_slice %arg14[%dma_start3A_347, %dma_start3A_351] : memref<4x128xi32, #tpu.memory_space<vmem>> -> memref<1x128xi32, #tpu.memory_space<vmem>>
    %dma_start3A_353 = tpu.memref_squeeze %dma_start3A_352 : memref<1x128xi32, #tpu.memory_space<vmem>> -> memref<128xi32, #tpu.memory_space<vmem>>
    %dma_start3A_354 = arith.constant 0 : i32
    %dma_start3A_355 = arith.constant 0 : i32
    %dma_start3A_356 = tpu.memref_slice %arg8[%dma_start3A_354, %dma_start3A_355] : memref<1000001x128xf32, #tpu.memory_space<hbm>> -> memref<1000001x128xf32, #tpu.memory_space<hbm>>
    tpu.enqueue_indirect_dma source(%dma_start3A_356 : memref<1000001x128xf32, #tpu.memory_space<hbm>>) target(%dma_start3A_350 : memref<128x128xf32, #tpu.memory_space<vmem>>) offsets(%dma_start3A_353 : memref<128xi32, #tpu.memory_space<vmem>>) semaphore(%arg24 : memref<!tpu.dma_semaphore, #tpu.memory_space<semaphore_mem>>)
    %scan3A_357 = arith.constant 0 : i32
    %scan3A_358 = arith.constant 0 : i32
    %scan3A_359 = arith.constant 8 : i32
    %scan3A_360 = arith.addi %scan3A_358, %scan3A_359 : i32
    %scan3A_361 = arith.constant 1 : i32
    scf.for %scan3A_539 = %scan3A_358 to %scan3A_360 step %scan3A_361  : i32 {
      %mul3A_540 = arith.constant 16 : i32
      %mul3A_541 = arith.muli %scan3A_539, %mul3A_540 : i32
      %add3A_542 = vector.broadcast %mul3A_541 : i32 to vector<16xi32>
      %add3A_543 = arith.addi %add3A_542, %iota3A : vector<16xi32>
      %scan3A_544 = arith.constant 0 : i32
      %scan3A_545 = arith.constant 16 : i32
      %scan3A_546 = arith.addi %scan3A_544, %scan3A_545 : i32
      %scan3A_547 = arith.constant 1 : i32
      %scan3A_548 = scf.for %scan3A_555 = %scan3A_544 to %scan3A_546 step %scan3A_547 iter_args(%scan3A_556 = %broadcast_in_dim3A_1) -> (vector<16xf32>)  : i32 {
        %mul3A_557 = arith.constant 4 : i32
        %mul3A_558 = arith.muli %scan3A_555, %mul3A_557 : i32
        %add3A_559 = arith.constant 0 : i32
        %add3A_560 = arith.addi %mul3A_558, %add3A_559 : i32
        %broadcast_in_dim3A_561 = vector.broadcast %add3A_560 : i32 to vector<16xi32>
        %gather3A = tpu.vector_load_idx %arg15[%add3A_543, %broadcast_in_dim3A_561] : memref<128x128xf32, #tpu.memory_space<vmem>>[vector<16xi32>, vector<16xi32>], vector<16xf32>,
        %add3A_562 = arith.constant 64 : i32
        %add3A_563 = vector.broadcast %add3A_562 : i32 to vector<16xi32>
        %add3A_564 = arith.addi %broadcast_in_dim3A_561, %add3A_563 : vector<16xi32>
        %gather3A_565 = tpu.vector_load_idx %arg16[%add3A_543, %add3A_564] : memref<128x128xf32, #tpu.memory_space<vmem>>[vector<16xi32>, vector<16xi32>], vector<16xf32>,
        %gather3A_566 = tpu.vector_load_idx %arg17[%add3A_543, %broadcast_in_dim3A_561] : memref<128x128xf32, #tpu.memory_space<vmem>>[vector<16xi32>, vector<16xi32>], vector<16xf32>,
        %add3A_567 = arith.addf %gather3A, %gather3A_565 : vector<16xf32>
        %sub3A = arith.subf %add3A_567, %gather3A_566 : vector<16xf32>
        %abs3A = math.absf %sub3A : vector<16xf32>
        %add3A_568 = arith.addf %scan3A_556, %abs3A : vector<16xf32>
        %mul3A_569 = arith.constant 4 : i32
        %mul3A_570 = arith.muli %scan3A_555, %mul3A_569 : i32
        %add3A_571 = arith.constant 1 : i32
        %add3A_572 = arith.addi %mul3A_570, %add3A_571 : i32
        %broadcast_in_dim3A_573 = vector.broadcast %add3A_572 : i32 to vector<16xi32>
        %gather3A_574 = tpu.vector_load_idx %arg15[%add3A_543, %broadcast_in_dim3A_573] : memref<128x128xf32, #tpu.memory_space<vmem>>[vector<16xi32>, vector<16xi32>], vector<16xf32>,
        %add3A_575 = arith.constant 64 : i32
        %add3A_576 = vector.broadcast %add3A_575 : i32 to vector<16xi32>
        %add3A_577 = arith.addi %broadcast_in_dim3A_573, %add3A_576 : vector<16xi32>
        %gather3A_578 = tpu.vector_load_idx %arg16[%add3A_543, %add3A_577] : memref<128x128xf32, #tpu.memory_space<vmem>>[vector<16xi32>, vector<16xi32>], vector<16xf32>,
        %gather3A_579 = tpu.vector_load_idx %arg17[%add3A_543, %broadcast_in_dim3A_573] : memref<128x128xf32, #tpu.memory_space<vmem>>[vector<16xi32>, vector<16xi32>], vector<16xf32>,
        %add3A_580 = arith.addf %gather3A_574, %gather3A_578 : vector<16xf32>
        %sub3A_581 = arith.subf %add3A_580, %gather3A_579 : vector<16xf32>
        %abs3A_582 = math.absf %sub3A_581 : vector<16xf32>
        %add3A_583 = arith.addf %add3A_568, %abs3A_582 : vector<16xf32>
        %mul3A_584 = arith.constant 4 : i32
        %mul3A_585 = arith.muli %scan3A_555, %mul3A_584 : i32
        %add3A_586 = arith.constant 2 : i32
        %add3A_587 = arith.addi %mul3A_585, %add3A_586 : i32
        %broadcast_in_dim3A_588 = vector.broadcast %add3A_587 : i32 to vector<16xi32>
        %gather3A_589 = tpu.vector_load_idx %arg15[%add3A_543, %broadcast_in_dim3A_588] : memref<128x128xf32, #tpu.memory_space<vmem>>[vector<16xi32>, vector<16xi32>], vector<16xf32>,
        %add3A_590 = arith.constant 64 : i32
        %add3A_591 = vector.broadcast %add3A_590 : i32 to vector<16xi32>
        %add3A_592 = arith.addi %broadcast_in_dim3A_588, %add3A_591 : vector<16xi32>
        %gather3A_593 = tpu.vector_load_idx %arg16[%add3A_543, %add3A_592] : memref<128x128xf32, #tpu.memory_space<vmem>>[vector<16xi32>, vector<16xi32>], vector<16xf32>,
        %gather3A_594 = tpu.vector_load_idx %arg17[%add3A_543, %broadcast_in_dim3A_588] : memref<128x128xf32, #tpu.memory_space<vmem>>[vector<16xi32>, vector<16xi32>], vector<16xf32>,
        %add3A_595 = arith.addf %gather3A_589, %gather3A_593 : vector<16xf32>
        %sub3A_596 = arith.subf %add3A_595, %gather3A_594 : vector<16xf32>
        %abs3A_597 = math.absf %sub3A_596 : vector<16xf32>
        %add3A_598 = arith.addf %add3A_583, %abs3A_597 : vector<16xf32>
        %mul3A_599 = arith.constant 4 : i32
        %mul3A_600 = arith.muli %scan3A_555, %mul3A_599 : i32
        %add3A_601 = arith.constant 3 : i32
        %add3A_602 = arith.addi %mul3A_600, %add3A_601 : i32
        %broadcast_in_dim3A_603 = vector.broadcast %add3A_602 : i32 to vector<16xi32>
        %gather3A_604 = tpu.vector_load_idx %arg15[%add3A_543, %broadcast_in_dim3A_603] : memref<128x128xf32, #tpu.memory_space<vmem>>[vector<16xi32>, vector<16xi32>], vector<16xf32>,
        %add3A_605 = arith.constant 64 : i32
        %add3A_606 = vector.broadcast %add3A_605 : i32 to vector<16xi32>
        %add3A_607 = arith.addi %broadcast_in_dim3A_603, %add3A_606 : vector<16xi32>
        %gather3A_608 = tpu.vector_load_idx %arg16[%add3A_543, %add3A_607] : memref<128x128xf32, #tpu.memory_space<vmem>>[vector<16xi32>, vector<16xi32>], vector<16xf32>,
        %gather3A_609 = tpu.vector_load_idx %arg17[%add3A_543, %broadcast_in_dim3A_603] : memref<128x128xf32, #tpu.memory_space<vmem>>[vector<16xi32>, vector<16xi32>], vector<16xf32>,
        %add3A_610 = arith.addf %gather3A_604, %gather3A_608 : vector<16xf32>
        %sub3A_611 = arith.subf %add3A_610, %gather3A_609 : vector<16xf32>
        %abs3A_612 = math.absf %sub3A_611 : vector<16xf32>
        %add3A_613 = arith.addf %add3A_598, %abs3A_612 : vector<16xf32>
        scf.yield %add3A_613 : vector<16xf32>
      }
      %scan3A_549 = arith.constant 16 : i32
      %mul3A_550 = arith.constant 16 : i32
      %mul3A_551 = arith.muli %scan3A_539, %mul3A_550 : i32
      %add3A_552 = arith.constant 0 : i32
      %add3A_553 = arith.addi %add3A_552, %mul3A_551 : i32
      %swap3A = arith.index_cast %add3A_553 : i32 to index
      %swap3A_554 = tpu.vector_load %arg22[%swap3A] {strides = array<i32>} : memref<512xf32, #tpu.memory_space<vmem>>, vector<16xf32>,
      tpu.vector_store %arg22[%swap3A], %scan3A_548 {strides = array<i32>} : memref<512xf32, #tpu.memory_space<vmem>>, vector<16xf32>,
    }
    %scan3A_362 = arith.constant 8 : i32
    %dma_wait3A_363 = arith.constant 1 : i32
    %dma_wait3A_364 = arith.constant 0 : i32
    %dma_wait3A_365 = arith.constant 0 : i32
    %dma_wait3A_366 = tpu.memref_slice %arg18[%dma_wait3A_364, %dma_wait3A_365] : memref<128x128xf32, #tpu.memory_space<vmem>> -> memref<128x128xf32, #tpu.memory_space<vmem>>
    %dma_wait3A_367 = arith.constant 0 : i32
    %dma_wait3A_368 = tpu.memref_slice %arg12[%dma_wait3A_363, %dma_wait3A_367] : memref<4x128xi32, #tpu.memory_space<vmem>> -> memref<1x128xi32, #tpu.memory_space<vmem>>
    %dma_wait3A_369 = tpu.memref_squeeze %dma_wait3A_368 : memref<1x128xi32, #tpu.memory_space<vmem>> -> memref<128xi32, #tpu.memory_space<vmem>>
    %dma_wait3A_370 = arith.constant 0 : i32
    %dma_wait3A_371 = arith.constant 0 : i32
    %dma_wait3A_372 = tpu.memref_slice %arg8[%dma_wait3A_370, %dma_wait3A_371] : memref<1000001x128xf32, #tpu.memory_space<hbm>> -> memref<1000001x128xf32, #tpu.memory_space<hbm>>
    tpu.wait_indirect_dma semaphore(%arg24 : memref<!tpu.dma_semaphore, #tpu.memory_space<semaphore_mem>>) src(%dma_wait3A_372 : memref<1000001x128xf32, #tpu.memory_space<hbm>>) dst(%dma_wait3A_366 : memref<128x128xf32, #tpu.memory_space<vmem>>)
    %dma_wait3A_373 = arith.constant 1 : i32
    %dma_wait3A_374 = arith.constant 0 : i32
    %dma_wait3A_375 = arith.constant 0 : i32
    %dma_wait3A_376 = tpu.memref_slice %arg19[%dma_wait3A_374, %dma_wait3A_375] : memref<128x128xf32, #tpu.memory_space<vmem>> -> memref<128x128xf32, #tpu.memory_space<vmem>>
    %dma_wait3A_377 = arith.constant 0 : i32
    %dma_wait3A_378 = tpu.memref_slice %arg13[%dma_wait3A_373, %dma_wait3A_377] : memref<4x128xi32, #tpu.memory_space<vmem>> -> memref<1x128xi32, #tpu.memory_space<vmem>>
    %dma_wait3A_379 = tpu.memref_squeeze %dma_wait3A_378 : memref<1x128xi32, #tpu.memory_space<vmem>> -> memref<128xi32, #tpu.memory_space<vmem>>
    %dma_wait3A_380 = arith.constant 0 : i32
    %dma_wait3A_381 = arith.constant 0 : i32
    %dma_wait3A_382 = tpu.memref_slice %arg8[%dma_wait3A_380, %dma_wait3A_381] : memref<1000001x128xf32, #tpu.memory_space<hbm>> -> memref<1000001x128xf32, #tpu.memory_space<hbm>>
    tpu.wait_indirect_dma semaphore(%arg24 : memref<!tpu.dma_semaphore, #tpu.memory_space<semaphore_mem>>) src(%dma_wait3A_382 : memref<1000001x128xf32, #tpu.memory_space<hbm>>) dst(%dma_wait3A_376 : memref<128x128xf32, #tpu.memory_space<vmem>>)
    %dma_wait3A_383 = arith.constant 1 : i32
    %dma_wait3A_384 = arith.constant 0 : i32
    %dma_wait3A_385 = arith.constant 0 : i32
    %dma_wait3A_386 = tpu.memref_slice %arg20[%dma_wait3A_384, %dma_wait3A_385] : memref<128x128xf32, #tpu.memory_space<vmem>> -> memref<128x128xf32, #tpu.memory_space<vmem>>
    %dma_wait3A_387 = arith.constant 0 : i32
    %dma_wait3A_388 = tpu.memref_slice %arg14[%dma_wait3A_383, %dma_wait3A_387] : memref<4x128xi32, #tpu.memory_space<vmem>> -> memref<1x128xi32, #tpu.memory_space<vmem>>
    %dma_wait3A_389 = tpu.memref_squeeze %dma_wait3A_388 : memref<1x128xi32, #tpu.memory_space<vmem>> -> memref<128xi32, #tpu.memory_space<vmem>>
    %dma_wait3A_390 = arith.constant 0 : i32
    %dma_wait3A_391 = arith.constant 0 : i32
    %dma_wait3A_392 = tpu.memref_slice %arg8[%dma_wait3A_390, %dma_wait3A_391] : memref<1000001x128xf32, #tpu.memory_space<hbm>> -> memref<1000001x128xf32, #tpu.memory_space<hbm>>
    tpu.wait_indirect_dma semaphore(%arg24 : memref<!tpu.dma_semaphore, #tpu.memory_space<semaphore_mem>>) src(%dma_wait3A_392 : memref<1000001x128xf32, #tpu.memory_space<hbm>>) dst(%dma_wait3A_386 : memref<128x128xf32, #tpu.memory_space<vmem>>)
    %dma_start3A_393 = arith.constant 2 : i32
    %dma_start3A_394 = arith.constant 0 : i32
    %dma_start3A_395 = arith.constant 0 : i32
    %dma_start3A_396 = tpu.memref_slice %arg15[%dma_start3A_394, %dma_start3A_395] : memref<128x128xf32, #tpu.memory_space<vmem>> -> memref<128x128xf32, #tpu.memory_space<vmem>>
    %dma_start3A_397 = arith.constant 0 : i32
    %dma_start3A_398 = tpu.memref_slice %arg12[%dma_start3A_393, %dma_start3A_397] : memref<4x128xi32, #tpu.memory_space<vmem>> -> memref<1x128xi32, #tpu.memory_space<vmem>>
    %dma_start3A_399 = tpu.memref_squeeze %dma_start3A_398 : memref<1x128xi32, #tpu.memory_space<vmem>> -> memref<128xi32, #tpu.memory_space<vmem>>
    %dma_start3A_400 = arith.constant 0 : i32
    %dma_start3A_401 = arith.constant 0 : i32
    %dma_start3A_402 = tpu.memref_slice %arg8[%dma_start3A_400, %dma_start3A_401] : memref<1000001x128xf32, #tpu.memory_space<hbm>> -> memref<1000001x128xf32, #tpu.memory_space<hbm>>
    tpu.enqueue_indirect_dma source(%dma_start3A_402 : memref<1000001x128xf32, #tpu.memory_space<hbm>>) target(%dma_start3A_396 : memref<128x128xf32, #tpu.memory_space<vmem>>) offsets(%dma_start3A_399 : memref<128xi32, #tpu.memory_space<vmem>>) semaphore(%arg24 : memref<!tpu.dma_semaphore, #tpu.memory_space<semaphore_mem>>)
    %dma_start3A_403 = arith.constant 2 : i32
    %dma_start3A_404 = arith.constant 0 : i32
    %dma_start3A_405 = arith.constant 0 : i32
    %dma_start3A_406 = tpu.memref_slice %arg16[%dma_start3A_404, %dma_start3A_405] : memref<128x128xf32, #tpu.memory_space<vmem>> -> memref<128x128xf32, #tpu.memory_space<vmem>>
    %dma_start3A_407 = arith.constant 0 : i32
    %dma_start3A_408 = tpu.memref_slice %arg13[%dma_start3A_403, %dma_start3A_407] : memref<4x128xi32, #tpu.memory_space<vmem>> -> memref<1x128xi32, #tpu.memory_space<vmem>>
    %dma_start3A_409 = tpu.memref_squeeze %dma_start3A_408 : memref<1x128xi32, #tpu.memory_space<vmem>> -> memref<128xi32, #tpu.memory_space<vmem>>
    %dma_start3A_410 = arith.constant 0 : i32
    %dma_start3A_411 = arith.constant 0 : i32
    %dma_start3A_412 = tpu.memref_slice %arg8[%dma_start3A_410, %dma_start3A_411] : memref<1000001x128xf32, #tpu.memory_space<hbm>> -> memref<1000001x128xf32, #tpu.memory_space<hbm>>
    tpu.enqueue_indirect_dma source(%dma_start3A_412 : memref<1000001x128xf32, #tpu.memory_space<hbm>>) target(%dma_start3A_406 : memref<128x128xf32, #tpu.memory_space<vmem>>) offsets(%dma_start3A_409 : memref<128xi32, #tpu.memory_space<vmem>>) semaphore(%arg24 : memref<!tpu.dma_semaphore, #tpu.memory_space<semaphore_mem>>)
    %dma_start3A_413 = arith.constant 2 : i32
    %dma_start3A_414 = arith.constant 0 : i32
    %dma_start3A_415 = arith.constant 0 : i32
    %dma_start3A_416 = tpu.memref_slice %arg17[%dma_start3A_414, %dma_start3A_415] : memref<128x128xf32, #tpu.memory_space<vmem>> -> memref<128x128xf32, #tpu.memory_space<vmem>>
    %dma_start3A_417 = arith.constant 0 : i32
    %dma_start3A_418 = tpu.memref_slice %arg14[%dma_start3A_413, %dma_start3A_417] : memref<4x128xi32, #tpu.memory_space<vmem>> -> memref<1x128xi32, #tpu.memory_space<vmem>>
    %dma_start3A_419 = tpu.memref_squeeze %dma_start3A_418 : memref<1x128xi32, #tpu.memory_space<vmem>> -> memref<128xi32, #tpu.memory_space<vmem>>
    %dma_start3A_420 = arith.constant 0 : i32
    %dma_start3A_421 = arith.constant 0 : i32
    %dma_start3A_422 = tpu.memref_slice %arg8[%dma_start3A_420, %dma_start3A_421] : memref<1000001x128xf32, #tpu.memory_space<hbm>> -> memref<1000001x128xf32, #tpu.memory_space<hbm>>
    tpu.enqueue_indirect_dma source(%dma_start3A_422 : memref<1000001x128xf32, #tpu.memory_space<hbm>>) target(%dma_start3A_416 : memref<128x128xf32, #tpu.memory_space<vmem>>) offsets(%dma_start3A_419 : memref<128xi32, #tpu.memory_space<vmem>>) semaphore(%arg24 : memref<!tpu.dma_semaphore, #tpu.memory_space<semaphore_mem>>)
    %scan3A_423 = arith.constant 0 : i32
    %scan3A_424 = arith.constant 0 : i32
    %scan3A_425 = arith.constant 8 : i32
    %scan3A_426 = arith.addi %scan3A_424, %scan3A_425 : i32
    %scan3A_427 = arith.constant 1 : i32
    scf.for %scan3A_539 = %scan3A_424 to %scan3A_426 step %scan3A_427  : i32 {
      %mul3A_540 = arith.constant 16 : i32
      %mul3A_541 = arith.muli %scan3A_539, %mul3A_540 : i32
      %add3A_542 = vector.broadcast %mul3A_541 : i32 to vector<16xi32>
      %add3A_543 = arith.addi %add3A_542, %iota3A : vector<16xi32>
      %scan3A_544 = arith.constant 0 : i32
      %scan3A_545 = arith.constant 16 : i32
      %scan3A_546 = arith.addi %scan3A_544, %scan3A_545 : i32
      %scan3A_547 = arith.constant 1 : i32
      %scan3A_548 = scf.for %scan3A_555 = %scan3A_544 to %scan3A_546 step %scan3A_547 iter_args(%scan3A_556 = %broadcast_in_dim3A_1) -> (vector<16xf32>)  : i32 {
        %mul3A_557 = arith.constant 4 : i32
        %mul3A_558 = arith.muli %scan3A_555, %mul3A_557 : i32
        %add3A_559 = arith.constant 0 : i32
        %add3A_560 = arith.addi %mul3A_558, %add3A_559 : i32
        %broadcast_in_dim3A_561 = vector.broadcast %add3A_560 : i32 to vector<16xi32>
        %gather3A = tpu.vector_load_idx %arg18[%add3A_543, %broadcast_in_dim3A_561] : memref<128x128xf32, #tpu.memory_space<vmem>>[vector<16xi32>, vector<16xi32>], vector<16xf32>,
        %add3A_562 = arith.constant 64 : i32
        %add3A_563 = vector.broadcast %add3A_562 : i32 to vector<16xi32>
        %add3A_564 = arith.addi %broadcast_in_dim3A_561, %add3A_563 : vector<16xi32>
        %gather3A_565 = tpu.vector_load_idx %arg19[%add3A_543, %add3A_564] : memref<128x128xf32, #tpu.memory_space<vmem>>[vector<16xi32>, vector<16xi32>], vector<16xf32>,
        %gather3A_566 = tpu.vector_load_idx %arg20[%add3A_543, %broadcast_in_dim3A_561] : memref<128x128xf32, #tpu.memory_space<vmem>>[vector<16xi32>, vector<16xi32>], vector<16xf32>,
        %add3A_567 = arith.addf %gather3A, %gather3A_565 : vector<16xf32>
        %sub3A = arith.subf %add3A_567, %gather3A_566 : vector<16xf32>
        %abs3A = math.absf %sub3A : vector<16xf32>
        %add3A_568 = arith.addf %scan3A_556, %abs3A : vector<16xf32>
        %mul3A_569 = arith.constant 4 : i32
        %mul3A_570 = arith.muli %scan3A_555, %mul3A_569 : i32
        %add3A_571 = arith.constant 1 : i32
        %add3A_572 = arith.addi %mul3A_570, %add3A_571 : i32
        %broadcast_in_dim3A_573 = vector.broadcast %add3A_572 : i32 to vector<16xi32>
        %gather3A_574 = tpu.vector_load_idx %arg18[%add3A_543, %broadcast_in_dim3A_573] : memref<128x128xf32, #tpu.memory_space<vmem>>[vector<16xi32>, vector<16xi32>], vector<16xf32>,
        %add3A_575 = arith.constant 64 : i32
        %add3A_576 = vector.broadcast %add3A_575 : i32 to vector<16xi32>
        %add3A_577 = arith.addi %broadcast_in_dim3A_573, %add3A_576 : vector<16xi32>
        %gather3A_578 = tpu.vector_load_idx %arg19[%add3A_543, %add3A_577] : memref<128x128xf32, #tpu.memory_space<vmem>>[vector<16xi32>, vector<16xi32>], vector<16xf32>,
        %gather3A_579 = tpu.vector_load_idx %arg20[%add3A_543, %broadcast_in_dim3A_573] : memref<128x128xf32, #tpu.memory_space<vmem>>[vector<16xi32>, vector<16xi32>], vector<16xf32>,
        %add3A_580 = arith.addf %gather3A_574, %gather3A_578 : vector<16xf32>
        %sub3A_581 = arith.subf %add3A_580, %gather3A_579 : vector<16xf32>
        %abs3A_582 = math.absf %sub3A_581 : vector<16xf32>
        %add3A_583 = arith.addf %add3A_568, %abs3A_582 : vector<16xf32>
        %mul3A_584 = arith.constant 4 : i32
        %mul3A_585 = arith.muli %scan3A_555, %mul3A_584 : i32
        %add3A_586 = arith.constant 2 : i32
        %add3A_587 = arith.addi %mul3A_585, %add3A_586 : i32
        %broadcast_in_dim3A_588 = vector.broadcast %add3A_587 : i32 to vector<16xi32>
        %gather3A_589 = tpu.vector_load_idx %arg18[%add3A_543, %broadcast_in_dim3A_588] : memref<128x128xf32, #tpu.memory_space<vmem>>[vector<16xi32>, vector<16xi32>], vector<16xf32>,
        %add3A_590 = arith.constant 64 : i32
        %add3A_591 = vector.broadcast %add3A_590 : i32 to vector<16xi32>
        %add3A_592 = arith.addi %broadcast_in_dim3A_588, %add3A_591 : vector<16xi32>
        %gather3A_593 = tpu.vector_load_idx %arg19[%add3A_543, %add3A_592] : memref<128x128xf32, #tpu.memory_space<vmem>>[vector<16xi32>, vector<16xi32>], vector<16xf32>,
        %gather3A_594 = tpu.vector_load_idx %arg20[%add3A_543, %broadcast_in_dim3A_588] : memref<128x128xf32, #tpu.memory_space<vmem>>[vector<16xi32>, vector<16xi32>], vector<16xf32>,
        %add3A_595 = arith.addf %gather3A_589, %gather3A_593 : vector<16xf32>
        %sub3A_596 = arith.subf %add3A_595, %gather3A_594 : vector<16xf32>
        %abs3A_597 = math.absf %sub3A_596 : vector<16xf32>
        %add3A_598 = arith.addf %add3A_583, %abs3A_597 : vector<16xf32>
        %mul3A_599 = arith.constant 4 : i32
        %mul3A_600 = arith.muli %scan3A_555, %mul3A_599 : i32
        %add3A_601 = arith.constant 3 : i32
        %add3A_602 = arith.addi %mul3A_600, %add3A_601 : i32
        %broadcast_in_dim3A_603 = vector.broadcast %add3A_602 : i32 to vector<16xi32>
        %gather3A_604 = tpu.vector_load_idx %arg18[%add3A_543, %broadcast_in_dim3A_603] : memref<128x128xf32, #tpu.memory_space<vmem>>[vector<16xi32>, vector<16xi32>], vector<16xf32>,
        %add3A_605 = arith.constant 64 : i32
        %add3A_606 = vector.broadcast %add3A_605 : i32 to vector<16xi32>
        %add3A_607 = arith.addi %broadcast_in_dim3A_603, %add3A_606 : vector<16xi32>
        %gather3A_608 = tpu.vector_load_idx %arg19[%add3A_543, %add3A_607] : memref<128x128xf32, #tpu.memory_space<vmem>>[vector<16xi32>, vector<16xi32>], vector<16xf32>,
        %gather3A_609 = tpu.vector_load_idx %arg20[%add3A_543, %broadcast_in_dim3A_603] : memref<128x128xf32, #tpu.memory_space<vmem>>[vector<16xi32>, vector<16xi32>], vector<16xf32>,
        %add3A_610 = arith.addf %gather3A_604, %gather3A_608 : vector<16xf32>
        %sub3A_611 = arith.subf %add3A_610, %gather3A_609 : vector<16xf32>
        %abs3A_612 = math.absf %sub3A_611 : vector<16xf32>
        %add3A_613 = arith.addf %add3A_598, %abs3A_612 : vector<16xf32>
        scf.yield %add3A_613 : vector<16xf32>
      }
      %scan3A_549 = arith.constant 16 : i32
      %mul3A_550 = arith.constant 16 : i32
      %mul3A_551 = arith.muli %scan3A_539, %mul3A_550 : i32
      %add3A_552 = arith.constant 128 : i32
      %add3A_553 = arith.addi %add3A_552, %mul3A_551 : i32
      %swap3A = arith.index_cast %add3A_553 : i32 to index
      %swap3A_554 = tpu.vector_load %arg22[%swap3A] {strides = array<i32>} : memref<512xf32, #tpu.memory_space<vmem>>, vector<16xf32>,
      tpu.vector_store %arg22[%swap3A], %scan3A_548 {strides = array<i32>} : memref<512xf32, #tpu.memory_space<vmem>>, vector<16xf32>,
    }
    %scan3A_428 = arith.constant 8 : i32
    %dma_wait3A_429 = arith.constant 2 : i32
    %dma_wait3A_430 = arith.constant 0 : i32
    %dma_wait3A_431 = arith.constant 0 : i32
    %dma_wait3A_432 = tpu.memref_slice %arg15[%dma_wait3A_430, %dma_wait3A_431] : memref<128x128xf32, #tpu.memory_space<vmem>> -> memref<128x128xf32, #tpu.memory_space<vmem>>
    %dma_wait3A_433 = arith.constant 0 : i32
    %dma_wait3A_434 = tpu.memref_slice %arg12[%dma_wait3A_429, %dma_wait3A_433] : memref<4x128xi32, #tpu.memory_space<vmem>> -> memref<1x128xi32, #tpu.memory_space<vmem>>
    %dma_wait3A_435 = tpu.memref_squeeze %dma_wait3A_434 : memref<1x128xi32, #tpu.memory_space<vmem>> -> memref<128xi32, #tpu.memory_space<vmem>>
    %dma_wait3A_436 = arith.constant 0 : i32
    %dma_wait3A_437 = arith.constant 0 : i32
    %dma_wait3A_438 = tpu.memref_slice %arg8[%dma_wait3A_436, %dma_wait3A_437] : memref<1000001x128xf32, #tpu.memory_space<hbm>> -> memref<1000001x128xf32, #tpu.memory_space<hbm>>
    tpu.wait_indirect_dma semaphore(%arg24 : memref<!tpu.dma_semaphore, #tpu.memory_space<semaphore_mem>>) src(%dma_wait3A_438 : memref<1000001x128xf32, #tpu.memory_space<hbm>>) dst(%dma_wait3A_432 : memref<128x128xf32, #tpu.memory_space<vmem>>)
    %dma_wait3A_439 = arith.constant 2 : i32
    %dma_wait3A_440 = arith.constant 0 : i32
    %dma_wait3A_441 = arith.constant 0 : i32
    %dma_wait3A_442 = tpu.memref_slice %arg16[%dma_wait3A_440, %dma_wait3A_441] : memref<128x128xf32, #tpu.memory_space<vmem>> -> memref<128x128xf32, #tpu.memory_space<vmem>>
    %dma_wait3A_443 = arith.constant 0 : i32
    %dma_wait3A_444 = tpu.memref_slice %arg13[%dma_wait3A_439, %dma_wait3A_443] : memref<4x128xi32, #tpu.memory_space<vmem>> -> memref<1x128xi32, #tpu.memory_space<vmem>>
    %dma_wait3A_445 = tpu.memref_squeeze %dma_wait3A_444 : memref<1x128xi32, #tpu.memory_space<vmem>> -> memref<128xi32, #tpu.memory_space<vmem>>
    %dma_wait3A_446 = arith.constant 0 : i32
    %dma_wait3A_447 = arith.constant 0 : i32
    %dma_wait3A_448 = tpu.memref_slice %arg8[%dma_wait3A_446, %dma_wait3A_447] : memref<1000001x128xf32, #tpu.memory_space<hbm>> -> memref<1000001x128xf32, #tpu.memory_space<hbm>>
    tpu.wait_indirect_dma semaphore(%arg24 : memref<!tpu.dma_semaphore, #tpu.memory_space<semaphore_mem>>) src(%dma_wait3A_448 : memref<1000001x128xf32, #tpu.memory_space<hbm>>) dst(%dma_wait3A_442 : memref<128x128xf32, #tpu.memory_space<vmem>>)
    %dma_wait3A_449 = arith.constant 2 : i32
    %dma_wait3A_450 = arith.constant 0 : i32
    %dma_wait3A_451 = arith.constant 0 : i32
    %dma_wait3A_452 = tpu.memref_slice %arg17[%dma_wait3A_450, %dma_wait3A_451] : memref<128x128xf32, #tpu.memory_space<vmem>> -> memref<128x128xf32, #tpu.memory_space<vmem>>
    %dma_wait3A_453 = arith.constant 0 : i32
    %dma_wait3A_454 = tpu.memref_slice %arg14[%dma_wait3A_449, %dma_wait3A_453] : memref<4x128xi32, #tpu.memory_space<vmem>> -> memref<1x128xi32, #tpu.memory_space<vmem>>
    %dma_wait3A_455 = tpu.memref_squeeze %dma_wait3A_454 : memref<1x128xi32, #tpu.memory_space<vmem>> -> memref<128xi32, #tpu.memory_space<vmem>>
    %dma_wait3A_456 = arith.constant 0 : i32
    %dma_wait3A_457 = arith.constant 0 : i32
    %dma_wait3A_458 = tpu.memref_slice %arg8[%dma_wait3A_456, %dma_wait3A_457] : memref<1000001x128xf32, #tpu.memory_space<hbm>> -> memref<1000001x128xf32, #tpu.memory_space<hbm>>
    tpu.wait_indirect_dma semaphore(%arg24 : memref<!tpu.dma_semaphore, #tpu.memory_space<semaphore_mem>>) src(%dma_wait3A_458 : memref<1000001x128xf32, #tpu.memory_space<hbm>>) dst(%dma_wait3A_452 : memref<128x128xf32, #tpu.memory_space<vmem>>)
    %dma_start3A_459 = arith.constant 3 : i32
    %dma_start3A_460 = arith.constant 0 : i32
    %dma_start3A_461 = arith.constant 0 : i32
    %dma_start3A_462 = tpu.memref_slice %arg18[%dma_start3A_460, %dma_start3A_461] : memref<128x128xf32, #tpu.memory_space<vmem>> -> memref<128x128xf32, #tpu.memory_space<vmem>>
    %dma_start3A_463 = arith.constant 0 : i32
    %dma_start3A_464 = tpu.memref_slice %arg12[%dma_start3A_459, %dma_start3A_463] : memref<4x128xi32, #tpu.memory_space<vmem>> -> memref<1x128xi32, #tpu.memory_space<vmem>>
    %dma_start3A_465 = tpu.memref_squeeze %dma_start3A_464 : memref<1x128xi32, #tpu.memory_space<vmem>> -> memref<128xi32, #tpu.memory_space<vmem>>
    %dma_start3A_466 = arith.constant 0 : i32
    %dma_start3A_467 = arith.constant 0 : i32
    %dma_start3A_468 = tpu.memref_slice %arg8[%dma_start3A_466, %dma_start3A_467] : memref<1000001x128xf32, #tpu.memory_space<hbm>> -> memref<1000001x128xf32, #tpu.memory_space<hbm>>
    tpu.enqueue_indirect_dma source(%dma_start3A_468 : memref<1000001x128xf32, #tpu.memory_space<hbm>>) target(%dma_start3A_462 : memref<128x128xf32, #tpu.memory_space<vmem>>) offsets(%dma_start3A_465 : memref<128xi32, #tpu.memory_space<vmem>>) semaphore(%arg24 : memref<!tpu.dma_semaphore, #tpu.memory_space<semaphore_mem>>)
    %dma_start3A_469 = arith.constant 3 : i32
    %dma_start3A_470 = arith.constant 0 : i32
    %dma_start3A_471 = arith.constant 0 : i32
    %dma_start3A_472 = tpu.memref_slice %arg19[%dma_start3A_470, %dma_start3A_471] : memref<128x128xf32, #tpu.memory_space<vmem>> -> memref<128x128xf32, #tpu.memory_space<vmem>>
    %dma_start3A_473 = arith.constant 0 : i32
    %dma_start3A_474 = tpu.memref_slice %arg13[%dma_start3A_469, %dma_start3A_473] : memref<4x128xi32, #tpu.memory_space<vmem>> -> memref<1x128xi32, #tpu.memory_space<vmem>>
    %dma_start3A_475 = tpu.memref_squeeze %dma_start3A_474 : memref<1x128xi32, #tpu.memory_space<vmem>> -> memref<128xi32, #tpu.memory_space<vmem>>
    %dma_start3A_476 = arith.constant 0 : i32
    %dma_start3A_477 = arith.constant 0 : i32
    %dma_start3A_478 = tpu.memref_slice %arg8[%dma_start3A_476, %dma_start3A_477] : memref<1000001x128xf32, #tpu.memory_space<hbm>> -> memref<1000001x128xf32, #tpu.memory_space<hbm>>
    tpu.enqueue_indirect_dma source(%dma_start3A_478 : memref<1000001x128xf32, #tpu.memory_space<hbm>>) target(%dma_start3A_472 : memref<128x128xf32, #tpu.memory_space<vmem>>) offsets(%dma_start3A_475 : memref<128xi32, #tpu.memory_space<vmem>>) semaphore(%arg24 : memref<!tpu.dma_semaphore, #tpu.memory_space<semaphore_mem>>)
    %dma_start3A_479 = arith.constant 3 : i32
    %dma_start3A_480 = arith.constant 0 : i32
    %dma_start3A_481 = arith.constant 0 : i32
    %dma_start3A_482 = tpu.memref_slice %arg20[%dma_start3A_480, %dma_start3A_481] : memref<128x128xf32, #tpu.memory_space<vmem>> -> memref<128x128xf32, #tpu.memory_space<vmem>>
    %dma_start3A_483 = arith.constant 0 : i32
    %dma_start3A_484 = tpu.memref_slice %arg14[%dma_start3A_479, %dma_start3A_483] : memref<4x128xi32, #tpu.memory_space<vmem>> -> memref<1x128xi32, #tpu.memory_space<vmem>>
    %dma_start3A_485 = tpu.memref_squeeze %dma_start3A_484 : memref<1x128xi32, #tpu.memory_space<vmem>> -> memref<128xi32, #tpu.memory_space<vmem>>
    %dma_start3A_486 = arith.constant 0 : i32
    %dma_start3A_487 = arith.constant 0 : i32
    %dma_start3A_488 = tpu.memref_slice %arg8[%dma_start3A_486, %dma_start3A_487] : memref<1000001x128xf32, #tpu.memory_space<hbm>> -> memref<1000001x128xf32, #tpu.memory_space<hbm>>
    tpu.enqueue_indirect_dma source(%dma_start3A_488 : memref<1000001x128xf32, #tpu.memory_space<hbm>>) target(%dma_start3A_482 : memref<128x128xf32, #tpu.memory_space<vmem>>) offsets(%dma_start3A_485 : memref<128xi32, #tpu.memory_space<vmem>>) semaphore(%arg24 : memref<!tpu.dma_semaphore, #tpu.memory_space<semaphore_mem>>)
    %scan3A_489 = arith.constant 0 : i32
    %scan3A_490 = arith.constant 0 : i32
    %scan3A_491 = arith.constant 8 : i32
    %scan3A_492 = arith.addi %scan3A_490, %scan3A_491 : i32
    %scan3A_493 = arith.constant 1 : i32
    scf.for %scan3A_539 = %scan3A_490 to %scan3A_492 step %scan3A_493  : i32 {
      %mul3A_540 = arith.constant 16 : i32
      %mul3A_541 = arith.muli %scan3A_539, %mul3A_540 : i32
      %add3A_542 = vector.broadcast %mul3A_541 : i32 to vector<16xi32>
      %add3A_543 = arith.addi %add3A_542, %iota3A : vector<16xi32>
      %scan3A_544 = arith.constant 0 : i32
      %scan3A_545 = arith.constant 16 : i32
      %scan3A_546 = arith.addi %scan3A_544, %scan3A_545 : i32
      %scan3A_547 = arith.constant 1 : i32
      %scan3A_548 = scf.for %scan3A_555 = %scan3A_544 to %scan3A_546 step %scan3A_547 iter_args(%scan3A_556 = %broadcast_in_dim3A_1) -> (vector<16xf32>)  : i32 {
        %mul3A_557 = arith.constant 4 : i32
        %mul3A_558 = arith.muli %scan3A_555, %mul3A_557 : i32
        %add3A_559 = arith.constant 0 : i32
        %add3A_560 = arith.addi %mul3A_558, %add3A_559 : i32
        %broadcast_in_dim3A_561 = vector.broadcast %add3A_560 : i32 to vector<16xi32>
        %gather3A = tpu.vector_load_idx %arg15[%add3A_543, %broadcast_in_dim3A_561] : memref<128x128xf32, #tpu.memory_space<vmem>>[vector<16xi32>, vector<16xi32>], vector<16xf32>,
        %add3A_562 = arith.constant 64 : i32
        %add3A_563 = vector.broadcast %add3A_562 : i32 to vector<16xi32>
        %add3A_564 = arith.addi %broadcast_in_dim3A_561, %add3A_563 : vector<16xi32>
        %gather3A_565 = tpu.vector_load_idx %arg16[%add3A_543, %add3A_564] : memref<128x128xf32, #tpu.memory_space<vmem>>[vector<16xi32>, vector<16xi32>], vector<16xf32>,
        %gather3A_566 = tpu.vector_load_idx %arg17[%add3A_543, %broadcast_in_dim3A_561] : memref<128x128xf32, #tpu.memory_space<vmem>>[vector<16xi32>, vector<16xi32>], vector<16xf32>,
        %add3A_567 = arith.addf %gather3A, %gather3A_565 : vector<16xf32>
        %sub3A = arith.subf %add3A_567, %gather3A_566 : vector<16xf32>
        %abs3A = math.absf %sub3A : vector<16xf32>
        %add3A_568 = arith.addf %scan3A_556, %abs3A : vector<16xf32>
        %mul3A_569 = arith.constant 4 : i32
        %mul3A_570 = arith.muli %scan3A_555, %mul3A_569 : i32
        %add3A_571 = arith.constant 1 : i32
        %add3A_572 = arith.addi %mul3A_570, %add3A_571 : i32
        %broadcast_in_dim3A_573 = vector.broadcast %add3A_572 : i32 to vector<16xi32>
        %gather3A_574 = tpu.vector_load_idx %arg15[%add3A_543, %broadcast_in_dim3A_573] : memref<128x128xf32, #tpu.memory_space<vmem>>[vector<16xi32>, vector<16xi32>], vector<16xf32>,
        %add3A_575 = arith.constant 64 : i32
        %add3A_576 = vector.broadcast %add3A_575 : i32 to vector<16xi32>
        %add3A_577 = arith.addi %broadcast_in_dim3A_573, %add3A_576 : vector<16xi32>
        %gather3A_578 = tpu.vector_load_idx %arg16[%add3A_543, %add3A_577] : memref<128x128xf32, #tpu.memory_space<vmem>>[vector<16xi32>, vector<16xi32>], vector<16xf32>,
        %gather3A_579 = tpu.vector_load_idx %arg17[%add3A_543, %broadcast_in_dim3A_573] : memref<128x128xf32, #tpu.memory_space<vmem>>[vector<16xi32>, vector<16xi32>], vector<16xf32>,
        %add3A_580 = arith.addf %gather3A_574, %gather3A_578 : vector<16xf32>
        %sub3A_581 = arith.subf %add3A_580, %gather3A_579 : vector<16xf32>
        %abs3A_582 = math.absf %sub3A_581 : vector<16xf32>
        %add3A_583 = arith.addf %add3A_568, %abs3A_582 : vector<16xf32>
        %mul3A_584 = arith.constant 4 : i32
        %mul3A_585 = arith.muli %scan3A_555, %mul3A_584 : i32
        %add3A_586 = arith.constant 2 : i32
        %add3A_587 = arith.addi %mul3A_585, %add3A_586 : i32
        %broadcast_in_dim3A_588 = vector.broadcast %add3A_587 : i32 to vector<16xi32>
        %gather3A_589 = tpu.vector_load_idx %arg15[%add3A_543, %broadcast_in_dim3A_588] : memref<128x128xf32, #tpu.memory_space<vmem>>[vector<16xi32>, vector<16xi32>], vector<16xf32>,
        %add3A_590 = arith.constant 64 : i32
        %add3A_591 = vector.broadcast %add3A_590 : i32 to vector<16xi32>
        %add3A_592 = arith.addi %broadcast_in_dim3A_588, %add3A_591 : vector<16xi32>
        %gather3A_593 = tpu.vector_load_idx %arg16[%add3A_543, %add3A_592] : memref<128x128xf32, #tpu.memory_space<vmem>>[vector<16xi32>, vector<16xi32>], vector<16xf32>,
        %gather3A_594 = tpu.vector_load_idx %arg17[%add3A_543, %broadcast_in_dim3A_588] : memref<128x128xf32, #tpu.memory_space<vmem>>[vector<16xi32>, vector<16xi32>], vector<16xf32>,
        %add3A_595 = arith.addf %gather3A_589, %gather3A_593 : vector<16xf32>
        %sub3A_596 = arith.subf %add3A_595, %gather3A_594 : vector<16xf32>
        %abs3A_597 = math.absf %sub3A_596 : vector<16xf32>
        %add3A_598 = arith.addf %add3A_583, %abs3A_597 : vector<16xf32>
        %mul3A_599 = arith.constant 4 : i32
        %mul3A_600 = arith.muli %scan3A_555, %mul3A_599 : i32
        %add3A_601 = arith.constant 3 : i32
        %add3A_602 = arith.addi %mul3A_600, %add3A_601 : i32
        %broadcast_in_dim3A_603 = vector.broadcast %add3A_602 : i32 to vector<16xi32>
        %gather3A_604 = tpu.vector_load_idx %arg15[%add3A_543, %broadcast_in_dim3A_603] : memref<128x128xf32, #tpu.memory_space<vmem>>[vector<16xi32>, vector<16xi32>], vector<16xf32>,
        %add3A_605 = arith.constant 64 : i32
        %add3A_606 = vector.broadcast %add3A_605 : i32 to vector<16xi32>
        %add3A_607 = arith.addi %broadcast_in_dim3A_603, %add3A_606 : vector<16xi32>
        %gather3A_608 = tpu.vector_load_idx %arg16[%add3A_543, %add3A_607] : memref<128x128xf32, #tpu.memory_space<vmem>>[vector<16xi32>, vector<16xi32>], vector<16xf32>,
        %gather3A_609 = tpu.vector_load_idx %arg17[%add3A_543, %broadcast_in_dim3A_603] : memref<128x128xf32, #tpu.memory_space<vmem>>[vector<16xi32>, vector<16xi32>], vector<16xf32>,
        %add3A_610 = arith.addf %gather3A_604, %gather3A_608 : vector<16xf32>
        %sub3A_611 = arith.subf %add3A_610, %gather3A_609 : vector<16xf32>
        %abs3A_612 = math.absf %sub3A_611 : vector<16xf32>
        %add3A_613 = arith.addf %add3A_598, %abs3A_612 : vector<16xf32>
        scf.yield %add3A_613 : vector<16xf32>
      }
      %scan3A_549 = arith.constant 16 : i32
      %mul3A_550 = arith.constant 16 : i32
      %mul3A_551 = arith.muli %scan3A_539, %mul3A_550 : i32
      %add3A_552 = arith.constant 256 : i32
      %add3A_553 = arith.addi %add3A_552, %mul3A_551 : i32
      %swap3A = arith.index_cast %add3A_553 : i32 to index
      %swap3A_554 = tpu.vector_load %arg22[%swap3A] {strides = array<i32>} : memref<512xf32, #tpu.memory_space<vmem>>, vector<16xf32>,
      tpu.vector_store %arg22[%swap3A], %scan3A_548 {strides = array<i32>} : memref<512xf32, #tpu.memory_space<vmem>>, vector<16xf32>,
    }
    %scan3A_494 = arith.constant 8 : i32
    %dma_wait3A_495 = arith.constant 3 : i32
    %dma_wait3A_496 = arith.constant 0 : i32
    %dma_wait3A_497 = arith.constant 0 : i32
    %dma_wait3A_498 = tpu.memref_slice %arg18[%dma_wait3A_496, %dma_wait3A_497] : memref<128x128xf32, #tpu.memory_space<vmem>> -> memref<128x128xf32, #tpu.memory_space<vmem>>
    %dma_wait3A_499 = arith.constant 0 : i32
    %dma_wait3A_500 = tpu.memref_slice %arg12[%dma_wait3A_495, %dma_wait3A_499] : memref<4x128xi32, #tpu.memory_space<vmem>> -> memref<1x128xi32, #tpu.memory_space<vmem>>
    %dma_wait3A_501 = tpu.memref_squeeze %dma_wait3A_500 : memref<1x128xi32, #tpu.memory_space<vmem>> -> memref<128xi32, #tpu.memory_space<vmem>>
    %dma_wait3A_502 = arith.constant 0 : i32
    %dma_wait3A_503 = arith.constant 0 : i32
    %dma_wait3A_504 = tpu.memref_slice %arg8[%dma_wait3A_502, %dma_wait3A_503] : memref<1000001x128xf32, #tpu.memory_space<hbm>> -> memref<1000001x128xf32, #tpu.memory_space<hbm>>
    tpu.wait_indirect_dma semaphore(%arg24 : memref<!tpu.dma_semaphore, #tpu.memory_space<semaphore_mem>>) src(%dma_wait3A_504 : memref<1000001x128xf32, #tpu.memory_space<hbm>>) dst(%dma_wait3A_498 : memref<128x128xf32, #tpu.memory_space<vmem>>)
    %dma_wait3A_505 = arith.constant 3 : i32
    %dma_wait3A_506 = arith.constant 0 : i32
    %dma_wait3A_507 = arith.constant 0 : i32
    %dma_wait3A_508 = tpu.memref_slice %arg19[%dma_wait3A_506, %dma_wait3A_507] : memref<128x128xf32, #tpu.memory_space<vmem>> -> memref<128x128xf32, #tpu.memory_space<vmem>>
    %dma_wait3A_509 = arith.constant 0 : i32
    %dma_wait3A_510 = tpu.memref_slice %arg13[%dma_wait3A_505, %dma_wait3A_509] : memref<4x128xi32, #tpu.memory_space<vmem>> -> memref<1x128xi32, #tpu.memory_space<vmem>>
    %dma_wait3A_511 = tpu.memref_squeeze %dma_wait3A_510 : memref<1x128xi32, #tpu.memory_space<vmem>> -> memref<128xi32, #tpu.memory_space<vmem>>
    %dma_wait3A_512 = arith.constant 0 : i32
    %dma_wait3A_513 = arith.constant 0 : i32
    %dma_wait3A_514 = tpu.memref_slice %arg8[%dma_wait3A_512, %dma_wait3A_513] : memref<1000001x128xf32, #tpu.memory_space<hbm>> -> memref<1000001x128xf32, #tpu.memory_space<hbm>>
    tpu.wait_indirect_dma semaphore(%arg24 : memref<!tpu.dma_semaphore, #tpu.memory_space<semaphore_mem>>) src(%dma_wait3A_514 : memref<1000001x128xf32, #tpu.memory_space<hbm>>) dst(%dma_wait3A_508 : memref<128x128xf32, #tpu.memory_space<vmem>>)
    %dma_wait3A_515 = arith.constant 3 : i32
    %dma_wait3A_516 = arith.constant 0 : i32
    %dma_wait3A_517 = arith.constant 0 : i32
    %dma_wait3A_518 = tpu.memref_slice %arg20[%dma_wait3A_516, %dma_wait3A_517] : memref<128x128xf32, #tpu.memory_space<vmem>> -> memref<128x128xf32, #tpu.memory_space<vmem>>
    %dma_wait3A_519 = arith.constant 0 : i32
    %dma_wait3A_520 = tpu.memref_slice %arg14[%dma_wait3A_515, %dma_wait3A_519] : memref<4x128xi32, #tpu.memory_space<vmem>> -> memref<1x128xi32, #tpu.memory_space<vmem>>
    %dma_wait3A_521 = tpu.memref_squeeze %dma_wait3A_520 : memref<1x128xi32, #tpu.memory_space<vmem>> -> memref<128xi32, #tpu.memory_space<vmem>>
    %dma_wait3A_522 = arith.constant 0 : i32
    %dma_wait3A_523 = arith.constant 0 : i32
    %dma_wait3A_524 = tpu.memref_slice %arg8[%dma_wait3A_522, %dma_wait3A_523] : memref<1000001x128xf32, #tpu.memory_space<hbm>> -> memref<1000001x128xf32, #tpu.memory_space<hbm>>
    tpu.wait_indirect_dma semaphore(%arg24 : memref<!tpu.dma_semaphore, #tpu.memory_space<semaphore_mem>>) src(%dma_wait3A_524 : memref<1000001x128xf32, #tpu.memory_space<hbm>>) dst(%dma_wait3A_518 : memref<128x128xf32, #tpu.memory_space<vmem>>)
    %scan3A_525 = arith.constant 0 : i32
    %scan3A_526 = arith.constant 0 : i32
    %scan3A_527 = arith.constant 8 : i32
    %scan3A_528 = arith.addi %scan3A_526, %scan3A_527 : i32
    %scan3A_529 = arith.constant 1 : i32
    scf.for %scan3A_539 = %scan3A_526 to %scan3A_528 step %scan3A_529  : i32 {
      %mul3A_540 = arith.constant 16 : i32
      %mul3A_541 = arith.muli %scan3A_539, %mul3A_540 : i32
      %add3A_542 = vector.broadcast %mul3A_541 : i32 to vector<16xi32>
      %add3A_543 = arith.addi %add3A_542, %iota3A : vector<16xi32>
      %scan3A_544 = arith.constant 0 : i32
      %scan3A_545 = arith.constant 16 : i32
      %scan3A_546 = arith.addi %scan3A_544, %scan3A_545 : i32
      %scan3A_547 = arith.constant 1 : i32
      %scan3A_548 = scf.for %scan3A_555 = %scan3A_544 to %scan3A_546 step %scan3A_547 iter_args(%scan3A_556 = %broadcast_in_dim3A_1) -> (vector<16xf32>)  : i32 {
        %mul3A_557 = arith.constant 4 : i32
        %mul3A_558 = arith.muli %scan3A_555, %mul3A_557 : i32
        %add3A_559 = arith.constant 0 : i32
        %add3A_560 = arith.addi %mul3A_558, %add3A_559 : i32
        %broadcast_in_dim3A_561 = vector.broadcast %add3A_560 : i32 to vector<16xi32>
        %gather3A = tpu.vector_load_idx %arg18[%add3A_543, %broadcast_in_dim3A_561] : memref<128x128xf32, #tpu.memory_space<vmem>>[vector<16xi32>, vector<16xi32>], vector<16xf32>,
        %add3A_562 = arith.constant 64 : i32
        %add3A_563 = vector.broadcast %add3A_562 : i32 to vector<16xi32>
        %add3A_564 = arith.addi %broadcast_in_dim3A_561, %add3A_563 : vector<16xi32>
        %gather3A_565 = tpu.vector_load_idx %arg19[%add3A_543, %add3A_564] : memref<128x128xf32, #tpu.memory_space<vmem>>[vector<16xi32>, vector<16xi32>], vector<16xf32>,
        %gather3A_566 = tpu.vector_load_idx %arg20[%add3A_543, %broadcast_in_dim3A_561] : memref<128x128xf32, #tpu.memory_space<vmem>>[vector<16xi32>, vector<16xi32>], vector<16xf32>,
        %add3A_567 = arith.addf %gather3A, %gather3A_565 : vector<16xf32>
        %sub3A = arith.subf %add3A_567, %gather3A_566 : vector<16xf32>
        %abs3A = math.absf %sub3A : vector<16xf32>
        %add3A_568 = arith.addf %scan3A_556, %abs3A : vector<16xf32>
        %mul3A_569 = arith.constant 4 : i32
        %mul3A_570 = arith.muli %scan3A_555, %mul3A_569 : i32
        %add3A_571 = arith.constant 1 : i32
        %add3A_572 = arith.addi %mul3A_570, %add3A_571 : i32
        %broadcast_in_dim3A_573 = vector.broadcast %add3A_572 : i32 to vector<16xi32>
        %gather3A_574 = tpu.vector_load_idx %arg18[%add3A_543, %broadcast_in_dim3A_573] : memref<128x128xf32, #tpu.memory_space<vmem>>[vector<16xi32>, vector<16xi32>], vector<16xf32>,
        %add3A_575 = arith.constant 64 : i32
        %add3A_576 = vector.broadcast %add3A_575 : i32 to vector<16xi32>
        %add3A_577 = arith.addi %broadcast_in_dim3A_573, %add3A_576 : vector<16xi32>
        %gather3A_578 = tpu.vector_load_idx %arg19[%add3A_543, %add3A_577] : memref<128x128xf32, #tpu.memory_space<vmem>>[vector<16xi32>, vector<16xi32>], vector<16xf32>,
        %gather3A_579 = tpu.vector_load_idx %arg20[%add3A_543, %broadcast_in_dim3A_573] : memref<128x128xf32, #tpu.memory_space<vmem>>[vector<16xi32>, vector<16xi32>], vector<16xf32>,
        %add3A_580 = arith.addf %gather3A_574, %gather3A_578 : vector<16xf32>
        %sub3A_581 = arith.subf %add3A_580, %gather3A_579 : vector<16xf32>
        %abs3A_582 = math.absf %sub3A_581 : vector<16xf32>
        %add3A_583 = arith.addf %add3A_568, %abs3A_582 : vector<16xf32>
        %mul3A_584 = arith.constant 4 : i32
        %mul3A_585 = arith.muli %scan3A_555, %mul3A_584 : i32
        %add3A_586 = arith.constant 2 : i32
        %add3A_587 = arith.addi %mul3A_585, %add3A_586 : i32
        %broadcast_in_dim3A_588 = vector.broadcast %add3A_587 : i32 to vector<16xi32>
        %gather3A_589 = tpu.vector_load_idx %arg18[%add3A_543, %broadcast_in_dim3A_588] : memref<128x128xf32, #tpu.memory_space<vmem>>[vector<16xi32>, vector<16xi32>], vector<16xf32>,
        %add3A_590 = arith.constant 64 : i32
        %add3A_591 = vector.broadcast %add3A_590 : i32 to vector<16xi32>
        %add3A_592 = arith.addi %broadcast_in_dim3A_588, %add3A_591 : vector<16xi32>
        %gather3A_593 = tpu.vector_load_idx %arg19[%add3A_543, %add3A_592] : memref<128x128xf32, #tpu.memory_space<vmem>>[vector<16xi32>, vector<16xi32>], vector<16xf32>,
        %gather3A_594 = tpu.vector_load_idx %arg20[%add3A_543, %broadcast_in_dim3A_588] : memref<128x128xf32, #tpu.memory_space<vmem>>[vector<16xi32>, vector<16xi32>], vector<16xf32>,
        %add3A_595 = arith.addf %gather3A_589, %gather3A_593 : vector<16xf32>
        %sub3A_596 = arith.subf %add3A_595, %gather3A_594 : vector<16xf32>
        %abs3A_597 = math.absf %sub3A_596 : vector<16xf32>
        %add3A_598 = arith.addf %add3A_583, %abs3A_597 : vector<16xf32>
        %mul3A_599 = arith.constant 4 : i32
        %mul3A_600 = arith.muli %scan3A_555, %mul3A_599 : i32
        %add3A_601 = arith.constant 3 : i32
        %add3A_602 = arith.addi %mul3A_600, %add3A_601 : i32
        %broadcast_in_dim3A_603 = vector.broadcast %add3A_602 : i32 to vector<16xi32>
        %gather3A_604 = tpu.vector_load_idx %arg18[%add3A_543, %broadcast_in_dim3A_603] : memref<128x128xf32, #tpu.memory_space<vmem>>[vector<16xi32>, vector<16xi32>], vector<16xf32>,
        %add3A_605 = arith.constant 64 : i32
        %add3A_606 = vector.broadcast %add3A_605 : i32 to vector<16xi32>
        %add3A_607 = arith.addi %broadcast_in_dim3A_603, %add3A_606 : vector<16xi32>
        %gather3A_608 = tpu.vector_load_idx %arg19[%add3A_543, %add3A_607] : memref<128x128xf32, #tpu.memory_space<vmem>>[vector<16xi32>, vector<16xi32>], vector<16xf32>,
        %gather3A_609 = tpu.vector_load_idx %arg20[%add3A_543, %broadcast_in_dim3A_603] : memref<128x128xf32, #tpu.memory_space<vmem>>[vector<16xi32>, vector<16xi32>], vector<16xf32>,
        %add3A_610 = arith.addf %gather3A_604, %gather3A_608 : vector<16xf32>
        %sub3A_611 = arith.subf %add3A_610, %gather3A_609 : vector<16xf32>
        %abs3A_612 = math.absf %sub3A_611 : vector<16xf32>
        %add3A_613 = arith.addf %add3A_598, %abs3A_612 : vector<16xf32>
        scf.yield %add3A_613 : vector<16xf32>
      }
      %scan3A_549 = arith.constant 16 : i32
      %mul3A_550 = arith.constant 16 : i32
      %mul3A_551 = arith.muli %scan3A_539, %mul3A_550 : i32
      %add3A_552 = arith.constant 384 : i32
      %add3A_553 = arith.addi %add3A_552, %mul3A_551 : i32
      %swap3A = arith.index_cast %add3A_553 : i32 to index
      %swap3A_554 = tpu.vector_load %arg22[%swap3A] {strides = array<i32>} : memref<512xf32, #tpu.memory_space<vmem>>, vector<16xf32>,
      tpu.vector_store %arg22[%swap3A], %scan3A_548 {strides = array<i32>} : memref<512xf32, #tpu.memory_space<vmem>>, vector<16xf32>,
    }
    %scan3A_530 = arith.constant 8 : i32
    %scan3A_531 = arith.constant 0 : i32
    %scan3A_532 = arith.constant 0 : i32
    %scan3A_533 = arith.constant 32 : i32
    %scan3A_534 = arith.addi %scan3A_532, %scan3A_533 : i32
    %scan3A_535 = arith.constant 1 : i32
    scf.for %scan3A_539 = %scan3A_532 to %scan3A_534 step %scan3A_535  : i32 {
      %mul3A_540 = arith.constant 16 : i32
      %mul3A_541 = arith.muli %scan3A_539, %mul3A_540 : i32
      %get3A = arith.index_cast %mul3A_541 : i32 to index
      %get3A_542 = tpu.vector_load %arg21[%get3A] {strides = array<i32>} : memref<512xf32, #tpu.memory_space<vmem>>, vector<16xf32>,
      %get3A_543 = arith.index_cast %mul3A_541 : i32 to index
      %get3A_544 = tpu.vector_load %arg22[%get3A_543] {strides = array<i32>} : memref<512xf32, #tpu.memory_space<vmem>>, vector<16xf32>,
      %sub3A = arith.subf %get3A_542, %get3A_544 : vector<16xf32>
      %add3A_545 = arith.constant 1.000000e+00 : f32
      %add3A_546 = vector.broadcast %add3A_545 : f32 to vector<16xf32>
      %add3A_547 = arith.addf %sub3A, %add3A_546 : vector<16xf32>
      %max3A = arith.constant 0.000000e+00 : f32
      %max3A_548 = vector.broadcast %max3A : f32 to vector<16xf32>
      %max3A_549 = arith.maximumf %add3A_547, %max3A_548 : vector<16xf32>
      %swap3A = arith.index_cast %mul3A_541 : i32 to index
      %swap3A_550 = tpu.vector_load %arg23[%swap3A] {strides = array<i32>} : memref<512xf32, #tpu.memory_space<vmem>>, vector<16xf32>,
      tpu.vector_store %arg23[%swap3A], %max3A_549 {strides = array<i32>} : memref<512xf32, #tpu.memory_space<vmem>>, vector<16xf32>,
    }
    %scan3A_536 = arith.constant 32 : i32
    %mul3A_537 = arith.constant 512 : i32
    %mul3A_538 = arith.muli %add3A, %mul3A_537 : i32
    "tpu.region"() ({
      %run_scoped3A = tpu.sem_alloc : memref<!tpu.dma_semaphore, #tpu.memory_space<semaphore_mem>>
      %dma_start3A_539 = tpu.memref_slice %arg9[%mul3A_538] : memref<16384xf32, #tpu.memory_space<hbm>> -> memref<512xf32, #tpu.memory_space<hbm>>
      %dma_start3A_540 = tpu.memref_slice %arg9[%mul3A_538] : memref<16384xf32, #tpu.memory_space<hbm>> -> memref<512xf32, #tpu.memory_space<hbm>>
      tpu.enqueue_dma source(%arg23 : memref<512xf32, #tpu.memory_space<vmem>>) target(%dma_start3A_540 : memref<512xf32, #tpu.memory_space<hbm>>) target_semaphore(%run_scoped3A : memref<!tpu.dma_semaphore, #tpu.memory_space<semaphore_mem>>)
      %dma_wait3A_541 = tpu.memref_slice %arg9[%mul3A_538] : memref<16384xf32, #tpu.memory_space<hbm>> -> memref<512xf32, #tpu.memory_space<hbm>>
      %dma_wait3A_542 = tpu.memref_slice %arg9[%mul3A_538] : memref<16384xf32, #tpu.memory_space<hbm>> -> memref<512xf32, #tpu.memory_space<hbm>>
      tpu.wait_dma2 semaphore(%run_scoped3A : memref<!tpu.dma_semaphore, #tpu.memory_space<semaphore_mem>>) src(%arg23 : memref<512xf32, #tpu.memory_space<vmem>>) dst(%dma_wait3A_542 : memref<512xf32, #tpu.memory_space<hbm>>)
      tpu.yield
    }) : () -> ()
    "tpu.region"() ({
      %run_scoped3A = tpu.sem_alloc : memref<!tpu.dma_semaphore, #tpu.memory_space<semaphore_mem>>
      %dma_start3A_539 = tpu.memref_slice %arg10[%mul3A_538] : memref<16384xf32, #tpu.memory_space<hbm>> -> memref<512xf32, #tpu.memory_space<hbm>>
      %dma_start3A_540 = tpu.memref_slice %arg10[%mul3A_538] : memref<16384xf32, #tpu.memory_space<hbm>> -> memref<512xf32, #tpu.memory_space<hbm>>
      tpu.enqueue_dma source(%arg21 : memref<512xf32, #tpu.memory_space<vmem>>) target(%dma_start3A_540 : memref<512xf32, #tpu.memory_space<hbm>>) target_semaphore(%run_scoped3A : memref<!tpu.dma_semaphore, #tpu.memory_space<semaphore_mem>>)
      %dma_wait3A_541 = tpu.memref_slice %arg10[%mul3A_538] : memref<16384xf32, #tpu.memory_space<hbm>> -> memref<512xf32, #tpu.memory_space<hbm>>
      %dma_wait3A_542 = tpu.memref_slice %arg10[%mul3A_538] : memref<16384xf32, #tpu.memory_space<hbm>> -> memref<512xf32, #tpu.memory_space<hbm>>
      tpu.wait_dma2 semaphore(%run_scoped3A : memref<!tpu.dma_semaphore, #tpu.memory_space<semaphore_mem>>) src(%arg21 : memref<512xf32, #tpu.memory_space<vmem>>) dst(%dma_wait3A_542 : memref<512xf32, #tpu.memory_space<hbm>>)
      tpu.yield
    }) : () -> ()
    "tpu.region"() ({
      %run_scoped3A = tpu.sem_alloc : memref<!tpu.dma_semaphore, #tpu.memory_space<semaphore_mem>>
      %dma_start3A_539 = tpu.memref_slice %arg11[%mul3A_538] : memref<16384xf32, #tpu.memory_space<hbm>> -> memref<512xf32, #tpu.memory_space<hbm>>
      %dma_start3A_540 = tpu.memref_slice %arg11[%mul3A_538] : memref<16384xf32, #tpu.memory_space<hbm>> -> memref<512xf32, #tpu.memory_space<hbm>>
      tpu.enqueue_dma source(%arg22 : memref<512xf32, #tpu.memory_space<vmem>>) target(%dma_start3A_540 : memref<512xf32, #tpu.memory_space<hbm>>) target_semaphore(%run_scoped3A : memref<!tpu.dma_semaphore, #tpu.memory_space<semaphore_mem>>)
      %dma_wait3A_541 = tpu.memref_slice %arg11[%mul3A_538] : memref<16384xf32, #tpu.memory_space<hbm>> -> memref<512xf32, #tpu.memory_space<hbm>>
      %dma_wait3A_542 = tpu.memref_slice %arg11[%mul3A_538] : memref<16384xf32, #tpu.memory_space<hbm>> -> memref<512xf32, #tpu.memory_space<hbm>>
      tpu.wait_dma2 semaphore(%run_scoped3A : memref<!tpu.dma_semaphore, #tpu.memory_space<semaphore_mem>>) src(%arg22 : memref<512xf32, #tpu.memory_space<vmem>>) dst(%dma_wait3A_542 : memref<512xf32, #tpu.memory_space<hbm>>)
      tpu.yield
    }) : () -> ()
    return
  }
}

module attributes {stable_mosaic.version = 14 : i64} {
  func.func @_tc_stage_body(%arg0: i32, %arg1: memref<64x24576xf32, #tpu.memory_space<vmem>>, %arg2: memref<64x24576xf32, #tpu.memory_space<vmem>>, %arg3: memref<24576x128xf32, #tpu.memory_space<vmem>>) attributes {dimension_semantics = [#tpu.dimension_semantics<arbitrary>], iteration_bounds = array<i64: 41>, scalar_prefetch = 0 : i64, scratch_operands = 0 : i64, tpu.core_type = #tpu.core_type<tc>, window_params = [{transform_indices = @transform_0, window_bounds = array<i64: 64, 24576>}, {transform_indices = @transform_1, window_bounds = array<i64: 64, 24576>}, {transform_indices = @transform_2, window_bounds = array<i64: 24576, 128>}]} {
    %get3A = arith.constant 0 : index
    %get3A_0 = arith.constant 0 : index
    %get3A_1 = vector.load %arg1[%get3A, %get3A_0] : memref<64x24576xf32, #tpu.memory_space<vmem>>, vector<64x24576xf32>
    %mul3A = arith.mulf %get3A_1, %get3A_1 : vector<64x24576xf32>
    %reduce_sum3A = arith.constant dense<0.000000e+00> : vector<24576xf32>
    %reduce_sum3A_2 = vector.multi_reduction <add>, %mul3A, %reduce_sum3A [0] : vector<64x24576xf32> to vector<24576xf32>
    %broadcast_in_dim3A = vector.shape_cast %reduce_sum3A_2 : vector<24576xf32> to vector<1x24576xf32>
    %rsqrt3A = math.rsqrt %broadcast_in_dim3A : vector<1x24576xf32>
    %mul3A_3 = vector.broadcast %rsqrt3A : vector<1x24576xf32> to vector<64x24576xf32>
    %mul3A_4 = arith.mulf %get3A_1, %mul3A_3 : vector<64x24576xf32>
    %get3A_5 = arith.constant 0 : index
    %get3A_6 = arith.constant 0 : index
    %get3A_7 = vector.load %arg2[%get3A_5, %get3A_6] : memref<64x24576xf32, #tpu.memory_space<vmem>>, vector<64x24576xf32>
    %concatenate3A = tpu.concatenate %mul3A_4, %get3A_7 in 0 : vector<64x24576xf32>, vector<64x24576xf32> -> vector<128x24576xf32>
    %transpose3A = tpu.transpose %concatenate3A, [1, 0] : vector<128x24576xf32> -> vector<24576x128xf32>
    %swap3A = arith.constant 0 : index
    %swap3A_8 = arith.constant 0 : index
    %swap3A_9 = vector.load %arg3[%swap3A, %swap3A_8] : memref<24576x128xf32, #tpu.memory_space<vmem>>, vector<24576x128xf32>
    tpu.vector_store %arg3[%swap3A, %swap3A_8], %transpose3A {strides = array<i32>} : memref<24576x128xf32, #tpu.memory_space<vmem>>, vector<24576x128xf32>,
    return
  }
  func.func @transform_0(%arg0: i32) -> (i32, i32) {
    %c0_i32 = arith.constant 0 : i32
    %c0_i32_0 = arith.constant 0 : i32
    return %c0_i32, %arg0 : i32, i32
  }
  func.func @transform_1(%arg0: i32) -> (i32, i32) {
    %c0_i32 = arith.constant 0 : i32
    %c0_i32_0 = arith.constant 0 : i32
    return %c0_i32, %arg0 : i32, i32
  }
  func.func @transform_2(%arg0: i32) -> (i32, i32) {
    %c0_i32 = arith.constant 0 : i32
    %c0_i32_0 = arith.constant 0 : i32
    return %arg0, %c0_i32 : i32, i32
  }
}

</mosaic_0001>

<sc_bundles>
// kernel: kernel.4.cloned.1.call-start
scs
__scs_entry_jumppad:
0x0: {  	(pc) =	sbr.rel $0x88, $3  }
0x1: {  	(tag) =	ssettag $0x0;
	lr =	simm.s32 $0x1  }
0x2: {  	[smem:$0x3F9D] =	sst lr;
	_ =	strace $0xD0000000  }
0x3: {  	_ = 	snop  }
0x4: {  	_ = 	snop  }
0x5: {  	_ = 	snop  }
0x6: {  	_ = 	snop  }
0x7: {  	_ = 	snop  }
__scs_overlays_trampoline_lowered:
0x8: {  	[smem:$0x3FAC] =	sst s0  }
0x9: {  	[smem:$0x3FAD] =	sst s1  }
0xa: {  	[smem:$0x3FAE] =	sst s2  }
0xb: {  	[smem:$0x3FAF] =	sst s3  }
0xc: {  	[smem:$0x3FB0] =	sst s4  }
0xd: {  	[smem:$0x3FB1] =	sst s5  }
0xe: {  	[smem:$0x3FB2] =	sst s6  }
0xf: {  	[smem:$0x3FB3] =	sst s7  }
0x10: {  	[smem:$0x3FB4] =	sst s8  }
0x11: {  	[smem:$0x3FB5] =	sst s9;
	s0 =	simm.s32 @!p0 $0x0  }
0x12: {  	s1 =	sld [smem:$0x3F9B];
	s0 =	simm.s32 @p0 $0x1  }
0x13: {  	[smem:$0x3FB6] =	sst s0;
	s0 =	simm.s32 @!p1 $0x0  }
0x14: {  	s2 =	sld [smem:$0x3F9A];
	s0 =	simm.s32 @p1 $0x1  }
0x15: {  	[smem:$0x3FB7] =	sst s0;
	s0 =	simm.s32 @!p2 $0x0  }
0x16: {  	s3 =	sld [smem:$0x3FDB];
	s0 =	simm.s32 @p2 $0x1  }
0x17: {  	s4 =	simm.s32 $0x1BF5;
	[smem:$0x3FB9] =	sst s0  }
0x18: {  	s0 =	sld [smem:$0x3F9C];
	_ =	swait.ge [sflag:s4], $0x0  }
0x19: {  	s7 =	sld [smem:$0x3F9D]  }
0x1a: {  	s8 =	sadd.s32 $0xFFFFE003, lr  }
0x1b: {  	s9 =	sadd.s32 $0xFFFFFEF7, lr;
	s5 =	simm.s32 $0xFFFFFFFF;
	p2 =	slt.u32 s8, $0xFFFFF086  }
0x1c: {  	p1 =	slt.u32 s9, $0xF7A;
	s5 =	simm.s32 @!p2 $0x0  }
0x1d: {  	s5 =	simm.s32 @p1 $0x1;
	p0 =	seq.s32 s7, s2  }
0x1e: {  	s7 =	smul.u32 @!p0 $0xF7A, s2;
	p2 =	seq.s32 @!p0 s5, $0x0  }
0x1f: {  	s9 =	smul.u32 $0xF7A, s1;
	s8 =	simm.s32 @!p0 $0x1BF5;
	p2 =	por !p2, p0  }
0x20: {  	[sflag:s8] =	ssyncset.s32 @!p0 $0xFFFFF086;
	s6 =	sadd.s32 @!p0 s3, s7;
	s7 =	simm.s32 @!p0 $0x108  }
0x21: {  	s3 =	sadd.s32 s3, s9;
	s6 =	sadd.s32 @!p0 $0x88, s6;
	s7 =	simm.s32 @p2 $0x1082  }
0x22: {  	[simem:s7], [sflag:s8] =	dma.local @!p0 [hbm:s6], $0xF7A  }
0x23: {  	s9 =	sor.u32 $0xD0000000, s2;
	s6 =	simm.s32 $0x108;
	_ =	swait.ge @!p0 [sflag:s8], $0x0  }
0x24: {  	s3 =	sadd.s32 $0x88, s3;
	s6 =	simm.s32 @!p1 $0x1082;
	[sflag:s4] =	ssyncset.s32 $0xFFFFF086  }
0x25: {  	[simem:s6], [sflag:s4] =	dma.local [hbm:s3], $0xF7A  }
0x26: {  	[smem:$0x3F9D] =	sst s1;
	(tag) =	ssettag s2;
	_ =	strace s9  }
0x27: {  	s1 =	sld [smem:$0x3FAD]  }
0x28: {  	s2 =	sld [smem:$0x3FAE]  }
0x29: {  	s4 =	sld [smem:$0x3FB0]  }
0x2a: {  	p0 =	seq.s32 s5, $0x0;
	s5 =	sld [smem:$0x3FB1]  }
0x2b: {  	s6 =	sld [smem:$0x3FB2]  }
0x2c: {  	s7 =	sld [smem:$0x3FB3]  }
0x2d: {  	s3 =	simm.s32 $0x108;
	s8 =	sld [smem:$0x3FB4]  }
0x2e: {  	s3 =	simm.s32 @!p0 $0x1082;
	s9 =	sld [smem:$0x3FB5]  }
0x2f: {  	lr =	sadd.s32 s0, s3;
	s0 =	sld [smem:$0x3FAC]  }
0x30: {  	s3 =	sld [smem:$0x3FAF]  }
0x31: {  	[smem:$0x3FB8] =	sst s10  }
0x32: {  	s10 =	sld [smem:$0x3FB6];
	_ =	sdelay $0x3  }
0x33: {  	p0 =	seq.s32 s10, $0x1;
	s10 =	sld [smem:$0x3FB8];
	_ =	sdelay $0x3  }
0x34: {  	[smem:$0x3FB8] =	sst s10  }
0x35: {  	s10 =	sld [smem:$0x3FB7];
	_ =	sdelay $0x3  }
0x36: {  	p1 =	seq.s32 s10, $0x1;
	s10 =	sld [smem:$0x3FB8];
	_ =	sdelay $0x3  }
0x37: {  	[smem:$0x3FB8] =	sst s10  }
0x38: {  	s10 =	sld [smem:$0x3FB9]  }
0x39: {  	_ = 	snop;
	(pc) =	sbr.ind lr, $3  }
0x3a: {  	_ = 	snop  }
0x3b: {  	_ = 	snop  }
0x3c: {  	p2 =	seq.s32 s10, $0x1;
	s10 =	sld [smem:$0x3FB8]  }
0x3d: {  	_ =	shalt  }
0x3e: {  	_ =	shalt  }
0x3f: {  	_ =	shalt  }
0x40: {  	_ =	shalt  }
0x41: {  	_ =	shalt  }
0x42: {  	_ =	shalt  }
0x43: {  	_ =	shalt  }
0x44: {  	_ =	shalt  }
0x45: {  	_ =	shalt  }
0x46: {  	_ =	shalt  }
0x47: {  	_ =	shalt  }
0x48: {  	_ =	shalt  }
0x49: {  	_ =	shalt  }
0x4a: {  	_ =	shalt  }
0x4b: {  	_ =	shalt  }
0x4c: {  	_ =	shalt  }
0x4d: {  	_ =	shalt  }
0x4e: {  	_ =	shalt  }
0x4f: {  	_ =	shalt  }
0x50: {  	_ =	shalt  }
0x51: {  	_ =	shalt  }
0x52: {  	_ =	shalt  }
0x53: {  	_ =	shalt  }
0x54: {  	_ =	shalt  }
0x55: {  	_ =	shalt  }
0x56: {  	_ =	shalt  }
0x57: {  	_ =	shalt  }
0x58: {  	_ =	shalt  }
0x59: {  	_ =	shalt  }
0x5a: {  	_ =	shalt  }
0x5b: {  	_ =	shalt  }
0x5c: {  	_ =	shalt  }
0x5d: {  	_ =	shalt  }
0x5e: {  	_ =	shalt  }
0x5f: {  	_ =	shalt  }
0x60: {  	_ =	shalt  }
0x61: {  	_ =	shalt  }
0x62: {  	_ =	shalt  }
0x63: {  	_ =	shalt  }
0x64: {  	_ =	shalt  }
0x65: {  	_ =	shalt  }
0x66: {  	_ =	shalt  }
0x67: {  	_ =	shalt  }
0x68: {  	_ =	shalt  }
0x69: {  	_ =	shalt  }
0x6a: {  	_ =	shalt  }
0x6b: {  	_ =	shalt  }
0x6c: {  	_ =	shalt  }
0x6d: {  	_ =	shalt  }
0x6e: {  	_ =	shalt  }
0x6f: {  	_ =	shalt  }
0x70: {  	_ =	shalt  }
0x71: {  	_ =	shalt  }
0x72: {  	_ =	shalt  }
0x73: {  	_ =	shalt  }
0x74: {  	_ =	shalt  }
0x75: {  	_ =	shalt  }
0x76: {  	_ =	shalt  }
0x77: {  	_ =	shalt  }
0x78: {  	_ =	shalt  }
0x79: {  	_ =	shalt  }
0x7a: {  	_ =	shalt  }
0x7b: {  	_ =	shalt  }
0x7c: {  	_ =	shalt  }
0x7d: {  	_ =	shalt  }
0x7e: {  	_ =	shalt  }
0x7f: {  	_ =	shalt  }
0x80: {  	_ =	shalt  }
0x81: {  	_ =	shalt  }
0x82: {  	_ =	shalt  }
0x83: {  	_ =	shalt  }
0x84: {  	_ =	shalt  }
0x85: {  	_ =	shalt  }
0x86: {  	_ =	shalt  }
0x87: {  	_ =	shalt  }
.Lfunc_end0:
.L_simem_size_0:
called_computation_lowered:
.L_overlay_start_0:
0x88: {  	s2 =	sld [smem:$0x3FD9]  }
0x89: {  	s3 =	sld [smem:$0x3FFE];
	_ =	sdelay $0x1  }
0x8a: {  	s1 =	srdreg.scid  }
0x8b: {  	s0 =	sand.u32 $0x1, s1  }
0x8c: {  	s14 =	sshll.u32 s0, $0xA;
	s2 =	sadd.s32 s3, s2  }
0x8d: {  	s2 =	sadd.s32 s2, s14  }
0x8e: {  	[smem:$0x3FC4] =	sst s2  }
0x8f: {  	_ = 	snop  }
0x90: {  	s2 =	sld [smem:$0x3FD0];
	_ =	sdelay $0x2  }
0x91: {  	s15 =	simm.s32 $0xA;
	s4 =	simm.s32 $0x10  }
0x92: {  	[smem:s4], [sflag:s15] =	dma.local [hbm:s2], $0x1  }
0x93: {  	_ =	swait.eq [sflag:s15], $0x1  }
0x94: {  	s16 =	sld [smem:$0x10];
	[sflag:s15] =	ssyncset.done $0x0  }
0x95: {  	s17 =	sld [smem:$0x11];
	[sflag:s15] =	ssyncadd.s32 $0xFFFFFFFF  }
0x96: {  	s18 =	sld [smem:$0x12];
	(tm) =	ssettm $0x1  }
0x97: {  	s5 =	sld [smem:$0x3FFB];
	_ =	sdelay $0x3  }
0x98: {  	_ =	strace s5  }
0x99: {  	s5 =	sld [smem:$0x3FFC];
	_ =	sdelay $0x3  }
0x9a: {  	_ =	strace s5  }
0x9b: {  	s5 =	sld [smem:$0x3FFD];
	_ =	sdelay $0x3  }
0x9c: {  	_ =	strace s5  }
0x9d: {  	_ =	strace $0x8FFFFFFF  }
0x9e: {  	s19 =	sld [smem:$0x3FDB];
	_ =	sdelay $0x1  }
0x9f: {  	s6 =	simm.s32 $_scs_section_size  }
0xa0: {  	s7 =	simm.s32 $_size__tile_overlayer_lowered;
	s8 =	simm.s32 $_tile_overlayer_lowered  }
0xa1: {  	s22 =	simm.s32 $0x1BFF;
	s21 =	sshll.u32 s8, $0x1;
	s5 =	sadd.s32 s6, s19  }
0xa2: {  	s9 =	simm.s32 $0x0;
	s20 =	sshll.u32 s7, $0x1;
	s7 =	sadd.s32 s21, s5  }
0xa3: {  	[timem:s9], [sflag:s22] =	dma.local [hbm:s7], s20  }
0xa4: {  	_ =	swait.ge [sflag:s22], s20  }
0xa5: {  	s6 =	ssub.s32 $0x0, s20;
	[sflag:s22] =	ssyncset.done $0x0  }
0xa6: {  	[sflag:s22] =	ssyncadd.s32 s6;
	_ =	sdelay $0x1  }
0xa7: {  	s23 =	simm.s32 $0x1B8B  }
0xa8: {  	_ =	swait.ge [sflag:s23], $0x1  }
0xa9: {  	[sflag:s23] =	ssyncset.done $0x0  }
0xaa: {  	s25 =	simm.s32 $0x1B8E;
	s24 =	sld [smem:$0x3FFE];
	[sflag:s23] =	ssyncadd.s32 $0xFFFFFFFF  }
0xab: {  	s26 =	simm.s32 $execute0_lowered;
	[smem:$0x3FD2] =	sst s25  }
0xac: {  	s7 =	sshll.u32 s26, $0x1;
	_ =	strace $0x80000046;
	[dreg:$0x1] =	wrdreg $0xFFFFFFFF  }
0xad: {  	s28 =	simm.s32 $_size_execute0_lowered;
	s5 =	sadd.s32 s5, s7;
	[dreg:$0x0] =	wrdreg $0x0  }
0xae: {  	s7 =	sshll.u32 s28, $0x1;
	[dreg:$0x2] =	wrdreg s5  }
0xaf: {  	[dreg:$0x3] =	wrdreg s7  }
0xb0: {  	[dreg:$0x4] =	wrdreg $0xC0  }
0xb1: {  	_ =	task [dreg:s9], $0x5FFFF  }
0xb2: {  	[dreg:$0x1] =	wrdreg $0xFFFFFFFF  }
0xb3: {  	[dreg:$0x0] =	wrdreg $0x60  }
0xb4: {  	[dreg:$0x2] =	wrdreg s24  }
0xb5: {  	[dreg:$0x3] =	wrdreg s16  }
0xb6: {  	[dreg:$0x4] =	wrdreg s17  }
0xb7: {  	[dreg:$0x5] =	wrdreg s18  }
0xb8: {  	[dreg:$0x6] =	wrdreg $0x9  }
0xb9: {  	_ =	task.clear_ibuf [dreg:s9], $0x7FFFF;
	_ =	strace $0x90000046  }
0xba: {  	s29 =	simm.s32 $0x9;
	_ =	strace $0x80000048  }
0xbb: {  	_ =	swait.ge [sflag:s29], $0x1  }
0xbc: {  	[sflag:s29] =	ssyncadd.s32 $0xFFFFFFFF  }
0xbd: {  	_ =	strace $0x90000048  }
0xbe: {  	_ =	sfence  }
0xbf: {  	s30 =	sld [smem:$0x0];
	_ =	sdelay $0x2  }
0xc0: {  	s31 =	sshll.u32 s1, $0xD;
	s1 =	sshrl.u32 s1, $0x2  }
0xc1: {  	s3 =	sand.u32 $0x4000, s31;
	s1 =	sadd.s32 s1, s30  }
0xc2: {  	s0 =	sor.u32 s3, s0;
	s1 =	sshll.u32 s1, $0x11  }
0xc3: {  	s0 =	sor.u32 s1, s0  }
0xc4: {  	s0 =	sadd.s32 $0x8F2B, s0  }
0xc5: {  	[sflag:s0] =	ssyncadd.remote.s32 $0x1  }
0xc6: {  	_ =	sfence.sel $0xFFFF  }
0xc7: {  	[dreg:$0x0] =	wrdreg $0xFFFFFFFF;
	(pc) =	sbr.abs _section_cstart, $3  }
0xc8: {  	[dreg:$0x1] =	wrdreg $0xFFFFFFFF  }
0xc9: {  	_ =	task.clear_ibuf [dreg:s9], $0x2FFFF;
	_ =	strace $0x9FFFFFFF  }
0xca: {  	(tm) =	ssettm $0x7FFFFFFF  }
0xcb: {  	_ =	shalt  }
tec
execute0_lowered:
.L_overlay_start_1:
0x0: {  	(tag) =	ssettag $0x1  }
0x1: {  	s0 =	rddreg [dreg:$0x0]  }
0x2: {  	s1 =	rddreg [dreg:$0x1]  }
0x3: {  	s4 =	rddreg [dreg:$0x2]  }
0x4: {  	s5 =	rddreg [dreg:$0x3]  }
0x5: {  	s2 =	simm.s32 $0x0;
	s3 =	srdreg.scid;
	s6 =	stileid.u32  }
0x6: {  	s14 =	simm.s32 $0x2;
	s15 =	simm.s32 $0x200;
	s16 =	simm.s32 $0x400  }
0x7: {  	s17 =	simm.s32 $0x80;
	s18 =	simm.s32 $0x600;
	s19 =	simm.s32 $0x4600  }
0x8: {  	s20 =	simm.s32 $0x8600;
	s21 =	simm.s32 $0x1;
	s22 =	simm.s32 $0xC600  }
0x9: {  	s24 =	simm.s32 $0x10600;
	s31 =	simm.s32 $0x180;
	s23 =	simm.s32 $0x0  }
0xa: {  	[smem:$0x7FF] =	sst s2;
	s3 =	sand.u32 $0x1, s3;
	s6 =	sshll.u32 s6, $0x7  }
0xb: {  	s7 =	sshll.u32 s3, $0x6;
	s8 =	ssub.s32 $0x2, s3;
	_ =	strace $0x80000047  }
0xc: {  	s3 =	sadd.s32 $0x3C00, s0;
	s6 =	sor.u32 s7, s6;
	s25 =	sshrl.u32 s8, $0x1  }
0xd: {  	s9 =	sadd.s32 s6, s0;
	s26 =	ssub.s32 s8, s25;
	s10 =	sadd.s32 s1, s6  }
0xe: {  	s11 =	sadd.s32 s4, s6;
	s12 =	sadd.s32 s5, s6;
	s0 =	simm.s32 $0x380  }
0xf: {  	s1 =	simm.s32 $0x580;
	s28 =	sadd.s32 $0x1C00, s9;
	s29 =	sadd.s32 $0x1400, s9  }
0x10: {  	s30 =	sadd.s32 $0xC00, s9;
	s7 =	sadd.s32 $0x3400, s9;
	[dreg:$0x5] =	wrdreg s28  }
0x11: {  	v0 =	vlaneseq.u32;
	s8 =	sadd.s32 $0x2C00, s9;
	s9 =	sadd.s32 $0x2400, s9;
	[dreg:$0x6] =	wrdreg s29  }
0x12: {  	v0 =	vmul.u32 $0x80, v0;
	s13 =	smax.u32 s26, $0x1;
	s26 =	simm.s32 $0x14600;
	[dreg:$0x7] =	wrdreg s30  }
.LBB2_1:
0x13: {  	s4 =	rddreg [dreg:$0x5]  }
0x14: {  	[tilespmem:s2], [sflag:$0x2] =	stream.linear.gather [hbm4b:s4+s2], $0x200, $0x38;
	[tilespmem:$0x18C00] =	vst v63  }
0x15: {  	_ =	swait.ge [sflag:s14], $0x200  }
0x16: {  	[sflag:s14] =	ssyncset.done $0x0  }
0x17: {  	s25 =	rddreg [dreg:$0x6];
	[sflag:s14] =	ssyncadd.s32 $0xFFFFFE00  }
0x18: {  	[tilespmem:s15], [sflag:$0x2] =	stream.linear.gather [hbm4b:s25+s2], $0x200, $0x38;
	[tilespmem:$0x18C00] =	vst v63  }
0x19: {  	_ =	swait.ge [sflag:s14], $0x200  }
0x1a: {  	[sflag:s14] =	ssyncset.done $0x0  }
0x1b: {  	s28 =	rddreg [dreg:$0x7];
	[sflag:s14] =	ssyncadd.s32 $0xFFFFFE00  }
0x1c: {  	[tilespmem:s16], [sflag:$0x2] =	stream.linear.gather [hbm4b:s28+s2], $0x200, $0x38;
	[tilespmem:$0x18C00] =	vst v63  }
0x1d: {  	_ =	swait.ge [sflag:s14], $0x200  }
0x1e: {  	[sflag:s14] =	ssyncset.done $0x0  }
0x1f: {  	[sflag:s14] =	ssyncadd.s32 $0xFFFFFE00  }
0x20: {  	[tilespmem:s18], [sflag:$0x1] =	stream.indirect.gather [hbm4b:s3+s17], $0x80, s2, s17, $0xb8;
	[tilespmem:$0x18C00] =	vst v63  }
0x21: {  	_ = 	snop  }
0x22: {  	[tilespmem:s19], [sflag:$0x1] =	stream.indirect.gather [hbm4b:s3+s17], $0x80, s15, s17, $0xb8;
	[tilespmem:$0x18C00] =	vst v63  }
0x23: {  	_ = 	snop  }
0x24: {  	[tilespmem:s20], [sflag:$0x1] =	stream.indirect.gather [hbm4b:s3+s17], $0x80, s16, s17, $0xb8;
	[tilespmem:$0x18C00] =	vst v63  }
0x25: {  	_ =	swait.ge [sflag:s21], $0x4000  }
0x26: {  	[sflag:s21] =	ssyncset.done $0x0  }
0x27: {  	[sflag:s21] =	ssyncadd.s32 $0xFFFFC000  }
0x28: {  	_ =	swait.ge [sflag:s21], $0x4000  }
0x29: {  	[sflag:s21] =	ssyncset.done $0x0  }
0x2a: {  	[sflag:s21] =	ssyncadd.s32 $0xFFFFC000  }
0x2b: {  	_ =	swait.ge [sflag:s21], $0x4000  }
0x2c: {  	[sflag:s21] =	ssyncset.done $0x0  }
0x2d: {  	[sflag:s21] =	ssyncadd.s32 $0xFFFFC000  }
0x2e: {  	[tilespmem:s22], [sflag:$0x1] =	stream.indirect.gather [hbm4b:s3+s17], $0x80, s17, s17, $0xb8;
	[tilespmem:$0x18C00] =	vst v63  }
0x2f: {  	s29 =	simm.s32 $0x280  }
0x30: {  	[tilespmem:s24], [sflag:$0x1] =	stream.indirect.gather [hbm4b:s3+s17], $0x80, s29, s17, $0xb8;
	[tilespmem:$0x18C00] =	vst v63  }
0x31: {  	s30 =	simm.s32 $0x480;
	s25 =	simm.s32 $0x0  }
0x32: {  	[tilespmem:s26], [sflag:$0x1] =	stream.indirect.gather [hbm4b:s3+s17], $0x80, s30, s17, $0xb8;
	[tilespmem:$0x18C00] =	vst v63  }
.LBB2_2:
0x33: {  	s4 =	sshll.u32 s25, $0x4  }
0x34: {  	v1 =	vmov s4  }
0x35: {  	v1 =	vshll.u32 v1, $0x7  }
0x36: {  	s5 =	simm.s32 $0x0;
	v2 =	vor.u32 v0, v1  }
0x37: {  	v3 =	vor.u32 s5, v2  }
0x38: {  	s6 =	simm.s32 $0x1  }
0x39: {  	v6 =	vor.u32 s6, v2  }
0x3a: {  	s30 =	simm.s32 $0x3  }
0x3b: {  	v1 =	vor.u32 $0x40, v2;
	v8 =	vor.u32 s30, v2  }
0x3c: {  	v4 =	vor.u32 s5, v1;
	v9 =	vld.idx.msk [tilespmem:v3+s20+$0x0], $0xffff  }
0x3d: {  	v10 =	vor.u32 s6, v1;
	v7 =	vld.idx.msk [tilespmem:v3+s18+$0x0], $0xffff  }
0x3e: {  	s5 =	simm.s32 $0x2;
	v12 =	vor.u32 s30, v1;
	v3 =	vld.idx.msk [tilespmem:v6+s20+$0x0], $0xffff  }
0x3f: {  	v5 =	vor.u32 s5, v2;
	v14 =	vld.idx.msk [tilespmem:v6+s18+$0x0], $0xffff  }
0x40: {  	v11 =	vor.u32 s5, v1;
	v6 =	vld.idx.msk [tilespmem:v8+s18+$0x0], $0xffff  }
0x41: {  	s28 =	simm.s32 $0x4;
	v17 =	vld.idx.msk [tilespmem:v4+s19+$0x0], $0xffff  }
0x42: {  	v15 =	vor.u32 s28, v2;
	v16 =	vld.idx.msk [tilespmem:v10+s19+$0x0], $0xffff  }
0x43: {  	v12 =	vld.idx.msk [tilespmem:v12+s19+$0x0], $0xffff  }
0x44: {  	v10 =	vld.idx.msk [tilespmem:v5+s18+$0x0], $0xffff  }
0x45: {  	s29 =	simm.s32 $0x6;
	v18 =	vor.u32 s28, v1;
	v13 =	vld.idx.msk [tilespmem:v11+s19+$0x0], $0xffff  }
0x46: {  	s6 =	simm.s32 $0x5;
	v4 =	vld.idx.msk [tilespmem:v5+s20+$0x0], $0xffff;
	v5 =	vor.u32 s29, v2;
	v19 =	vadd.f32 v17, v7  }
0x47: {  	s5 =	simm.s32 $0x8;
	v11 =	vimm.f32 $0.0e+00;
	v7 =	vld.idx.msk [tilespmem:v15+s20+$0x0], $0xffff;
	v17 =	vor.u32 s6, v2  }
.LBB2_3:
0x48: {  	p0 =	sne.s32 s5, $0x3C;
	v9 =	vsub.f32 v19, v9;
	v14 =	vadd.f32 v16, v14;
	v19 =	vld.idx.msk [tilespmem:v8+s20+$0x0], $0xffff  }
0x49: {  	v16 =	vor.u32 s6, v1;
	v20 =	vld.idx.msk [tilespmem:v15+s18+$0x0], $0xffff  }
0x4a: {  	s6 =	sadd.s32 $0x3, s28;
	s28 =	smov.u32 s5;
	v10 =	vadd.f32 v13, v10;
	v21 =	vld.idx.msk [tilespmem:v18+s19+$0x0], $0xffff;
	v9 =	vand.u32 $0x7FFFFFFF, v9;
	v14 =	vsub.f32 v14, v3  }
0x4b: {  	v13 =	vor.u32 s29, v1;
	v8 =	vor.u32 s6, v2;
	v22 =	vld.idx.msk [tilespmem:v5+s20+$0x0], $0xffff;
	v15 =	vadd.f32 v9, v11  }
0x4c: {  	v4 =	vsub.f32 v10, v4;
	v6 =	vadd.f32 v12, v6;
	v3 =	vld.idx.msk [tilespmem:v17+s20+$0x0], $0xffff;
	v11 =	vand.u32 $0x7FFFFFFF, v14  }
0x4d: {  	v12 =	vor.u32 s6, v1;
	v14 =	vld.idx.msk [tilespmem:v17+s18+$0x0], $0xffff;
	v11 =	vadd.f32 v11, v15;
	v9 =	vmov v7  }
0x4e: {  	v15 =	vor.u32 s5, v2;
	v4 =	vand.u32 $0x7FFFFFFF, v4;
	v6 =	vsub.f32 v6, v19;
	v16 =	vld.idx.msk [tilespmem:v16+s19+$0x0], $0xffff  }
.Ltmp0:
0x4f: {  	v10 =	vld.idx.msk [tilespmem:v5+s18+$0x0], $0xffff;
	v7 =	vadd.f32 v4, v11;
	(pc) =	sbr.rel @p0 .LBB2_3-.Ltmp0, $4  }
0x50: {  	v5 =	vand.u32 $0x7FFFFFFF, v6;
	v13 =	vld.idx.msk [tilespmem:v13+s19+$0x0], $0xffff  }
0x51: {  	s29 =	sadd.s32 $0x2, s5;
	v18 =	vor.u32 s5, v1;
	v4 =	vmov v22;
	v6 =	vld.idx.msk [tilespmem:v8+s18+$0x0], $0xffff;
	v11 =	vadd.f32 v5, v7  }
0x52: {  	s6 =	sadd.s32 $0x1, s5;
	v19 =	vadd.f32 v21, v20;
	v5 =	vor.u32 s29, v2;
	v12 =	vld.idx.msk [tilespmem:v12+s19+$0x0], $0xffff  }
0x53: {  	v17 =	vor.u32 s6, v2;
	s5 =	sadd.s32 $0x4, s5;
	v7 =	vld.idx.msk [tilespmem:v15+s20+$0x0], $0xffff  }
0x54: {  	_ =	sdelay $0x3  }
0x55: {  	v8 =	vld.idx.msk [tilespmem:v8+s20+$0x0], $0xffff  }
0x56: {  	v15 =	vld.idx.msk [tilespmem:v15+s18+$0x0], $0xffff;
	v20 =	vor.u32 s6, v1  }
0x57: {  	v47 =	vld.idx.msk [tilespmem:v18+s19+$0x0], $0xffff  }
0x58: {  	v14 =	vadd.f32 v16, v14;
	v9 =	vsub.f32 v19, v9;
	s5 =	sadd.s32 $0x3, s28;
	v48 =	vor.u32 s29, v1;
	v49 =	vld.idx.msk [tilespmem:v5+s20+$0x0], $0xffff  }
0x59: {  	v50 =	vld.idx.msk [tilespmem:v17+s20+$0x0], $0xffff;
	v2 =	vor.u32 s5, v2;
	v10 =	vadd.f32 v13, v10  }
0x5a: {  	v51 =	vld.idx.msk [tilespmem:v17+s18+$0x0], $0xffff;
	v1 =	vor.u32 s5, v1;
	v3 =	vsub.f32 v14, v3;
	v9 =	vand.u32 $0x7FFFFFFF, v9  }
0x5b: {  	v9 =	vadd.f32 v9, v11;
	v52 =	vld.idx.msk [tilespmem:v20+s19+$0x0], $0xffff  }
0x5c: {  	v53 =	vld.idx.msk [tilespmem:v5+s18+$0x0], $0xffff;
	v4 =	vsub.f32 v10, v4;
	v6 =	vadd.f32 v12, v6;
	v3 =	vand.u32 $0x7FFFFFFF, v3  }
0x5d: {  	v3 =	vadd.f32 v3, v9;
	v54 =	vld.idx.msk [tilespmem:v48+s19+$0x0], $0xffff  }
0x5e: {  	v4 =	vand.u32 $0x7FFFFFFF, v4;
	v6 =	vsub.f32 v6, v8;
	v56 =	vadd.f32 v47, v15;
	v55 =	vld.idx.msk [tilespmem:v2+s18+$0x0], $0xffff  }
0x5f: {  	v1 =	vld.idx.msk [tilespmem:v1+s19+$0x0], $0xffff;
	v3 =	vadd.f32 v4, v3  }
0x60: {  	v57 =	vand.u32 $0x7FFFFFFF, v6;
	v58 =	vsub.f32 v56, v7;
	v59 =	vadd.f32 v52, v51  }
0x61: {  	v2 =	vld.idx.msk [tilespmem:v2+s20+$0x0], $0xffff;
	v3 =	vadd.f32 v57, v3  }
0x62: {  	v60 =	vand.u32 $0x7FFFFFFF, v58;
	v5 =	vadd.f32 v54, v53;
	v61 =	vsub.f32 v59, v50  }
0x63: {  	v3 =	vadd.f32 v60, v3  }
0x64: {  	v1 =	vadd.f32 v1, v55;
	v5 =	vsub.f32 v5, v49;
	v62 =	vand.u32 $0x7FFFFFFF, v61  }
0x65: {  	s25 =	sadd.s32 $0x1, s25;
	v3 =	vadd.f32 v62, v3  }
0x66: {  	p0 =	sne.s32 s25, $0x8;
	v1 =	vsub.f32 v1, v2;
	v63 =	vand.u32 $0x7FFFFFFF, v5  }
.Ltmp1:
0x67: {  	v2 =	vadd.f32 v63, v3;
	(pc) =	sbr.rel @p0 .LBB2_2-.Ltmp1, $3  }
0x68: {  	v1 =	vand.u32 $0x7FFFFFFF, v1  }
0x69: {  	v1 =	vadd.f32 v1, v2;
	_ =	sdelay $0x1  }
0x6a: {  	[tilespmem:s4+$0x18600] =	vst v1  }
0x6b: {  	_ =	swait.ge [sflag:s21], $0x4000  }
0x6c: {  	[sflag:s21] =	ssyncset.done $0x0  }
0x6d: {  	[sflag:s21] =	ssyncadd.s32 $0xFFFFC000  }
0x6e: {  	_ =	swait.ge [sflag:s21], $0x4000  }
0x6f: {  	[sflag:s21] =	ssyncset.done $0x0  }
0x70: {  	[sflag:s21] =	ssyncadd.s32 $0xFFFFC000  }
0x71: {  	_ =	swait.ge [sflag:s21], $0x4000  }
0x72: {  	[sflag:s21] =	ssyncset.done $0x0  }
0x73: {  	s4 =	simm.s32 $0x100;
	[sflag:s21] =	ssyncadd.s32 $0xFFFFC000  }
0x74: {  	[tilespmem:s18], [sflag:$0x1] =	stream.indirect.gather [hbm4b:s3+s17], $0x80, s4, s17, $0xb8;
	[tilespmem:$0x18C00] =	vst v63  }
0x75: {  	s29 =	simm.s32 $0x300  }
0x76: {  	[tilespmem:s19], [sflag:$0x1] =	stream.indirect.gather [hbm4b:s3+s17], $0x80, s29, s17, $0xb8;
	[tilespmem:$0x18C00] =	vst v63  }
0x77: {  	s30 =	simm.s32 $0x500;
	s25 =	simm.s32 $0x0;
	s4 =	simm.s32 $0x0  }
0x78: {  	[tilespmem:s20], [sflag:$0x1] =	stream.indirect.gather [hbm4b:s3+s17], $0x80, s30, s17, $0xb8;
	[tilespmem:$0x18C00] =	vst v63  }
.LBB2_6:
0x79: {  	s28 =	sshll.u32 s4, $0x4  }
0x7a: {  	v1 =	vmov s28  }
0x7b: {  	v1 =	vshll.u32 v1, $0x7  }
0x7c: {  	v2 =	vor.u32 v0, v1  }
0x7d: {  	v3 =	vor.u32 s25, v2  }
0x7e: {  	s6 =	simm.s32 $0x1  }
0x7f: {  	v6 =	vor.u32 s6, v2  }
0x80: {  	v1 =	vor.u32 $0x40, v2  }
0x81: {  	s5 =	simm.s32 $0x2;
	v4 =	vor.u32 s25, v1  }
0x82: {  	v5 =	vor.u32 s5, v2;
	v9 =	vld.idx.msk [tilespmem:v3+s26+$0x0], $0xffff  }
0x83: {  	v10 =	vor.u32 s6, v1;
	v7 =	vld.idx.msk [tilespmem:v3+s22+$0x0], $0xffff  }
0x84: {  	v3 =	vld.idx.msk [tilespmem:v6+s26+$0x0], $0xffff  }
0x85: {  	s6 =	simm.s32 $0x3;
	v11 =	vor.u32 s5, v1;
	v14 =	vld.idx.msk [tilespmem:v6+s22+$0x0], $0xffff  }
0x86: {  	v8 =	vor.u32 s6, v2;
	v17 =	vld.idx.msk [tilespmem:v4+s24+$0x0], $0xffff  }
0x87: {  	s5 =	simm.s32 $0x4;
	v12 =	vor.u32 s6, v1;
	v4 =	vld.idx.msk [tilespmem:v5+s26+$0x0], $0xffff  }
0x88: {  	v15 =	vor.u32 s5, v2;
	v16 =	vld.idx.msk [tilespmem:v10+s24+$0x0], $0xffff  }
0x89: {  	v10 =	vld.idx.msk [tilespmem:v5+s22+$0x0], $0xffff  }
0x8a: {  	v13 =	vld.idx.msk [tilespmem:v11+s24+$0x0], $0xffff  }
0x8b: {  	v18 =	vor.u32 s5, v1;
	s6 =	simm.s32 $0x6;
	v6 =	vld.idx.msk [tilespmem:v8+s22+$0x0], $0xffff  }
0x8c: {  	s30 =	simm.s32 $0x5;
	v5 =	vor.u32 s6, v2;
	v12 =	vld.idx.msk [tilespmem:v12+s24+$0x0], $0xffff;
	v19 =	vadd.f32 v17, v7  }
0x8d: {  	s29 =	simm.s32 $0x8;
	v11 =	vimm.f32 $0.0e+00;
	v7 =	vld.idx.msk [tilespmem:v15+s26+$0x0], $0xffff;
	v17 =	vor.u32 s30, v2  }
.LBB2_7:
0x8e: {  	p0 =	sne.s32 s29, $0x3C;
	v9 =	vsub.f32 v19, v9;
	v14 =	vadd.f32 v16, v14;
	v19 =	vld.idx.msk [tilespmem:v8+s26+$0x0], $0xffff  }
0x8f: {  	v16 =	vor.u32 s30, v1;
	v20 =	vld.idx.msk [tilespmem:v15+s22+$0x0], $0xffff  }
0x90: {  	s30 =	sadd.s32 $0x3, s5;
	s5 =	smov.u32 s29;
	v10 =	vadd.f32 v13, v10;
	v21 =	vld.idx.msk [tilespmem:v18+s24+$0x0], $0xffff;
	v9 =	vand.u32 $0x7FFFFFFF, v9;
	v14 =	vsub.f32 v14, v3  }
0x91: {  	v13 =	vor.u32 s6, v1;
	v8 =	vor.u32 s30, v2;
	v22 =	vld.idx.msk [tilespmem:v5+s26+$0x0], $0xffff;
	v15 =	vadd.f32 v9, v11  }
0x92: {  	v4 =	vsub.f32 v10, v4;
	v6 =	vadd.f32 v12, v6;
	v3 =	vld.idx.msk [tilespmem:v17+s26+$0x0], $0xffff;
	v11 =	vand.u32 $0x7FFFFFFF, v14  }
0x93: {  	v12 =	vor.u32 s30, v1;
	v14 =	vld.idx.msk [tilespmem:v17+s22+$0x0], $0xffff;
	v11 =	vadd.f32 v11, v15;
	v9 =	vmov v7  }
0x94: {  	v15 =	vor.u32 s29, v2;
	v4 =	vand.u32 $0x7FFFFFFF, v4;
	v6 =	vsub.f32 v6, v19;
	v16 =	vld.idx.msk [tilespmem:v16+s24+$0x0], $0xffff  }
.Ltmp2:
0x95: {  	v10 =	vld.idx.msk [tilespmem:v5+s22+$0x0], $0xffff;
	v7 =	vadd.f32 v4, v11;
	(pc) =	sbr.rel @p0 .LBB2_7-.Ltmp2, $4  }
0x96: {  	v5 =	vand.u32 $0x7FFFFFFF, v6;
	v13 =	vld.idx.msk [tilespmem:v13+s24+$0x0], $0xffff  }
0x97: {  	s6 =	sadd.s32 $0x2, s29;
	v18 =	vor.u32 s29, v1;
	v4 =	vmov v22;
	v6 =	vld.idx.msk [tilespmem:v8+s22+$0x0], $0xffff;
	v11 =	vadd.f32 v5, v7  }
0x98: {  	s30 =	sadd.s32 $0x1, s29;
	v19 =	vadd.f32 v21, v20;
	v5 =	vor.u32 s6, v2;
	v12 =	vld.idx.msk [tilespmem:v12+s24+$0x0], $0xffff  }
0x99: {  	v17 =	vor.u32 s30, v2;
	s29 =	sadd.s32 $0x4, s29;
	v7 =	vld.idx.msk [tilespmem:v15+s26+$0x0], $0xffff  }
0x9a: {  	_ =	sdelay $0x3  }
0x9b: {  	v8 =	vld.idx.msk [tilespmem:v8+s26+$0x0], $0xffff  }
0x9c: {  	v15 =	vld.idx.msk [tilespmem:v15+s22+$0x0], $0xffff;
	v20 =	vor.u32 s30, v1  }
0x9d: {  	v47 =	vld.idx.msk [tilespmem:v18+s24+$0x0], $0xffff  }
0x9e: {  	v14 =	vadd.f32 v16, v14;
	v9 =	vsub.f32 v19, v9;
	s5 =	sadd.s32 $0x3, s5;
	v48 =	vor.u32 s6, v1;
	v49 =	vld.idx.msk [tilespmem:v5+s26+$0x0], $0xffff  }
0x9f: {  	v50 =	vld.idx.msk [tilespmem:v17+s26+$0x0], $0xffff;
	v2 =	vor.u32 s5, v2;
	v10 =	vadd.f32 v13, v10  }
0xa0: {  	v51 =	vld.idx.msk [tilespmem:v17+s22+$0x0], $0xffff;
	v1 =	vor.u32 s5, v1;
	v3 =	vsub.f32 v14, v3;
	v9 =	vand.u32 $0x7FFFFFFF, v9  }
0xa1: {  	v9 =	vadd.f32 v9, v11;
	v52 =	vld.idx.msk [tilespmem:v20+s24+$0x0], $0xffff  }
0xa2: {  	v53 =	vld.idx.msk [tilespmem:v5+s22+$0x0], $0xffff;
	v4 =	vsub.f32 v10, v4;
	v6 =	vadd.f32 v12, v6;
	v3 =	vand.u32 $0x7FFFFFFF, v3  }
0xa3: {  	v3 =	vadd.f32 v3, v9;
	v54 =	vld.idx.msk [tilespmem:v48+s24+$0x0], $0xffff  }
0xa4: {  	v4 =	vand.u32 $0x7FFFFFFF, v4;
	v6 =	vsub.f32 v6, v8;
	v56 =	vadd.f32 v47, v15;
	v55 =	vld.idx.msk [tilespmem:v2+s22+$0x0], $0xffff  }
0xa5: {  	v1 =	vld.idx.msk [tilespmem:v1+s24+$0x0], $0xffff;
	v3 =	vadd.f32 v4, v3  }
0xa6: {  	v57 =	vand.u32 $0x7FFFFFFF, v6;
	v58 =	vsub.f32 v56, v7;
	v59 =	vadd.f32 v52, v51  }
0xa7: {  	v2 =	vld.idx.msk [tilespmem:v2+s26+$0x0], $0xffff;
	v3 =	vadd.f32 v57, v3  }
0xa8: {  	v60 =	vand.u32 $0x7FFFFFFF, v58;
	v5 =	vadd.f32 v54, v53;
	v61 =	vsub.f32 v59, v50  }
0xa9: {  	v3 =	vadd.f32 v60, v3  }
0xaa: {  	v1 =	vadd.f32 v1, v55;
	v5 =	vsub.f32 v5, v49;
	v62 =	vand.u32 $0x7FFFFFFF, v61  }
0xab: {  	s4 =	sadd.s32 $0x1, s4;
	v3 =	vadd.f32 v62, v3  }
0xac: {  	p0 =	sne.s32 s4, $0x8;
	v1 =	vsub.f32 v1, v2;
	v63 =	vand.u32 $0x7FFFFFFF, v5  }
.Ltmp3:
0xad: {  	v2 =	vadd.f32 v63, v3;
	(pc) =	sbr.rel @p0 .LBB2_6-.Ltmp3, $3  }
0xae: {  	v1 =	vand.u32 $0x7FFFFFFF, v1  }
0xaf: {  	v1 =	vadd.f32 v1, v2;
	_ =	sdelay $0x1  }
0xb0: {  	[tilespmem:s28+$0x18680] =	vst v1  }
0xb1: {  	_ =	swait.ge [sflag:s21], $0x4000  }
0xb2: {  	[sflag:s21] =	ssyncset.done $0x0  }
0xb3: {  	[sflag:s21] =	ssyncadd.s32 $0xFFFFC000  }
0xb4: {  	_ =	swait.ge [sflag:s21], $0x4000  }
0xb5: {  	[sflag:s21] =	ssyncset.done $0x0  }
0xb6: {  	[sflag:s21] =	ssyncadd.s32 $0xFFFFC000  }
0xb7: {  	_ =	swait.ge [sflag:s21], $0x4000  }
0xb8: {  	[sflag:s21] =	ssyncset.done $0x0  }
0xb9: {  	[sflag:s21] =	ssyncadd.s32 $0xFFFFC000  }
0xba: {  	[tilespmem:s22], [sflag:$0x1] =	stream.indirect.gather [hbm4b:s3+s17], $0x80, s31, s17, $0xb8;
	[tilespmem:$0x18C00] =	vst v63  }
0xbb: {  	_ = 	snop  }
0xbc: {  	[tilespmem:s24], [sflag:$0x1] =	stream.indirect.gather [hbm4b:s3+s17], $0x80, s0, s17, $0xb8;
	[tilespmem:$0x18C00] =	vst v63  }
0xbd: {  	s25 =	simm.s32 $0x0;
	s4 =	simm.s32 $0x0  }
0xbe: {  	[tilespmem:s26], [sflag:$0x1] =	stream.indirect.gather [hbm4b:s3+s17], $0x80, s1, s17, $0xb8;
	[tilespmem:$0x18C00] =	vst v63  }
.LBB2_10:
0xbf: {  	s28 =	sshll.u32 s4, $0x4  }
0xc0: {  	v1 =	vmov s28  }
0xc1: {  	v1 =	vshll.u32 v1, $0x7  }
0xc2: {  	v2 =	vor.u32 v0, v1  }
0xc3: {  	v3 =	vor.u32 s25, v2  }
0xc4: {  	s6 =	simm.s32 $0x1  }
0xc5: {  	v6 =	vor.u32 s6, v2  }
0xc6: {  	v1 =	vor.u32 $0x40, v2  }
0xc7: {  	s5 =	simm.s32 $0x2;
	v4 =	vor.u32 s25, v1  }
0xc8: {  	v5 =	vor.u32 s5, v2;
	v9 =	vld.idx.msk [tilespmem:v3+s20+$0x0], $0xffff  }
0xc9: {  	v10 =	vor.u32 s6, v1;
	v7 =	vld.idx.msk [tilespmem:v3+s18+$0x0], $0xffff  }
0xca: {  	v3 =	vld.idx.msk [tilespmem:v6+s20+$0x0], $0xffff  }
0xcb: {  	s6 =	simm.s32 $0x3;
	v11 =	vor.u32 s5, v1;
	v14 =	vld.idx.msk [tilespmem:v6+s18+$0x0], $0xffff  }
0xcc: {  	v8 =	vor.u32 s6, v2;
	v17 =	vld.idx.msk [tilespmem:v4+s19+$0x0], $0xffff  }
0xcd: {  	s5 =	simm.s32 $0x4;
	v12 =	vor.u32 s6, v1;
	v4 =	vld.idx.msk [tilespmem:v5+s20+$0x0], $0xffff  }
0xce: {  	v15 =	vor.u32 s5, v2;
	v16 =	vld.idx.msk [tilespmem:v10+s19+$0x0], $0xffff  }
0xcf: {  	v10 =	vld.idx.msk [tilespmem:v5+s18+$0x0], $0xffff  }
0xd0: {  	v13 =	vld.idx.msk [tilespmem:v11+s19+$0x0], $0xffff  }
0xd1: {  	v18 =	vor.u32 s5, v1;
	s6 =	simm.s32 $0x6;
	v6 =	vld.idx.msk [tilespmem:v8+s18+$0x0], $0xffff  }
0xd2: {  	s30 =	simm.s32 $0x5;
	v5 =	vor.u32 s6, v2;
	v12 =	vld.idx.msk [tilespmem:v12+s19+$0x0], $0xffff;
	v19 =	vadd.f32 v17, v7  }
0xd3: {  	s29 =	simm.s32 $0x8;
	v11 =	vimm.f32 $0.0e+00;
	v7 =	vld.idx.msk [tilespmem:v15+s20+$0x0], $0xffff;
	v17 =	vor.u32 s30, v2  }
.LBB2_11:
0xd4: {  	p0 =	sne.s32 s29, $0x3C;
	v9 =	vsub.f32 v19, v9;
	v14 =	vadd.f32 v16, v14;
	v19 =	vld.idx.msk [tilespmem:v8+s20+$0x0], $0xffff  }
0xd5: {  	v16 =	vor.u32 s30, v1;
	v20 =	vld.idx.msk [tilespmem:v15+s18+$0x0], $0xffff  }
0xd6: {  	s30 =	sadd.s32 $0x3, s5;
	s5 =	smov.u32 s29;
	v10 =	vadd.f32 v13, v10;
	v21 =	vld.idx.msk [tilespmem:v18+s19+$0x0], $0xffff;
	v9 =	vand.u32 $0x7FFFFFFF, v9;
	v14 =	vsub.f32 v14, v3  }
0xd7: {  	v13 =	vor.u32 s6, v1;
	v8 =	vor.u32 s30, v2;
	v22 =	vld.idx.msk [tilespmem:v5+s20+$0x0], $0xffff;
	v15 =	vadd.f32 v9, v11  }
0xd8: {  	v4 =	vsub.f32 v10, v4;
	v6 =	vadd.f32 v12, v6;
	v3 =	vld.idx.msk [tilespmem:v17+s20+$0x0], $0xffff;
	v11 =	vand.u32 $0x7FFFFFFF, v14  }
0xd9: {  	v12 =	vor.u32 s30, v1;
	v14 =	vld.idx.msk [tilespmem:v17+s18+$0x0], $0xffff;
	v11 =	vadd.f32 v11, v15;
	v9 =	vmov v7  }
0xda: {  	v15 =	vor.u32 s29, v2;
	v4 =	vand.u32 $0x7FFFFFFF, v4;
	v6 =	vsub.f32 v6, v19;
	v16 =	vld.idx.msk [tilespmem:v16+s19+$0x0], $0xffff  }
.Ltmp4:
0xdb: {  	v10 =	vld.idx.msk [tilespmem:v5+s18+$0x0], $0xffff;
	v7 =	vadd.f32 v4, v11;
	(pc) =	sbr.rel @p0 .LBB2_11-.Ltmp4, $4  }
0xdc: {  	v5 =	vand.u32 $0x7FFFFFFF, v6;
	v13 =	vld.idx.msk [tilespmem:v13+s19+$0x0], $0xffff  }
0xdd: {  	s6 =	sadd.s32 $0x2, s29;
	v18 =	vor.u32 s29, v1;
	v4 =	vmov v22;
	v6 =	vld.idx.msk [tilespmem:v8+s18+$0x0], $0xffff;
	v11 =	vadd.f32 v5, v7  }
0xde: {  	s30 =	sadd.s32 $0x1, s29;
	v19 =	vadd.f32 v21, v20;
	v5 =	vor.u32 s6, v2;
	v12 =	vld.idx.msk [tilespmem:v12+s19+$0x0], $0xffff  }
0xdf: {  	v17 =	vor.u32 s30, v2;
	s29 =	sadd.s32 $0x4, s29;
	v7 =	vld.idx.msk [tilespmem:v15+s20+$0x0], $0xffff  }
0xe0: {  	_ =	sdelay $0x3  }
0xe1: {  	v8 =	vld.idx.msk [tilespmem:v8+s20+$0x0], $0xffff  }
0xe2: {  	v15 =	vld.idx.msk [tilespmem:v15+s18+$0x0], $0xffff;
	v20 =	vor.u32 s30, v1  }
0xe3: {  	v47 =	vld.idx.msk [tilespmem:v18+s19+$0x0], $0xffff  }
0xe4: {  	v14 =	vadd.f32 v16, v14;
	v9 =	vsub.f32 v19, v9;
	s5 =	sadd.s32 $0x3, s5;
	v48 =	vor.u32 s6, v1;
	v49 =	vld.idx.msk [tilespmem:v5+s20+$0x0], $0xffff  }
0xe5: {  	v50 =	vld.idx.msk [tilespmem:v17+s20+$0x0], $0xffff;
	v2 =	vor.u32 s5, v2;
	v10 =	vadd.f32 v13, v10  }
0xe6: {  	v51 =	vld.idx.msk [tilespmem:v17+s18+$0x0], $0xffff;
	v1 =	vor.u32 s5, v1;
	v3 =	vsub.f32 v14, v3;
	v9 =	vand.u32 $0x7FFFFFFF, v9  }
0xe7: {  	v9 =	vadd.f32 v9, v11;
	v52 =	vld.idx.msk [tilespmem:v20+s19+$0x0], $0xffff  }
0xe8: {  	v53 =	vld.idx.msk [tilespmem:v5+s18+$0x0], $0xffff;
	v4 =	vsub.f32 v10, v4;
	v6 =	vadd.f32 v12, v6;
	v3 =	vand.u32 $0x7FFFFFFF, v3  }
0xe9: {  	v3 =	vadd.f32 v3, v9;
	v54 =	vld.idx.msk [tilespmem:v48+s19+$0x0], $0xffff  }
0xea: {  	v4 =	vand.u32 $0x7FFFFFFF, v4;
	v6 =	vsub.f32 v6, v8;
	v56 =	vadd.f32 v47, v15;
	v55 =	vld.idx.msk [tilespmem:v2+s18+$0x0], $0xffff  }
0xeb: {  	v1 =	vld.idx.msk [tilespmem:v1+s19+$0x0], $0xffff;
	v3 =	vadd.f32 v4, v3  }
0xec: {  	v57 =	vand.u32 $0x7FFFFFFF, v6;
	v58 =	vsub.f32 v56, v7;
	v59 =	vadd.f32 v52, v51  }
0xed: {  	v2 =	vld.idx.msk [tilespmem:v2+s20+$0x0], $0xffff;
	v3 =	vadd.f32 v57, v3  }
0xee: {  	v60 =	vand.u32 $0x7FFFFFFF, v58;
	v5 =	vadd.f32 v54, v53;
	v61 =	vsub.f32 v59, v50  }
0xef: {  	v3 =	vadd.f32 v60, v3  }
0xf0: {  	v1 =	vadd.f32 v1, v55;
	v5 =	vsub.f32 v5, v49;
	v62 =	vand.u32 $0x7FFFFFFF, v61  }
0xf1: {  	s4 =	sadd.s32 $0x1, s4;
	v3 =	vadd.f32 v62, v3  }
0xf2: {  	p0 =	sne.s32 s4, $0x8;
	v1 =	vsub.f32 v1, v2;
	v63 =	vand.u32 $0x7FFFFFFF, v5  }
.Ltmp5:
0xf3: {  	v2 =	vadd.f32 v63, v3;
	(pc) =	sbr.rel @p0 .LBB2_10-.Ltmp5, $3  }
0xf4: {  	v1 =	vand.u32 $0x7FFFFFFF, v1  }
0xf5: {  	v1 =	vadd.f32 v1, v2;
	_ =	sdelay $0x1  }
0xf6: {  	[tilespmem:s28+$0x18700] =	vst v1  }
0xf7: {  	_ =	swait.ge [sflag:s21], $0x4000  }
0xf8: {  	[sflag:s21] =	ssyncset.done $0x0  }
0xf9: {  	[sflag:s21] =	ssyncadd.s32 $0xFFFFC000  }
0xfa: {  	_ =	swait.ge [sflag:s21], $0x4000  }
0xfb: {  	[sflag:s21] =	ssyncset.done $0x0  }
0xfc: {  	[sflag:s21] =	ssyncadd.s32 $0xFFFFC000  }
0xfd: {  	_ =	swait.ge [sflag:s21], $0x4000  }
0xfe: {  	[sflag:s21] =	ssyncset.done $0x0  }
0xff: {  	s25 =	simm.s32 $0x0;
	s4 =	simm.s32 $0x0;
	[sflag:s21] =	ssyncadd.s32 $0xFFFFC000  }
.LBB2_14:
0x100: {  	s28 =	sshll.u32 s4, $0x4  }
0x101: {  	v1 =	vmov s28  }
0x102: {  	v1 =	vshll.u32 v1, $0x7  }
0x103: {  	v2 =	vor.u32 v0, v1  }
0x104: {  	v3 =	vor.u32 s25, v2  }
0x105: {  	s6 =	simm.s32 $0x1  }
0x106: {  	v6 =	vor.u32 s6, v2  }
0x107: {  	v1 =	vor.u32 $0x40, v2  }
0x108: {  	s5 =	simm.s32 $0x2;
	v4 =	vor.u32 s25, v1  }
0x109: {  	v5 =	vor.u32 s5, v2;
	v9 =	vld.idx.msk [tilespmem:v3+s26+$0x0], $0xffff  }
0x10a: {  	v10 =	vor.u32 s6, v1;
	v7 =	vld.idx.msk [tilespmem:v3+s22+$0x0], $0xffff  }
0x10b: {  	v3 =	vld.idx.msk [tilespmem:v6+s26+$0x0], $0xffff  }
0x10c: {  	s6 =	simm.s32 $0x3;
	v11 =	vor.u32 s5, v1;
	v14 =	vld.idx.msk [tilespmem:v6+s22+$0x0], $0xffff  }
0x10d: {  	v8 =	vor.u32 s6, v2;
	v17 =	vld.idx.msk [tilespmem:v4+s24+$0x0], $0xffff  }
0x10e: {  	s5 =	simm.s32 $0x4;
	v12 =	vor.u32 s6, v1;
	v4 =	vld.idx.msk [tilespmem:v5+s26+$0x0], $0xffff  }
0x10f: {  	v15 =	vor.u32 s5, v2;
	v16 =	vld.idx.msk [tilespmem:v10+s24+$0x0], $0xffff  }
0x110: {  	v10 =	vld.idx.msk [tilespmem:v5+s22+$0x0], $0xffff  }
0x111: {  	v13 =	vld.idx.msk [tilespmem:v11+s24+$0x0], $0xffff  }
0x112: {  	v18 =	vor.u32 s5, v1;
	s6 =	simm.s32 $0x6;
	v6 =	vld.idx.msk [tilespmem:v8+s22+$0x0], $0xffff  }
0x113: {  	s30 =	simm.s32 $0x5;
	v5 =	vor.u32 s6, v2;
	v12 =	vld.idx.msk [tilespmem:v12+s24+$0x0], $0xffff;
	v19 =	vadd.f32 v17, v7  }
0x114: {  	s29 =	simm.s32 $0x8;
	v11 =	vimm.f32 $0.0e+00;
	v7 =	vld.idx.msk [tilespmem:v15+s26+$0x0], $0xffff;
	v17 =	vor.u32 s30, v2  }
.LBB2_15:
0x115: {  	p0 =	sne.s32 s29, $0x3C;
	v9 =	vsub.f32 v19, v9;
	v14 =	vadd.f32 v16, v14;
	v19 =	vld.idx.msk [tilespmem:v8+s26+$0x0], $0xffff  }
0x116: {  	v16 =	vor.u32 s30, v1;
	v20 =	vld.idx.msk [tilespmem:v15+s22+$0x0], $0xffff  }
0x117: {  	s30 =	sadd.s32 $0x3, s5;
	s5 =	smov.u32 s29;
	v10 =	vadd.f32 v13, v10;
	v21 =	vld.idx.msk [tilespmem:v18+s24+$0x0], $0xffff;
	v9 =	vand.u32 $0x7FFFFFFF, v9;
	v14 =	vsub.f32 v14, v3  }
0x118: {  	v13 =	vor.u32 s6, v1;
	v8 =	vor.u32 s30, v2;
	v22 =	vld.idx.msk [tilespmem:v5+s26+$0x0], $0xffff;
	v15 =	vadd.f32 v9, v11  }
0x119: {  	v4 =	vsub.f32 v10, v4;
	v6 =	vadd.f32 v12, v6;
	v3 =	vld.idx.msk [tilespmem:v17+s26+$0x0], $0xffff;
	v11 =	vand.u32 $0x7FFFFFFF, v14  }
0x11a: {  	v12 =	vor.u32 s30, v1;
	v14 =	vld.idx.msk [tilespmem:v17+s22+$0x0], $0xffff;
	v11 =	vadd.f32 v11, v15;
	v9 =	vmov v7  }
0x11b: {  	v15 =	vor.u32 s29, v2;
	v4 =	vand.u32 $0x7FFFFFFF, v4;
	v6 =	vsub.f32 v6, v19;
	v16 =	vld.idx.msk [tilespmem:v16+s24+$0x0], $0xffff  }
.Ltmp6:
0x11c: {  	v10 =	vld.idx.msk [tilespmem:v5+s22+$0x0], $0xffff;
	v7 =	vadd.f32 v4, v11;
	(pc) =	sbr.rel @p0 .LBB2_15-.Ltmp6, $4  }
0x11d: {  	v5 =	vand.u32 $0x7FFFFFFF, v6;
	v13 =	vld.idx.msk [tilespmem:v13+s24+$0x0], $0xffff  }
0x11e: {  	s6 =	sadd.s32 $0x2, s29;
	v18 =	vor.u32 s29, v1;
	v4 =	vmov v22;
	v6 =	vld.idx.msk [tilespmem:v8+s22+$0x0], $0xffff;
	v11 =	vadd.f32 v5, v7  }
0x11f: {  	s30 =	sadd.s32 $0x1, s29;
	v19 =	vadd.f32 v21, v20;
	v5 =	vor.u32 s6, v2;
	v12 =	vld.idx.msk [tilespmem:v12+s24+$0x0], $0xffff  }
0x120: {  	v17 =	vor.u32 s30, v2;
	s29 =	sadd.s32 $0x4, s29;
	v7 =	vld.idx.msk [tilespmem:v15+s26+$0x0], $0xffff  }
0x121: {  	_ =	sdelay $0x3  }
0x122: {  	v8 =	vld.idx.msk [tilespmem:v8+s26+$0x0], $0xffff  }
0x123: {  	v15 =	vld.idx.msk [tilespmem:v15+s22+$0x0], $0xffff;
	v20 =	vor.u32 s30, v1  }
0x124: {  	v47 =	vld.idx.msk [tilespmem:v18+s24+$0x0], $0xffff  }
0x125: {  	v14 =	vadd.f32 v16, v14;
	v9 =	vsub.f32 v19, v9;
	s5 =	sadd.s32 $0x3, s5;
	v48 =	vor.u32 s6, v1;
	v49 =	vld.idx.msk [tilespmem:v5+s26+$0x0], $0xffff  }
0x126: {  	v50 =	vld.idx.msk [tilespmem:v17+s26+$0x0], $0xffff;
	v2 =	vor.u32 s5, v2;
	v10 =	vadd.f32 v13, v10  }
0x127: {  	v51 =	vld.idx.msk [tilespmem:v17+s22+$0x0], $0xffff;
	v1 =	vor.u32 s5, v1;
	v3 =	vsub.f32 v14, v3;
	v9 =	vand.u32 $0x7FFFFFFF, v9  }
0x128: {  	v9 =	vadd.f32 v9, v11;
	v52 =	vld.idx.msk [tilespmem:v20+s24+$0x0], $0xffff  }
0x129: {  	v53 =	vld.idx.msk [tilespmem:v5+s22+$0x0], $0xffff;
	v4 =	vsub.f32 v10, v4;
	v6 =	vadd.f32 v12, v6;
	v3 =	vand.u32 $0x7FFFFFFF, v3  }
0x12a: {  	v3 =	vadd.f32 v3, v9;
	v54 =	vld.idx.msk [tilespmem:v48+s24+$0x0], $0xffff  }
0x12b: {  	v4 =	vand.u32 $0x7FFFFFFF, v4;
	v6 =	vsub.f32 v6, v8;
	v56 =	vadd.f32 v47, v15;
	v55 =	vld.idx.msk [tilespmem:v2+s22+$0x0], $0xffff  }
0x12c: {  	v1 =	vld.idx.msk [tilespmem:v1+s24+$0x0], $0xffff;
	v3 =	vadd.f32 v4, v3  }
0x12d: {  	v57 =	vand.u32 $0x7FFFFFFF, v6;
	v58 =	vsub.f32 v56, v7;
	v59 =	vadd.f32 v52, v51  }
0x12e: {  	v2 =	vld.idx.msk [tilespmem:v2+s26+$0x0], $0xffff;
	v3 =	vadd.f32 v57, v3  }
0x12f: {  	v60 =	vand.u32 $0x7FFFFFFF, v58;
	v5 =	vadd.f32 v54, v53;
	v61 =	vsub.f32 v59, v50  }
0x130: {  	v3 =	vadd.f32 v60, v3  }
0x131: {  	v1 =	vadd.f32 v1, v55;
	v5 =	vsub.f32 v5, v49;
	v62 =	vand.u32 $0x7FFFFFFF, v61  }
0x132: {  	s4 =	sadd.s32 $0x1, s4;
	v3 =	vadd.f32 v62, v3  }
0x133: {  	p0 =	sne.s32 s4, $0x8;
	v1 =	vsub.f32 v1, v2;
	v63 =	vand.u32 $0x7FFFFFFF, v5  }
.Ltmp7:
0x134: {  	v2 =	vadd.f32 v63, v3;
	(pc) =	sbr.rel @p0 .LBB2_14-.Ltmp7, $3  }
0x135: {  	v1 =	vand.u32 $0x7FFFFFFF, v1  }
0x136: {  	v1 =	vadd.f32 v1, v2;
	_ =	sdelay $0x1  }
0x137: {  	[tilespmem:s28+$0x18780] =	vst v1  }
0x138: {  	s25 =	simm.s32 $0x0  }
0x139: {  	[tilespmem:s25], [sflag:$0x2] =	stream.linear.gather [hbm4b:s7+s25], $0x200, $0x38;
	[tilespmem:$0x18C00] =	vst v63  }
0x13a: {  	_ =	swait.ge [sflag:s14], $0x200  }
0x13b: {  	[sflag:s14] =	ssyncset.done $0x0  }
0x13c: {  	[sflag:s14] =	ssyncadd.s32 $0xFFFFFE00  }
0x13d: {  	[tilespmem:s15], [sflag:$0x2] =	stream.linear.gather [hbm4b:s8+s25], $0x200, $0x38;
	[tilespmem:$0x18C00] =	vst v63  }
0x13e: {  	_ =	swait.ge [sflag:s14], $0x200  }
0x13f: {  	[sflag:s14] =	ssyncset.done $0x0  }
0x140: {  	[sflag:s14] =	ssyncadd.s32 $0xFFFFFE00  }
0x141: {  	[tilespmem:s16], [sflag:$0x2] =	stream.linear.gather [hbm4b:s9+s25], $0x200, $0x38;
	[tilespmem:$0x18C00] =	vst v63  }
0x142: {  	_ =	swait.ge [sflag:s14], $0x200  }
0x143: {  	[sflag:s14] =	ssyncset.done $0x0  }
0x144: {  	[sflag:s14] =	ssyncadd.s32 $0xFFFFFE00  }
0x145: {  	[tilespmem:s18], [sflag:$0x1] =	stream.indirect.gather [hbm4b:s3+s17], $0x80, s25, s17, $0xb8;
	[tilespmem:$0x18C00] =	vst v63  }
0x146: {  	_ = 	snop  }
0x147: {  	[tilespmem:s19], [sflag:$0x1] =	stream.indirect.gather [hbm4b:s3+s17], $0x80, s15, s17, $0xb8;
	[tilespmem:$0x18C00] =	vst v63  }
0x148: {  	_ = 	snop  }
0x149: {  	[tilespmem:s20], [sflag:$0x1] =	stream.indirect.gather [hbm4b:s3+s17], $0x80, s16, s17, $0xb8;
	[tilespmem:$0x18C00] =	vst v63  }
0x14a: {  	_ =	swait.ge [sflag:s21], $0x4000  }
0x14b: {  	[sflag:s21] =	ssyncset.done $0x0  }
0x14c: {  	[sflag:s21] =	ssyncadd.s32 $0xFFFFC000  }
0x14d: {  	_ =	swait.ge [sflag:s21], $0x4000  }
0x14e: {  	[sflag:s21] =	ssyncset.done $0x0  }
0x14f: {  	[sflag:s21] =	ssyncadd.s32 $0xFFFFC000  }
0x150: {  	_ =	swait.ge [sflag:s21], $0x4000  }
0x151: {  	[sflag:s21] =	ssyncset.done $0x0  }
0x152: {  	[sflag:s21] =	ssyncadd.s32 $0xFFFFC000  }
0x153: {  	[tilespmem:s22], [sflag:$0x1] =	stream.indirect.gather [hbm4b:s3+s17], $0x80, s17, s17, $0xb8;
	[tilespmem:$0x18C00] =	vst v63  }
0x154: {  	s4 =	simm.s32 $0x280  }
0x155: {  	[tilespmem:s24], [sflag:$0x1] =	stream.indirect.gather [hbm4b:s3+s17], $0x80, s4, s17, $0xb8;
	[tilespmem:$0x18C00] =	vst v63  }
0x156: {  	s30 =	simm.s32 $0x480;
	s4 =	simm.s32 $0x0  }
0x157: {  	[tilespmem:s26], [sflag:$0x1] =	stream.indirect.gather [hbm4b:s3+s17], $0x80, s30, s17, $0xb8;
	[tilespmem:$0x18C00] =	vst v63  }
.LBB2_18:
0x158: {  	s28 =	sshll.u32 s4, $0x4  }
0x159: {  	v1 =	vmov s28  }
0x15a: {  	v1 =	vshll.u32 v1, $0x7  }
0x15b: {  	v2 =	vor.u32 v0, v1  }
0x15c: {  	v3 =	vor.u32 s25, v2  }
0x15d: {  	s6 =	simm.s32 $0x1  }
0x15e: {  	v6 =	vor.u32 s6, v2  }
0x15f: {  	v1 =	vor.u32 $0x40, v2  }
0x160: {  	s5 =	simm.s32 $0x2;
	v4 =	vor.u32 s25, v1  }
0x161: {  	v5 =	vor.u32 s5, v2;
	v9 =	vld.idx.msk [tilespmem:v3+s20+$0x0], $0xffff  }
0x162: {  	v10 =	vor.u32 s6, v1;
	v7 =	vld.idx.msk [tilespmem:v3+s18+$0x0], $0xffff  }
0x163: {  	v3 =	vld.idx.msk [tilespmem:v6+s20+$0x0], $0xffff  }
0x164: {  	s6 =	simm.s32 $0x3;
	v11 =	vor.u32 s5, v1;
	v14 =	vld.idx.msk [tilespmem:v6+s18+$0x0], $0xffff  }
0x165: {  	v8 =	vor.u32 s6, v2;
	v17 =	vld.idx.msk [tilespmem:v4+s19+$0x0], $0xffff  }
0x166: {  	s5 =	simm.s32 $0x4;
	v12 =	vor.u32 s6, v1;
	v4 =	vld.idx.msk [tilespmem:v5+s20+$0x0], $0xffff  }
0x167: {  	v15 =	vor.u32 s5, v2;
	v16 =	vld.idx.msk [tilespmem:v10+s19+$0x0], $0xffff  }
0x168: {  	v10 =	vld.idx.msk [tilespmem:v5+s18+$0x0], $0xffff  }
0x169: {  	v13 =	vld.idx.msk [tilespmem:v11+s19+$0x0], $0xffff  }
0x16a: {  	v18 =	vor.u32 s5, v1;
	s6 =	simm.s32 $0x6;
	v6 =	vld.idx.msk [tilespmem:v8+s18+$0x0], $0xffff  }
0x16b: {  	s30 =	simm.s32 $0x5;
	v5 =	vor.u32 s6, v2;
	v12 =	vld.idx.msk [tilespmem:v12+s19+$0x0], $0xffff;
	v19 =	vadd.f32 v17, v7  }
0x16c: {  	s29 =	simm.s32 $0x8;
	v11 =	vimm.f32 $0.0e+00;
	v7 =	vld.idx.msk [tilespmem:v15+s20+$0x0], $0xffff;
	v17 =	vor.u32 s30, v2  }
.LBB2_19:
0x16d: {  	p0 =	sne.s32 s29, $0x3C;
	v9 =	vsub.f32 v19, v9;
	v14 =	vadd.f32 v16, v14;
	v19 =	vld.idx.msk [tilespmem:v8+s20+$0x0], $0xffff  }
0x16e: {  	v16 =	vor.u32 s30, v1;
	v20 =	vld.idx.msk [tilespmem:v15+s18+$0x0], $0xffff  }
0x16f: {  	s30 =	sadd.s32 $0x3, s5;
	s5 =	smov.u32 s29;
	v10 =	vadd.f32 v13, v10;
	v21 =	vld.idx.msk [tilespmem:v18+s19+$0x0], $0xffff;
	v9 =	vand.u32 $0x7FFFFFFF, v9;
	v14 =	vsub.f32 v14, v3  }
0x170: {  	v13 =	vor.u32 s6, v1;
	v8 =	vor.u32 s30, v2;
	v22 =	vld.idx.msk [tilespmem:v5+s20+$0x0], $0xffff;
	v15 =	vadd.f32 v9, v11  }
0x171: {  	v4 =	vsub.f32 v10, v4;
	v6 =	vadd.f32 v12, v6;
	v3 =	vld.idx.msk [tilespmem:v17+s20+$0x0], $0xffff;
	v11 =	vand.u32 $0x7FFFFFFF, v14  }
0x172: {  	v12 =	vor.u32 s30, v1;
	v14 =	vld.idx.msk [tilespmem:v17+s18+$0x0], $0xffff;
	v11 =	vadd.f32 v11, v15;
	v9 =	vmov v7  }
0x173: {  	v15 =	vor.u32 s29, v2;
	v4 =	vand.u32 $0x7FFFFFFF, v4;
	v6 =	vsub.f32 v6, v19;
	v16 =	vld.idx.msk [tilespmem:v16+s19+$0x0], $0xffff  }
.Ltmp8:
0x174: {  	v10 =	vld.idx.msk [tilespmem:v5+s18+$0x0], $0xffff;
	v7 =	vadd.f32 v4, v11;
	(pc) =	sbr.rel @p0 .LBB2_19-.Ltmp8, $4  }
0x175: {  	v5 =	vand.u32 $0x7FFFFFFF, v6;
	v13 =	vld.idx.msk [tilespmem:v13+s19+$0x0], $0xffff  }
0x176: {  	s6 =	sadd.s32 $0x2, s29;
	v18 =	vor.u32 s29, v1;
	v4 =	vmov v22;
	v6 =	vld.idx.msk [tilespmem:v8+s18+$0x0], $0xffff;
	v11 =	vadd.f32 v5, v7  }
0x177: {  	s30 =	sadd.s32 $0x1, s29;
	v19 =	vadd.f32 v21, v20;
	v5 =	vor.u32 s6, v2;
	v12 =	vld.idx.msk [tilespmem:v12+s19+$0x0], $0xffff  }
0x178: {  	v17 =	vor.u32 s30, v2;
	s29 =	sadd.s32 $0x4, s29;
	v7 =	vld.idx.msk [tilespmem:v15+s20+$0x0], $0xffff  }
0x179: {  	_ =	sdelay $0x3  }
0x17a: {  	v8 =	vld.idx.msk [tilespmem:v8+s20+$0x0], $0xffff  }
0x17b: {  	v15 =	vld.idx.msk [tilespmem:v15+s18+$0x0], $0xffff;
	v20 =	vor.u32 s30, v1  }
0x17c: {  	v47 =	vld.idx.msk [tilespmem:v18+s19+$0x0], $0xffff  }
0x17d: {  	v14 =	vadd.f32 v16, v14;
	v9 =	vsub.f32 v19, v9;
	s5 =	sadd.s32 $0x3, s5;
	v48 =	vor.u32 s6, v1;
	v49 =	vld.idx.msk [tilespmem:v5+s20+$0x0], $0xffff  }
0x17e: {  	v50 =	vld.idx.msk [tilespmem:v17+s20+$0x0], $0xffff;
	v2 =	vor.u32 s5, v2;
	v10 =	vadd.f32 v13, v10  }
0x17f: {  	v51 =	vld.idx.msk [tilespmem:v17+s18+$0x0], $0xffff;
	v1 =	vor.u32 s5, v1;
	v3 =	vsub.f32 v14, v3;
	v9 =	vand.u32 $0x7FFFFFFF, v9  }
0x180: {  	v9 =	vadd.f32 v9, v11;
	v52 =	vld.idx.msk [tilespmem:v20+s19+$0x0], $0xffff  }
0x181: {  	v53 =	vld.idx.msk [tilespmem:v5+s18+$0x0], $0xffff;
	v4 =	vsub.f32 v10, v4;
	v6 =	vadd.f32 v12, v6;
	v3 =	vand.u32 $0x7FFFFFFF, v3  }
0x182: {  	v3 =	vadd.f32 v3, v9;
	v54 =	vld.idx.msk [tilespmem:v48+s19+$0x0], $0xffff  }
0x183: {  	v4 =	vand.u32 $0x7FFFFFFF, v4;
	v6 =	vsub.f32 v6, v8;
	v56 =	vadd.f32 v47, v15;
	v55 =	vld.idx.msk [tilespmem:v2+s18+$0x0], $0xffff  }
0x184: {  	v1 =	vld.idx.msk [tilespmem:v1+s19+$0x0], $0xffff;
	v3 =	vadd.f32 v4, v3  }
0x185: {  	v57 =	vand.u32 $0x7FFFFFFF, v6;
	v58 =	vsub.f32 v56, v7;
	v59 =	vadd.f32 v52, v51  }
0x186: {  	v2 =	vld.idx.msk [tilespmem:v2+s20+$0x0], $0xffff;
	v3 =	vadd.f32 v57, v3  }
0x187: {  	v60 =	vand.u32 $0x7FFFFFFF, v58;
	v5 =	vadd.f32 v54, v53;
	v61 =	vsub.f32 v59, v50  }
0x188: {  	v3 =	vadd.f32 v60, v3  }
0x189: {  	v1 =	vadd.f32 v1, v55;
	v5 =	vsub.f32 v5, v49;
	v62 =	vand.u32 $0x7FFFFFFF, v61  }
0x18a: {  	s4 =	sadd.s32 $0x1, s4;
	v3 =	vadd.f32 v62, v3  }
0x18b: {  	p0 =	sne.s32 s4, $0x8;
	v1 =	vsub.f32 v1, v2;
	v63 =	vand.u32 $0x7FFFFFFF, v5  }
.Ltmp9:
0x18c: {  	v2 =	vadd.f32 v63, v3;
	(pc) =	sbr.rel @p0 .LBB2_18-.Ltmp9, $3  }
0x18d: {  	v1 =	vand.u32 $0x7FFFFFFF, v1  }
0x18e: {  	v1 =	vadd.f32 v1, v2;
	_ =	sdelay $0x1  }
0x18f: {  	[tilespmem:s28+$0x18800] =	vst v1  }
0x190: {  	_ =	swait.ge [sflag:s21], $0x4000  }
0x191: {  	[sflag:s21] =	ssyncset.done $0x0  }
0x192: {  	[sflag:s21] =	ssyncadd.s32 $0xFFFFC000  }
0x193: {  	_ =	swait.ge [sflag:s21], $0x4000  }
0x194: {  	[sflag:s21] =	ssyncset.done $0x0  }
0x195: {  	[sflag:s21] =	ssyncadd.s32 $0xFFFFC000  }
0x196: {  	_ =	swait.ge [sflag:s21], $0x4000  }
0x197: {  	[sflag:s21] =	ssyncset.done $0x0  }
0x198: {  	s4 =	simm.s32 $0x100;
	[sflag:s21] =	ssyncadd.s32 $0xFFFFC000  }
0x199: {  	[tilespmem:s18], [sflag:$0x1] =	stream.indirect.gather [hbm4b:s3+s17], $0x80, s4, s17, $0xb8;
	[tilespmem:$0x18C00] =	vst v63  }
0x19a: {  	s29 =	simm.s32 $0x300  }
0x19b: {  	[tilespmem:s19], [sflag:$0x1] =	stream.indirect.gather [hbm4b:s3+s17], $0x80, s29, s17, $0xb8;
	[tilespmem:$0x18C00] =	vst v63  }
0x19c: {  	s30 =	simm.s32 $0x500;
	s25 =	simm.s32 $0x0;
	s4 =	simm.s32 $0x0  }
0x19d: {  	[tilespmem:s20], [sflag:$0x1] =	stream.indirect.gather [hbm4b:s3+s17], $0x80, s30, s17, $0xb8;
	[tilespmem:$0x18C00] =	vst v63  }
.LBB2_22:
0x19e: {  	s28 =	sshll.u32 s4, $0x4  }
0x19f: {  	v1 =	vmov s28  }
0x1a0: {  	v1 =	vshll.u32 v1, $0x7  }
0x1a1: {  	v2 =	vor.u32 v0, v1  }
0x1a2: {  	v3 =	vor.u32 s25, v2  }
0x1a3: {  	s6 =	simm.s32 $0x1  }
0x1a4: {  	v6 =	vor.u32 s6, v2  }
0x1a5: {  	v1 =	vor.u32 $0x40, v2  }
0x1a6: {  	s5 =	simm.s32 $0x2;
	v4 =	vor.u32 s25, v1  }
0x1a7: {  	v5 =	vor.u32 s5, v2;
	v9 =	vld.idx.msk [tilespmem:v3+s26+$0x0], $0xffff  }
0x1a8: {  	v10 =	vor.u32 s6, v1;
	v7 =	vld.idx.msk [tilespmem:v3+s22+$0x0], $0xffff  }
0x1a9: {  	v3 =	vld.idx.msk [tilespmem:v6+s26+$0x0], $0xffff  }
0x1aa: {  	s6 =	simm.s32 $0x3;
	v11 =	vor.u32 s5, v1;
	v14 =	vld.idx.msk [tilespmem:v6+s22+$0x0], $0xffff  }
0x1ab: {  	v8 =	vor.u32 s6, v2;
	v17 =	vld.idx.msk [tilespmem:v4+s24+$0x0], $0xffff  }
0x1ac: {  	s5 =	simm.s32 $0x4;
	v12 =	vor.u32 s6, v1;
	v4 =	vld.idx.msk [tilespmem:v5+s26+$0x0], $0xffff  }
0x1ad: {  	v15 =	vor.u32 s5, v2;
	v16 =	vld.idx.msk [tilespmem:v10+s24+$0x0], $0xffff  }
0x1ae: {  	v10 =	vld.idx.msk [tilespmem:v5+s22+$0x0], $0xffff  }
0x1af: {  	v13 =	vld.idx.msk [tilespmem:v11+s24+$0x0], $0xffff  }
0x1b0: {  	v18 =	vor.u32 s5, v1;
	s6 =	simm.s32 $0x6;
	v6 =	vld.idx.msk [tilespmem:v8+s22+$0x0], $0xffff  }
0x1b1: {  	s30 =	simm.s32 $0x5;
	v5 =	vor.u32 s6, v2;
	v12 =	vld.idx.msk [tilespmem:v12+s24+$0x0], $0xffff;
	v19 =	vadd.f32 v17, v7  }
0x1b2: {  	s29 =	simm.s32 $0x8;
	v11 =	vimm.f32 $0.0e+00;
	v7 =	vld.idx.msk [tilespmem:v15+s26+$0x0], $0xffff;
	v17 =	vor.u32 s30, v2  }
.LBB2_23:
0x1b3: {  	p0 =	sne.s32 s29, $0x3C;
	v9 =	vsub.f32 v19, v9;
	v14 =	vadd.f32 v16, v14;
	v19 =	vld.idx.msk [tilespmem:v8+s26+$0x0], $0xffff  }
0x1b4: {  	v16 =	vor.u32 s30, v1;
	v20 =	vld.idx.msk [tilespmem:v15+s22+$0x0], $0xffff  }
0x1b5: {  	s30 =	sadd.s32 $0x3, s5;
	s5 =	smov.u32 s29;
	v10 =	vadd.f32 v13, v10;
	v21 =	vld.idx.msk [tilespmem:v18+s24+$0x0], $0xffff;
	v9 =	vand.u32 $0x7FFFFFFF, v9;
	v14 =	vsub.f32 v14, v3  }
0x1b6: {  	v13 =	vor.u32 s6, v1;
	v8 =	vor.u32 s30, v2;
	v22 =	vld.idx.msk [tilespmem:v5+s26+$0x0], $0xffff;
	v15 =	vadd.f32 v9, v11  }
0x1b7: {  	v4 =	vsub.f32 v10, v4;
	v6 =	vadd.f32 v12, v6;
	v3 =	vld.idx.msk [tilespmem:v17+s26+$0x0], $0xffff;
	v11 =	vand.u32 $0x7FFFFFFF, v14  }
0x1b8: {  	v12 =	vor.u32 s30, v1;
	v14 =	vld.idx.msk [tilespmem:v17+s22+$0x0], $0xffff;
	v11 =	vadd.f32 v11, v15;
	v9 =	vmov v7  }
0x1b9: {  	v15 =	vor.u32 s29, v2;
	v4 =	vand.u32 $0x7FFFFFFF, v4;
	v6 =	vsub.f32 v6, v19;
	v16 =	vld.idx.msk [tilespmem:v16+s24+$0x0], $0xffff  }
.Ltmp10:
0x1ba: {  	v10 =	vld.idx.msk [tilespmem:v5+s22+$0x0], $0xffff;
	v7 =	vadd.f32 v4, v11;
	(pc) =	sbr.rel @p0 .LBB2_23-.Ltmp10, $4  }
0x1bb: {  	v5 =	vand.u32 $0x7FFFFFFF, v6;
	v13 =	vld.idx.msk [tilespmem:v13+s24+$0x0], $0xffff  }
0x1bc: {  	s6 =	sadd.s32 $0x2, s29;
	v18 =	vor.u32 s29, v1;
	v4 =	vmov v22;
	v6 =	vld.idx.msk [tilespmem:v8+s22+$0x0], $0xffff;
	v11 =	vadd.f32 v5, v7  }
0x1bd: {  	s30 =	sadd.s32 $0x1, s29;
	v19 =	vadd.f32 v21, v20;
	v5 =	vor.u32 s6, v2;
	v12 =	vld.idx.msk [tilespmem:v12+s24+$0x0], $0xffff  }
0x1be: {  	v17 =	vor.u32 s30, v2;
	s29 =	sadd.s32 $0x4, s29;
	v7 =	vld.idx.msk [tilespmem:v15+s26+$0x0], $0xffff  }
0x1bf: {  	_ =	sdelay $0x3  }
0x1c0: {  	v8 =	vld.idx.msk [tilespmem:v8+s26+$0x0], $0xffff  }
0x1c1: {  	v15 =	vld.idx.msk [tilespmem:v15+s22+$0x0], $0xffff;
	v20 =	vor.u32 s30, v1  }
0x1c2: {  	v47 =	vld.idx.msk [tilespmem:v18+s24+$0x0], $0xffff  }
0x1c3: {  	v14 =	vadd.f32 v16, v14;
	v9 =	vsub.f32 v19, v9;
	s5 =	sadd.s32 $0x3, s5;
	v48 =	vor.u32 s6, v1;
	v49 =	vld.idx.msk [tilespmem:v5+s26+$0x0], $0xffff  }
0x1c4: {  	v50 =	vld.idx.msk [tilespmem:v17+s26+$0x0], $0xffff;
	v2 =	vor.u32 s5, v2;
	v10 =	vadd.f32 v13, v10  }
0x1c5: {  	v51 =	vld.idx.msk [tilespmem:v17+s22+$0x0], $0xffff;
	v1 =	vor.u32 s5, v1;
	v3 =	vsub.f32 v14, v3;
	v9 =	vand.u32 $0x7FFFFFFF, v9  }
0x1c6: {  	v9 =	vadd.f32 v9, v11;
	v52 =	vld.idx.msk [tilespmem:v20+s24+$0x0], $0xffff  }
0x1c7: {  	v53 =	vld.idx.msk [tilespmem:v5+s22+$0x0], $0xffff;
	v4 =	vsub.f32 v10, v4;
	v6 =	vadd.f32 v12, v6;
	v3 =	vand.u32 $0x7FFFFFFF, v3  }
0x1c8: {  	v3 =	vadd.f32 v3, v9;
	v54 =	vld.idx.msk [tilespmem:v48+s24+$0x0], $0xffff  }
0x1c9: {  	v4 =	vand.u32 $0x7FFFFFFF, v4;
	v6 =	vsub.f32 v6, v8;
	v56 =	vadd.f32 v47, v15;
	v55 =	vld.idx.msk [tilespmem:v2+s22+$0x0], $0xffff  }
0x1ca: {  	v1 =	vld.idx.msk [tilespmem:v1+s24+$0x0], $0xffff;
	v3 =	vadd.f32 v4, v3  }
0x1cb: {  	v57 =	vand.u32 $0x7FFFFFFF, v6;
	v58 =	vsub.f32 v56, v7;
	v59 =	vadd.f32 v52, v51  }
0x1cc: {  	v2 =	vld.idx.msk [tilespmem:v2+s26+$0x0], $0xffff;
	v3 =	vadd.f32 v57, v3  }
0x1cd: {  	v60 =	vand.u32 $0x7FFFFFFF, v58;
	v5 =	vadd.f32 v54, v53;
	v61 =	vsub.f32 v59, v50  }
0x1ce: {  	v3 =	vadd.f32 v60, v3  }
0x1cf: {  	v1 =	vadd.f32 v1, v55;
	v5 =	vsub.f32 v5, v49;
	v62 =	vand.u32 $0x7FFFFFFF, v61  }
0x1d0: {  	s4 =	sadd.s32 $0x1, s4;
	v3 =	vadd.f32 v62, v3  }
0x1d1: {  	p0 =	sne.s32 s4, $0x8;
	v1 =	vsub.f32 v1, v2;
	v63 =	vand.u32 $0x7FFFFFFF, v5  }
.Ltmp11:
0x1d2: {  	v2 =	vadd.f32 v63, v3;
	(pc) =	sbr.rel @p0 .LBB2_22-.Ltmp11, $3  }
0x1d3: {  	v1 =	vand.u32 $0x7FFFFFFF, v1  }
0x1d4: {  	v1 =	vadd.f32 v1, v2;
	_ =	sdelay $0x1  }
0x1d5: {  	[tilespmem:s28+$0x18880] =	vst v1  }
0x1d6: {  	_ =	swait.ge [sflag:s21], $0x4000  }
0x1d7: {  	[sflag:s21] =	ssyncset.done $0x0  }
0x1d8: {  	[sflag:s21] =	ssyncadd.s32 $0xFFFFC000  }
0x1d9: {  	_ =	swait.ge [sflag:s21], $0x4000  }
0x1da: {  	[sflag:s21] =	ssyncset.done $0x0  }
0x1db: {  	[sflag:s21] =	ssyncadd.s32 $0xFFFFC000  }
0x1dc: {  	_ =	swait.ge [sflag:s21], $0x4000  }
0x1dd: {  	[sflag:s21] =	ssyncset.done $0x0  }
0x1de: {  	[sflag:s21] =	ssyncadd.s32 $0xFFFFC000  }
0x1df: {  	[tilespmem:s22], [sflag:$0x1] =	stream.indirect.gather [hbm4b:s3+s17], $0x80, s31, s17, $0xb8;
	[tilespmem:$0x18C00] =	vst v63  }
0x1e0: {  	_ = 	snop  }
0x1e1: {  	[tilespmem:s24], [sflag:$0x1] =	stream.indirect.gather [hbm4b:s3+s17], $0x80, s0, s17, $0xb8;
	[tilespmem:$0x18C00] =	vst v63  }
0x1e2: {  	s25 =	simm.s32 $0x0;
	s4 =	simm.s32 $0x0  }
0x1e3: {  	[tilespmem:s26], [sflag:$0x1] =	stream.indirect.gather [hbm4b:s3+s17], $0x80, s1, s17, $0xb8;
	[tilespmem:$0x18C00] =	vst v63  }
.LBB2_26:
0x1e4: {  	s28 =	sshll.u32 s4, $0x4  }
0x1e5: {  	v1 =	vmov s28  }
0x1e6: {  	v1 =	vshll.u32 v1, $0x7  }
0x1e7: {  	v2 =	vor.u32 v0, v1  }
0x1e8: {  	v3 =	vor.u32 s25, v2  }
0x1e9: {  	s6 =	simm.s32 $0x1  }
0x1ea: {  	v6 =	vor.u32 s6, v2  }
0x1eb: {  	v1 =	vor.u32 $0x40, v2  }
0x1ec: {  	s5 =	simm.s32 $0x2;
	v4 =	vor.u32 s25, v1  }
0x1ed: {  	v5 =	vor.u32 s5, v2;
	v9 =	vld.idx.msk [tilespmem:v3+s20+$0x0], $0xffff  }
0x1ee: {  	v10 =	vor.u32 s6, v1;
	v7 =	vld.idx.msk [tilespmem:v3+s18+$0x0], $0xffff  }
0x1ef: {  	v3 =	vld.idx.msk [tilespmem:v6+s20+$0x0], $0xffff  }
0x1f0: {  	s6 =	simm.s32 $0x3;
	v11 =	vor.u32 s5, v1;
	v14 =	vld.idx.msk [tilespmem:v6+s18+$0x0], $0xffff  }
0x1f1: {  	v8 =	vor.u32 s6, v2;
	v17 =	vld.idx.msk [tilespmem:v4+s19+$0x0], $0xffff  }
0x1f2: {  	s5 =	simm.s32 $0x4;
	v12 =	vor.u32 s6, v1;
	v4 =	vld.idx.msk [tilespmem:v5+s20+$0x0], $0xffff  }
0x1f3: {  	v15 =	vor.u32 s5, v2;
	v16 =	vld.idx.msk [tilespmem:v10+s19+$0x0], $0xffff  }
0x1f4: {  	v10 =	vld.idx.msk [tilespmem:v5+s18+$0x0], $0xffff  }
0x1f5: {  	v13 =	vld.idx.msk [tilespmem:v11+s19+$0x0], $0xffff  }
0x1f6: {  	v18 =	vor.u32 s5, v1;
	s6 =	simm.s32 $0x6;
	v6 =	vld.idx.msk [tilespmem:v8+s18+$0x0], $0xffff  }
0x1f7: {  	s30 =	simm.s32 $0x5;
	v5 =	vor.u32 s6, v2;
	v12 =	vld.idx.msk [tilespmem:v12+s19+$0x0], $0xffff;
	v19 =	vadd.f32 v17, v7  }
0x1f8: {  	s29 =	simm.s32 $0x8;
	v11 =	vimm.f32 $0.0e+00;
	v7 =	vld.idx.msk [tilespmem:v15+s20+$0x0], $0xffff;
	v17 =	vor.u32 s30, v2  }
.LBB2_27:
0x1f9: {  	p0 =	sne.s32 s29, $0x3C;
	v9 =	vsub.f32 v19, v9;
	v14 =	vadd.f32 v16, v14;
	v19 =	vld.idx.msk [tilespmem:v8+s20+$0x0], $0xffff  }
0x1fa: {  	v16 =	vor.u32 s30, v1;
	v20 =	vld.idx.msk [tilespmem:v15+s18+$0x0], $0xffff  }
0x1fb: {  	s30 =	sadd.s32 $0x3, s5;
	s5 =	smov.u32 s29;
	v10 =	vadd.f32 v13, v10;
	v21 =	vld.idx.msk [tilespmem:v18+s19+$0x0], $0xffff;
	v9 =	vand.u32 $0x7FFFFFFF, v9;
	v14 =	vsub.f32 v14, v3  }
0x1fc: {  	v13 =	vor.u32 s6, v1;
	v8 =	vor.u32 s30, v2;
	v22 =	vld.idx.msk [tilespmem:v5+s20+$0x0], $0xffff;
	v15 =	vadd.f32 v9, v11  }
0x1fd: {  	v4 =	vsub.f32 v10, v4;
	v6 =	vadd.f32 v12, v6;
	v3 =	vld.idx.msk [tilespmem:v17+s20+$0x0], $0xffff;
	v11 =	vand.u32 $0x7FFFFFFF, v14  }
0x1fe: {  	v12 =	vor.u32 s30, v1;
	v14 =	vld.idx.msk [tilespmem:v17+s18+$0x0], $0xffff;
	v11 =	vadd.f32 v11, v15;
	v9 =	vmov v7  }
0x1ff: {  	v15 =	vor.u32 s29, v2;
	v4 =	vand.u32 $0x7FFFFFFF, v4;
	v6 =	vsub.f32 v6, v19;
	v16 =	vld.idx.msk [tilespmem:v16+s19+$0x0], $0xffff  }
.Ltmp12:
0x200: {  	v10 =	vld.idx.msk [tilespmem:v5+s18+$0x0], $0xffff;
	v7 =	vadd.f32 v4, v11;
	(pc) =	sbr.rel @p0 .LBB2_27-.Ltmp12, $4  }
0x201: {  	v5 =	vand.u32 $0x7FFFFFFF, v6;
	v13 =	vld.idx.msk [tilespmem:v13+s19+$0x0], $0xffff  }
0x202: {  	s6 =	sadd.s32 $0x2, s29;
	v18 =	vor.u32 s29, v1;
	v4 =	vmov v22;
	v6 =	vld.idx.msk [tilespmem:v8+s18+$0x0], $0xffff;
	v11 =	vadd.f32 v5, v7  }
0x203: {  	s30 =	sadd.s32 $0x1, s29;
	v19 =	vadd.f32 v21, v20;
	v5 =	vor.u32 s6, v2;
	v12 =	vld.idx.msk [tilespmem:v12+s19+$0x0], $0xffff  }
0x204: {  	v17 =	vor.u32 s30, v2;
	s29 =	sadd.s32 $0x4, s29;
	v7 =	vld.idx.msk [tilespmem:v15+s20+$0x0], $0xffff  }
0x205: {  	_ =	sdelay $0x3  }
0x206: {  	v8 =	vld.idx.msk [tilespmem:v8+s20+$0x0], $0xffff  }
0x207: {  	v15 =	vld.idx.msk [tilespmem:v15+s18+$0x0], $0xffff;
	v20 =	vor.u32 s30, v1  }
0x208: {  	v47 =	vld.idx.msk [tilespmem:v18+s19+$0x0], $0xffff  }
0x209: {  	v14 =	vadd.f32 v16, v14;
	v9 =	vsub.f32 v19, v9;
	s5 =	sadd.s32 $0x3, s5;
	v48 =	vor.u32 s6, v1;
	v49 =	vld.idx.msk [tilespmem:v5+s20+$0x0], $0xffff  }
0x20a: {  	v50 =	vld.idx.msk [tilespmem:v17+s20+$0x0], $0xffff;
	v2 =	vor.u32 s5, v2;
	v10 =	vadd.f32 v13, v10  }
0x20b: {  	v51 =	vld.idx.msk [tilespmem:v17+s18+$0x0], $0xffff;
	v1 =	vor.u32 s5, v1;
	v3 =	vsub.f32 v14, v3;
	v9 =	vand.u32 $0x7FFFFFFF, v9  }
0x20c: {  	v9 =	vadd.f32 v9, v11;
	v52 =	vld.idx.msk [tilespmem:v20+s19+$0x0], $0xffff  }
0x20d: {  	v53 =	vld.idx.msk [tilespmem:v5+s18+$0x0], $0xffff;
	v4 =	vsub.f32 v10, v4;
	v6 =	vadd.f32 v12, v6;
	v3 =	vand.u32 $0x7FFFFFFF, v3  }
0x20e: {  	v3 =	vadd.f32 v3, v9;
	v54 =	vld.idx.msk [tilespmem:v48+s19+$0x0], $0xffff  }
0x20f: {  	v4 =	vand.u32 $0x7FFFFFFF, v4;
	v6 =	vsub.f32 v6, v8;
	v56 =	vadd.f32 v47, v15;
	v55 =	vld.idx.msk [tilespmem:v2+s18+$0x0], $0xffff  }
0x210: {  	v1 =	vld.idx.msk [tilespmem:v1+s19+$0x0], $0xffff;
	v3 =	vadd.f32 v4, v3  }
0x211: {  	v57 =	vand.u32 $0x7FFFFFFF, v6;
	v58 =	vsub.f32 v56, v7;
	v59 =	vadd.f32 v52, v51  }
0x212: {  	v2 =	vld.idx.msk [tilespmem:v2+s20+$0x0], $0xffff;
	v3 =	vadd.f32 v57, v3  }
0x213: {  	v60 =	vand.u32 $0x7FFFFFFF, v58;
	v5 =	vadd.f32 v54, v53;
	v61 =	vsub.f32 v59, v50  }
0x214: {  	v3 =	vadd.f32 v60, v3  }
0x215: {  	v1 =	vadd.f32 v1, v55;
	v5 =	vsub.f32 v5, v49;
	v62 =	vand.u32 $0x7FFFFFFF, v61  }
0x216: {  	s4 =	sadd.s32 $0x1, s4;
	v3 =	vadd.f32 v62, v3  }
0x217: {  	p0 =	sne.s32 s4, $0x8;
	v1 =	vsub.f32 v1, v2;
	v63 =	vand.u32 $0x7FFFFFFF, v5  }
.Ltmp13:
0x218: {  	v2 =	vadd.f32 v63, v3;
	(pc) =	sbr.rel @p0 .LBB2_26-.Ltmp13, $3  }
0x219: {  	v1 =	vand.u32 $0x7FFFFFFF, v1  }
0x21a: {  	v1 =	vadd.f32 v1, v2;
	_ =	sdelay $0x1  }
0x21b: {  	[tilespmem:s28+$0x18900] =	vst v1  }
0x21c: {  	_ =	swait.ge [sflag:s21], $0x4000  }
0x21d: {  	[sflag:s21] =	ssyncset.done $0x0  }
0x21e: {  	[sflag:s21] =	ssyncadd.s32 $0xFFFFC000  }
0x21f: {  	_ =	swait.ge [sflag:s21], $0x4000  }
0x220: {  	[sflag:s21] =	ssyncset.done $0x0  }
0x221: {  	[sflag:s21] =	ssyncadd.s32 $0xFFFFC000  }
0x222: {  	_ =	swait.ge [sflag:s21], $0x4000  }
0x223: {  	[sflag:s21] =	ssyncset.done $0x0  }
0x224: {  	s25 =	simm.s32 $0x0;
	s4 =	simm.s32 $0x0;
	[sflag:s21] =	ssyncadd.s32 $0xFFFFC000  }
.LBB2_30:
0x225: {  	s28 =	sshll.u32 s4, $0x4  }
0x226: {  	v1 =	vmov s28  }
0x227: {  	v1 =	vshll.u32 v1, $0x7  }
0x228: {  	v2 =	vor.u32 v0, v1  }
0x229: {  	v3 =	vor.u32 s25, v2  }
0x22a: {  	s6 =	simm.s32 $0x1  }
0x22b: {  	v6 =	vor.u32 s6, v2  }
0x22c: {  	v1 =	vor.u32 $0x40, v2  }
0x22d: {  	s5 =	simm.s32 $0x2;
	v4 =	vor.u32 s25, v1  }
0x22e: {  	v5 =	vor.u32 s5, v2;
	v9 =	vld.idx.msk [tilespmem:v3+s26+$0x0], $0xffff  }
0x22f: {  	v10 =	vor.u32 s6, v1;
	v7 =	vld.idx.msk [tilespmem:v3+s22+$0x0], $0xffff  }
0x230: {  	v3 =	vld.idx.msk [tilespmem:v6+s26+$0x0], $0xffff  }
0x231: {  	s6 =	simm.s32 $0x3;
	v11 =	vor.u32 s5, v1;
	v14 =	vld.idx.msk [tilespmem:v6+s22+$0x0], $0xffff  }
0x232: {  	v8 =	vor.u32 s6, v2;
	v17 =	vld.idx.msk [tilespmem:v4+s24+$0x0], $0xffff  }
0x233: {  	s5 =	simm.s32 $0x4;
	v12 =	vor.u32 s6, v1;
	v4 =	vld.idx.msk [tilespmem:v5+s26+$0x0], $0xffff  }
0x234: {  	v15 =	vor.u32 s5, v2;
	v16 =	vld.idx.msk [tilespmem:v10+s24+$0x0], $0xffff  }
0x235: {  	v10 =	vld.idx.msk [tilespmem:v5+s22+$0x0], $0xffff  }
0x236: {  	v13 =	vld.idx.msk [tilespmem:v11+s24+$0x0], $0xffff  }
0x237: {  	v18 =	vor.u32 s5, v1;
	s6 =	simm.s32 $0x6;
	v6 =	vld.idx.msk [tilespmem:v8+s22+$0x0], $0xffff  }
0x238: {  	s30 =	simm.s32 $0x5;
	v5 =	vor.u32 s6, v2;
	v12 =	vld.idx.msk [tilespmem:v12+s24+$0x0], $0xffff;
	v19 =	vadd.f32 v17, v7  }
0x239: {  	s29 =	simm.s32 $0x8;
	v11 =	vimm.f32 $0.0e+00;
	v7 =	vld.idx.msk [tilespmem:v15+s26+$0x0], $0xffff;
	v17 =	vor.u32 s30, v2  }
.LBB2_31:
0x23a: {  	p0 =	sne.s32 s29, $0x3C;
	v9 =	vsub.f32 v19, v9;
	v14 =	vadd.f32 v16, v14;
	v19 =	vld.idx.msk [tilespmem:v8+s26+$0x0], $0xffff  }
0x23b: {  	v16 =	vor.u32 s30, v1;
	v20 =	vld.idx.msk [tilespmem:v15+s22+$0x0], $0xffff  }
0x23c: {  	s30 =	sadd.s32 $0x3, s5;
	s5 =	smov.u32 s29;
	v10 =	vadd.f32 v13, v10;
	v21 =	vld.idx.msk [tilespmem:v18+s24+$0x0], $0xffff;
	v9 =	vand.u32 $0x7FFFFFFF, v9;
	v14 =	vsub.f32 v14, v3  }
0x23d: {  	v13 =	vor.u32 s6, v1;
	v8 =	vor.u32 s30, v2;
	v22 =	vld.idx.msk [tilespmem:v5+s26+$0x0], $0xffff;
	v15 =	vadd.f32 v9, v11  }
0x23e: {  	v4 =	vsub.f32 v10, v4;
	v6 =	vadd.f32 v12, v6;
	v3 =	vld.idx.msk [tilespmem:v17+s26+$0x0], $0xffff;
	v11 =	vand.u32 $0x7FFFFFFF, v14  }
0x23f: {  	v12 =	vor.u32 s30, v1;
	v14 =	vld.idx.msk [tilespmem:v17+s22+$0x0], $0xffff;
	v11 =	vadd.f32 v11, v15;
	v9 =	vmov v7  }
0x240: {  	v15 =	vor.u32 s29, v2;
	v4 =	vand.u32 $0x7FFFFFFF, v4;
	v6 =	vsub.f32 v6, v19;
	v16 =	vld.idx.msk [tilespmem:v16+s24+$0x0], $0xffff  }
.Ltmp14:
0x241: {  	v10 =	vld.idx.msk [tilespmem:v5+s22+$0x0], $0xffff;
	v7 =	vadd.f32 v4, v11;
	(pc) =	sbr.rel @p0 .LBB2_31-.Ltmp14, $4  }
0x242: {  	v5 =	vand.u32 $0x7FFFFFFF, v6;
	v13 =	vld.idx.msk [tilespmem:v13+s24+$0x0], $0xffff  }
0x243: {  	s6 =	sadd.s32 $0x2, s29;
	v18 =	vor.u32 s29, v1;
	v4 =	vmov v22;
	v6 =	vld.idx.msk [tilespmem:v8+s22+$0x0], $0xffff;
	v11 =	vadd.f32 v5, v7  }
0x244: {  	s30 =	sadd.s32 $0x1, s29;
	v19 =	vadd.f32 v21, v20;
	v5 =	vor.u32 s6, v2;
	v12 =	vld.idx.msk [tilespmem:v12+s24+$0x0], $0xffff  }
0x245: {  	v17 =	vor.u32 s30, v2;
	s29 =	sadd.s32 $0x4, s29;
	v7 =	vld.idx.msk [tilespmem:v15+s26+$0x0], $0xffff  }
0x246: {  	_ =	sdelay $0x3  }
0x247: {  	v8 =	vld.idx.msk [tilespmem:v8+s26+$0x0], $0xffff  }
0x248: {  	v15 =	vld.idx.msk [tilespmem:v15+s22+$0x0], $0xffff;
	v20 =	vor.u32 s30, v1  }
0x249: {  	v47 =	vld.idx.msk [tilespmem:v18+s24+$0x0], $0xffff  }
0x24a: {  	v14 =	vadd.f32 v16, v14;
	v9 =	vsub.f32 v19, v9;
	s5 =	sadd.s32 $0x3, s5;
	v48 =	vor.u32 s6, v1;
	v49 =	vld.idx.msk [tilespmem:v5+s26+$0x0], $0xffff  }
0x24b: {  	v50 =	vld.idx.msk [tilespmem:v17+s26+$0x0], $0xffff;
	v2 =	vor.u32 s5, v2;
	v10 =	vadd.f32 v13, v10  }
0x24c: {  	v51 =	vld.idx.msk [tilespmem:v17+s22+$0x0], $0xffff;
	v1 =	vor.u32 s5, v1;
	v3 =	vsub.f32 v14, v3;
	v9 =	vand.u32 $0x7FFFFFFF, v9  }
0x24d: {  	v9 =	vadd.f32 v9, v11;
	v52 =	vld.idx.msk [tilespmem:v20+s24+$0x0], $0xffff  }
0x24e: {  	v53 =	vld.idx.msk [tilespmem:v5+s22+$0x0], $0xffff;
	v4 =	vsub.f32 v10, v4;
	v6 =	vadd.f32 v12, v6;
	v3 =	vand.u32 $0x7FFFFFFF, v3  }
0x24f: {  	v3 =	vadd.f32 v3, v9;
	v54 =	vld.idx.msk [tilespmem:v48+s24+$0x0], $0xffff  }
0x250: {  	v4 =	vand.u32 $0x7FFFFFFF, v4;
	v6 =	vsub.f32 v6, v8;
	v56 =	vadd.f32 v47, v15;
	v55 =	vld.idx.msk [tilespmem:v2+s22+$0x0], $0xffff  }
0x251: {  	v1 =	vld.idx.msk [tilespmem:v1+s24+$0x0], $0xffff;
	v3 =	vadd.f32 v4, v3  }
0x252: {  	v57 =	vand.u32 $0x7FFFFFFF, v6;
	v58 =	vsub.f32 v56, v7;
	v59 =	vadd.f32 v52, v51  }
0x253: {  	v2 =	vld.idx.msk [tilespmem:v2+s26+$0x0], $0xffff;
	v3 =	vadd.f32 v57, v3  }
0x254: {  	v60 =	vand.u32 $0x7FFFFFFF, v58;
	v5 =	vadd.f32 v54, v53;
	v61 =	vsub.f32 v59, v50  }
0x255: {  	v3 =	vadd.f32 v60, v3  }
0x256: {  	v1 =	vadd.f32 v1, v55;
	v5 =	vsub.f32 v5, v49;
	v62 =	vand.u32 $0x7FFFFFFF, v61  }
0x257: {  	s4 =	sadd.s32 $0x1, s4;
	v3 =	vadd.f32 v62, v3  }
0x258: {  	p0 =	sne.s32 s4, $0x8;
	v1 =	vsub.f32 v1, v2;
	v63 =	vand.u32 $0x7FFFFFFF, v5  }
.Ltmp15:
0x259: {  	v2 =	vadd.f32 v63, v3;
	(pc) =	sbr.rel @p0 .LBB2_30-.Ltmp15, $3  }
0x25a: {  	v1 =	vand.u32 $0x7FFFFFFF, v1  }
0x25b: {  	v1 =	vadd.f32 v1, v2;
	_ =	sdelay $0x1  }
0x25c: {  	[tilespmem:s28+$0x18980] =	vst v1  }
0x25d: {  	s4 =	simm.s32 $0x0  }
0x25e: {  	v1 =	vld [tilespmem:s4+$0x18600]  }
0x25f: {  	v2 =	vld [tilespmem:s4+$0x18800];
	_ =	sdelay $0x4  }
0x260: {  	s5 =	simm.s32 $0x10;
	v1 =	vsub.f32 v1, v2  }
0x261: {  	v2 =	vld [tilespmem:s5+$0x18800]  }
0x262: {  	v3 =	vadd.f32 $1.000000000e+00, v1;
	v1 =	vld [tilespmem:s5+$0x18600];
	_ =	sdelay $0x2  }
0x263: {  	s6 =	simm.s32 $0x80;
	v3 =	vmax.f32 v3, $0.0e+00  }
.LBB2_34:
0x264: {  	[tilespmem:s4+$0x18A00] =	vst v3;
	s4 =	smov.u32 s5;
	s5 =	sshra.s32 s6, $0x2;
	p0 =	sne.s32 s6, $0x7C0  }
.Ltmp16:
0x265: {  	s6 =	sadd.s32 $0x40, s6;
	v3 =	vsub.f32 v1, v2;
	v1 =	vld [tilespmem:s5+$0x18600];
	(pc) =	sbr.rel @p0 .LBB2_34-.Ltmp16, $3  }
0x266: {  	v2 =	vld [tilespmem:s5+$0x18800]  }
0x267: {  	v3 =	vadd.f32 $1.000000000e+00, v3;
	_ =	sdelay $0x1  }
0x268: {  	v3 =	vmax.f32 v3, $0.0e+00  }
0x269: {  	_ = 	snop  }
0x26a: {  	v1 =	vsub.f32 v1, v2;
	_ =	sdelay $0x1  }
0x26b: {  	v1 =	vadd.f32 $1.000000000e+00, v1;
	_ =	sdelay $0x1  }
0x26c: {  	[tilespmem:s4+$0x18A00] =	vst v3;
	v1 =	vmax.f32 v1, $0.0e+00  }
0x26d: {  	s28 =	simm.s32 $0x18A00;
	[tilespmem:s5+$0x18A00] =	vst v1  }
0x26e: {  	[hbm4b:s10+s2] =	stream.linear.scatter [tilespmem:s28], [sflag:$0x2], $0x200, $0x38;
	[tilespmem:$0x18C00] =	vst v63  }
0x26f: {  	_ =	swait.ge [sflag:s14], $0x200  }
0x270: {  	[sflag:s14] =	ssyncset.done $0x0  }
0x271: {  	s29 =	simm.s32 $0x18600;
	[sflag:s14] =	ssyncadd.s32 $0xFFFFFE00  }
0x272: {  	[hbm4b:s11+s2] =	stream.linear.scatter [tilespmem:s29], [sflag:$0x2], $0x200, $0x38;
	[tilespmem:$0x18C00] =	vst v63  }
0x273: {  	s23 =	sadd.s32 $0x1, s23;
	_ =	swait.ge [sflag:s14], $0x200  }
0x274: {  	p0 =	sne.s32 s23, s13;
	[sflag:s14] =	ssyncset.done $0x0  }
.Ltmp17:
0x275: {  	s30 =	simm.s32 $0x18800;
	[sflag:s14] =	ssyncadd.s32 $0xFFFFFE00;
	(pc) =	sbr.rel @p0 .LBB2_1-.Ltmp17, $4  }
0x276: {  	[hbm4b:s12+s2] =	stream.linear.scatter [tilespmem:s30], [sflag:$0x2], $0x200, $0x38;
	[tilespmem:$0x18C00] =	vst v63  }
0x277: {  	_ =	swait.ge [sflag:s14], $0x200  }
0x278: {  	[sflag:s14] =	ssyncset.done $0x0  }
0x279: {  	[sflag:s14] =	ssyncadd.s32 $0xFFFFFE00  }
0x27a: {  	_ =	sfence.sel $0x180000  }
0x27b: {  	[bflag:$0x0] =	sbarrier.arrive $0xFFFF  }
0x27c: {  	_ =	strace $0x90000047  }
0x27d: {  	s0 =	stileid.u32;
	[bflag:$0x2] =	sbarrier.arrive $0xFFFF  }
0x27e: {  	p0 =	sne.s32 s0, $0x0;
	s0 =	rddreg [dreg:$0x4]  }
0x27f: {  	s0 =	sadd.s32 @!p0 $0x100000, s0  }
0x280: {  	[sflag:s0] =	ssyncadd.tile.s32 @!p0 $0x1;
	_ =	shalt  }
.Lfunc_end2:
_tile_overlayer_lowered:
.L_overlay_start_2:
0x281: {  	(tag) =	ssettag $0x2  }
0x282: {  	s0 =	rddreg [dreg:$0x0];
	s2 =	stileid.u32  }
0x283: {  	s1 =	rddreg [dreg:$0x1];
	p0 =	sne.s32 s2, $0x0  }
0x284: {  	s3 =	rddreg [dreg:$0x2];
	[bflag:$0x3] =	sbarrier.arrive $0xFFFF;
	s2 =	simm.s32 @!p0 $0x1C02  }
0x285: {  	[timem:s3], [sflag:s2] =	dma.local @!p0 [hbm:s0], s1  }
0x286: {  	s0 =	simm.s32 @!p0 $0x2  }
0x287: {  	_ =	swait.ge @!p0 [sflag:s0], s1  }
0x288: {  	s1 =	ssub.s32 @!p0 $0x0, s1;
	[sflag:s0] =	ssyncset.done @!p0 $0x0  }
0x289: {  	[sflag:s0] =	ssyncadd.s32 @!p0 s1  }
0x28a: {  	[bflag:$0x3] =	sbarrier.arrive $0xFFFF  }
0x28b: {  	_ =	shalt  }

</sc_bundles>
